<compile_context>
chip_gen: v7x
topology: tpu7x:2x2x1
jax: 0.10.2.dev20260603
libtpu: 0.0.44.dev20260713+nightly
codegen_flags: <defaults>
</compile_context>

<pallas_src>
import functools

import jax
import jax.numpy as jnp
from jax import lax
from jax.experimental import pallas as pl
from jax.experimental.pallas import tpu as pltpu, tpu_sc as plsc

N = 10000
E = 320000
D = 128
G = 128

NC = 2
NS = 16
NW = NC * NS
EPW = E // NW
K = 80
CH = EPW // K
RPT = 624
REM = N - RPT * NS
ZR = 39
NBUF = 3
NT = CH // NBUF
TAIL = CH - NBUF * NT

BN = 1000
NB = N // BN


def _sc_segment_partials(x, edge_flat):
    mesh = plsc.VectorSubcoreMesh(core_axis_name="c", subcore_axis_name="s")
    TK = NBUF * K

    @functools.partial(
        pl.kernel,
        out_type=jax.ShapeDtypeStruct((NC, N, D), jnp.float32),
        mesh=mesh,
        scratch_types=[
            pltpu.VMEM((TK,), jnp.int32),
            pltpu.VMEM((TK,), jnp.int32),
            pltpu.VMEM((TK,), jnp.int32),
            pltpu.VMEM((TK,), jnp.int32),
            [pltpu.VMEM((K,), jnp.int32) for _ in range(NBUF)],
            [pltpu.VMEM((K, D), jnp.float32) for _ in range(NBUF)],
            pltpu.VMEM((ZR, D), jnp.float32),
            pltpu.VMEM_SHARED((N, D), jnp.float32),
            [pltpu.SemaphoreType.DMA for _ in range(NBUF)],
            [pltpu.SemaphoreType.DMA for _ in range(NBUF)],
            pltpu.SemaphoreType.DMA,
            pltpu.SemaphoreType.DMA,
        ],
    )
    def seg(x_hbm, e_hbm, out_hbm, ebufS, ebufD, ebufS2, ebufD2, sibuf, rows,
            zbuf, acc, sg, ss, siS, siD):
        cid = lax.axis_index("c")
        sid = lax.axis_index("s")
        wid = sid * NC + cid

        zv = jnp.zeros((16,), jnp.float32)

        def zero_row(i, carry):
            for j in range(D // 16):
                zbuf[i, pl.ds(j * 16, 16)] = zv
            return carry

        lax.fori_loop(0, ZR, zero_row, 0)

        base = wid * EPW

        zdescs = [
            pltpu.async_copy(zbuf, acc.at[pl.ds(sid * RPT + t * ZR, ZR)], sg[0])
            for t in range(RPT // ZR)
        ]
        pltpu.sync_copy(e_hbm.at[pl.ds(base, TK)], ebufS)
        pltpu.sync_copy(e_hbm.at[pl.ds(E + base, TK)], ebufD)
        for zd in zdescs:
            zd.wait()

        @pl.when(sid == NS - 1)
        def _():
            pltpu.sync_copy(zbuf.at[pl.ds(0, REM)],
                            acc.at[pl.ds(RPT * NS, REM)])

        plsc.subcore_barrier()


        def body(i, carry):
            noff = base + TK * jnp.minimum(i + 1, NT - 1)
            pfS = pltpu.async_copy(e_hbm.at[pl.ds(noff, TK)], ebufS2, siS)
            pfD = pltpu.async_copy(e_hbm.at[pl.ds(E + noff, TK)], ebufD2, siD)

            gd = []
            for j in range(NBUF):
                @pl.when(i != 0)
                def _(j=j):
                    pltpu.make_async_copy(rows[j], acc.at[sibuf[j]],
                                          ss[j]).wait()
                for v in range(K // 16):
                    sibuf[j][pl.ds(16 * v, 16)] = \
                        ebufD[pl.ds(j * K + 16 * v, 16)]
                gd.append(pltpu.async_copy(
                    x_hbm.at[ebufS.at[pl.ds(j * K, K)]], rows[j], sg[j]))
            for j in range(NBUF):
                gd[j].wait()
                pltpu.async_copy(rows[j], acc.at[sibuf[j]], ss[j], add=True)
            pfS.wait()
            pfD.wait()
            for v in range(TK // 16):
                ebufS[pl.ds(16 * v, 16)] = ebufS2[pl.ds(16 * v, 16)]
                ebufD[pl.ds(16 * v, 16)] = ebufD2[pl.ds(16 * v, 16)]
            return carry

        lax.fori_loop(0, NT, body, 0)
        for j in range(NBUF):
            pltpu.make_async_copy(rows[j], acc.at[sibuf[j]], ss[j]).wait()

        for t in range(TAIL):
            coff = base + (CH - TAIL + t) * K
            pltpu.sync_copy(e_hbm.at[pl.ds(coff, K)],
                            ebufS.at[pl.ds(0, K)])
            pltpu.sync_copy(e_hbm.at[pl.ds(E + coff, K)], sibuf[0])
            pltpu.async_copy(x_hbm.at[ebufS.at[pl.ds(0, K)]],
                             rows[0], sg[0]).wait()
            pltpu.sync_copy(rows[0], acc.at[sibuf[0]], add=True)
        plsc.subcore_barrier()

        pltpu.sync_copy(acc.at[pl.ds(sid * RPT, RPT)],
                        out_hbm.at[cid, pl.ds(sid * RPT, RPT)])

        @pl.when(sid == NS - 1)
        def _():
            pltpu.sync_copy(acc.at[pl.ds(RPT * NS, REM)],
                            out_hbm.at[cid, pl.ds(RPT * NS, REM)])

    return seg(x, edge_flat)


def _tc_layer(x, p, W, b):
    def body(x_ref, p0_ref, p1_ref, w_ref, b_ref, o_ref):
        s = x_ref[...] + p0_ref[0] + p1_ref[0]
        y = lax.dot(s, w_ref[...], preferred_element_type=jnp.float32)
        o_ref[...] = jnp.maximum(y + b_ref[...], 0.0)

    return pl.pallas_call(
        body,
        grid=(NB,),
        in_specs=[
            pl.BlockSpec((BN, D), lambda i: (i, 0)),
            pl.BlockSpec((1, BN, D), lambda i: (0, i, 0)),
            pl.BlockSpec((1, BN, D), lambda i: (1, i, 0)),
            pl.BlockSpec((D, D), lambda i: (0, 0)),
            pl.BlockSpec((1, D), lambda i: (0, 0)),
        ],
        out_specs=pl.BlockSpec((BN, D), lambda i: (i, 0)),
        out_shape=jax.ShapeDtypeStruct((N, D), jnp.float32),
    )(x, p, p, W, b)


def _tc_layer2_pool_proj(h, q, W2, b2, batch3, P1, pb1, P2, pb2):
    def body(h_ref, q0_ref, q1_ref, w_ref, b_ref, bat_ref,
             p1_ref, pb1_ref, p2_ref, pb2_ref, z_ref, acc, cnt):
        i = pl.program_id(0)
        s = h_ref[...] + q0_ref[0] + q1_ref[0]
        h2 = jnp.maximum(
            lax.dot(s, w_ref[...], preferred_element_type=jnp.float32)
            + b_ref[...], 0.0)
        bb = bat_ref[0, 0, :]
        gids = lax.broadcasted_iota(jnp.int32, (G, BN), 0)
        onehot_t = (gids == bb[None, :]).astype(jnp.float32)

        @pl.when(i == 0)
        def _():
            acc[...] = jnp.zeros_like(acc)
            cnt[...] = jnp.zeros_like(cnt)

        acc[...] += lax.dot(onehot_t, h2, preferred_element_type=jnp.float32)
        cnt[...] += lax.dot(onehot_t, jnp.ones((BN, D), jnp.float32),
                            preferred_element_type=jnp.float32)

        @pl.when(i == NB - 1)
        def _():
            pooled = acc[...] / jnp.maximum(cnt[...], 1.0)
            t = jnp.maximum(
                lax.dot(pooled, p1_ref[...], preferred_element_type=jnp.float32)
                + pb1_ref[...], 0.0)
            z_ref[...] = (lax.dot(t, p2_ref[...],
                                  preferred_element_type=jnp.float32)
                          + pb2_ref[...])

    return pl.pallas_call(
        body,
        grid=(NB,),
        in_specs=[
            pl.BlockSpec((BN, D), lambda i: (i, 0)),
            pl.BlockSpec((1, BN, D), lambda i: (0, i, 0)),
            pl.BlockSpec((1, BN, D), lambda i: (1, i, 0)),
            pl.BlockSpec((D, D), lambda i: (0, 0)),
            pl.BlockSpec((1, D), lambda i: (0, 0)),
            pl.BlockSpec((1, 1, BN), lambda i: (i, 0, 0)),
            pl.BlockSpec((D, D), lambda i: (0, 0)),
            pl.BlockSpec((1, D), lambda i: (0, 0)),
            pl.BlockSpec((D, D), lambda i: (0, 0)),
            pl.BlockSpec((1, D), lambda i: (0, 0)),
        ],
        out_specs=pl.BlockSpec((G, D), lambda i: (0, 0)),
        out_shape=jax.ShapeDtypeStruct((G, D), jnp.float32),
        scratch_shapes=[pltpu.VMEM((G, D), jnp.float32),
                        pltpu.VMEM((G, D), jnp.float32)],
    )(h, q, q, W2, b2, batch3, P1, pb1, P2, pb2)


def kernel(x, edge_index, batch, W1, b1, W2, b2, P1, pb1, P2, pb2):
    batch3 = batch.reshape(NB, 1, BN)
    b1r = b1.reshape(1, D)
    b2r = b2.reshape(1, D)
    pb1r = pb1.reshape(1, D)
    pb2r = pb2.reshape(1, D)

    edge_flat = edge_index.reshape(2 * E)
    p = _sc_segment_partials(x, edge_flat)
    h = _tc_layer(x, p, W1, b1r)
    q = _sc_segment_partials(h, edge_flat)
    z = _tc_layer2_pool_proj(h, q, W2, b2r, batch3, P1, pb1r, P2, pb2r)
    return z

# --- scband reference (transcript-rebuilt; emitter-appended) ---
"""Pipeline reference for scband-contrastive-learning-51668456570892 (READ-ONLY COPY).

The authoritative reference and input builder live on the scoring server;
editing this copy changes nothing except your own understanding.
"""

import jax, jax.numpy as jnp
import numpy as np

N = 10000   # nodes
E = 320000  # edges
D = 128     # feature dim
G = 128     # graphs in the batch


def setup_inputs(seed: int = 0) -> dict:
    key = jax.random.key(seed)
    ks = jax.random.split(key, 12)
    x = jax.random.normal(ks[0], (N, D), dtype=jnp.float32)
    edge_index = jax.random.randint(ks[1], (2, E), 0, N, dtype=jnp.int32)
    batch = jnp.sort(jax.random.randint(ks[2], (N,), 0, G, dtype=jnp.int32))
    s = 1.0 / np.sqrt(D)
    W1 = jax.random.normal(ks[3], (D, D), dtype=jnp.float32) * s
    b1 = jnp.zeros((D,), dtype=jnp.float32)
    W2 = jax.random.normal(ks[4], (D, D), dtype=jnp.float32) * s
    b2 = jnp.zeros((D,), dtype=jnp.float32)
    P1 = jax.random.normal(ks[5], (D, D), dtype=jnp.float32) * s
    pb1 = jnp.zeros((D,), dtype=jnp.float32)
    P2 = jax.random.normal(ks[6], (D, D), dtype=jnp.float32) * s
    pb2 = jnp.zeros((D,), dtype=jnp.float32)
    return {"x": x, "edge_index": edge_index, "batch": batch,
            "W1": W1, "b1": b1, "W2": W2, "b2": b2,
            "P1": P1, "pb1": pb1, "P2": P2, "pb2": pb2}


def reference(x, edge_index, batch, W1, b1, W2, b2, P1, pb1, P2, pb2):
    # forward_cl: GNN -> global_mean_pool -> projector
    src = edge_index[0]
    dst = edge_index[1]
    # GNN layer 1: gather neighbor features, scatter-add to dst, add self, linear + relu
    agg1 = jax.ops.segment_sum(x[src], dst, num_segments=N)
    h = jax.nn.relu((x + agg1) @ W1 + b1)
    # GNN layer 2
    agg2 = jax.ops.segment_sum(h[src], dst, num_segments=N)
    h2 = jax.nn.relu((h + agg2) @ W2 + b2)
    # global_mean_pool over graph assignment `batch`
    counts = jax.ops.segment_sum(jnp.ones((N, 1), dtype=jnp.float32), batch, num_segments=G)
    pooled = jax.ops.segment_sum(h2, batch, num_segments=G) / jnp.maximum(counts, 1.0)
    # projector MLP
    z = jax.nn.relu(pooled @ P1 + pb1) @ P2 + pb2
    return z

if __name__ == "__main__":
    import jax
    _d = setup_inputs()
    print(jax.jit(kernel)(*tuple(_d.values())))

</pallas_src>

<mosaic_0001>
#map = affine_map<(d0, d1) -> (0, 0)>
#map1 = affine_map<(d0, d1) -> (0)>
#map2 = affine_map<(d0, d1) -> (0, 0, 0)>
module attributes {stable_mosaic.version = 14 : i64} {
  func.func @seg(%arg0: i32, %arg1: i32, %arg2: memref<10000x128xf32, #tpu.memory_space<hbm>>, %arg3: memref<640000xi32, #tpu.memory_space<hbm>>, %arg4: memref<2x10000x128xf32, #tpu.memory_space<hbm>>, %arg5: memref<240xi32, #tpu.memory_space<vmem>>, %arg6: memref<240xi32, #tpu.memory_space<vmem>>, %arg7: memref<240xi32, #tpu.memory_space<vmem>>, %arg8: memref<240xi32, #tpu.memory_space<vmem>>, %arg9: memref<80xi32, #tpu.memory_space<vmem>>, %arg10: memref<80xi32, #tpu.memory_space<vmem>>, %arg11: memref<80xi32, #tpu.memory_space<vmem>>, %arg12: memref<80x128xf32, #tpu.memory_space<vmem>>, %arg13: memref<80x128xf32, #tpu.memory_space<vmem>>, %arg14: memref<80x128xf32, #tpu.memory_space<vmem>>, %arg15: memref<39x128xf32, #tpu.memory_space<vmem>>, %arg16: memref<10000x128xf32, #tpu.memory_space<vmem_shared>>, %arg17: memref<!tpu.dma_semaphore, #tpu.memory_space<semaphore_mem>>, %arg18: memref<!tpu.dma_semaphore, #tpu.memory_space<semaphore_mem>>, %arg19: memref<!tpu.dma_semaphore, #tpu.memory_space<semaphore_mem>>, %arg20: memref<!tpu.dma_semaphore, #tpu.memory_space<semaphore_mem>>, %arg21: memref<!tpu.dma_semaphore, #tpu.memory_space<semaphore_mem>>, %arg22: memref<!tpu.dma_semaphore, #tpu.memory_space<semaphore_mem>>, %arg23: memref<!tpu.dma_semaphore, #tpu.memory_space<semaphore_mem>>, %arg24: memref<!tpu.dma_semaphore, #tpu.memory_space<semaphore_mem>>) attributes {dimension_semantics = [#tpu.dimension_semantics<core_parallel>, #tpu.dimension_semantics<subcore_parallel>], iteration_bounds = array<i64: 2, 16>, scalar_prefetch = 0 : i64, scratch_operands = 20 : i64, tpu.core_type = #tpu.core_type<sc_vector_subcore>, window_params = [{transform_indices = #map}, {transform_indices = #map1}, {transform_indices = #map2}]} {
    %mul3A = arith.constant 2 : i32
    %mul3A_0 = arith.muli %arg1, %mul3A : i32
    %add3A = arith.addi %mul3A_0, %arg0 : i32
    %broadcast_in_dim3A = arith.constant 0.000000e+00 : f32
    %broadcast_in_dim3A_1 = vector.broadcast %broadcast_in_dim3A : f32 to vector<16xf32>
    %scan3A = arith.constant 0 : i32
    %scan3A_2 = arith.constant 0 : i32
    %scan3A_3 = arith.constant 39 : i32
    %scan3A_4 = arith.addi %scan3A_2, %scan3A_3 : i32
    %scan3A_5 = arith.constant 1 : i32
    scf.for %scan3A_256 = %scan3A_2 to %scan3A_4 step %scan3A_5  : i32 {
      %swap3A = arith.index_cast %scan3A_256 : i32 to index
      %swap3A_257 = arith.constant 0 : index
      %swap3A_258 = tpu.vector_load %arg15[%swap3A, %swap3A_257] {strides = array<i32>} : memref<39x128xf32, #tpu.memory_space<vmem>>, vector<1x16xf32>,
      %swap3A_259 = vector.shape_cast %swap3A_258 : vector<1x16xf32> to vector<16xf32>
      %swap3A_260 = vector.shape_cast %broadcast_in_dim3A_1 : vector<16xf32> to vector<1x16xf32>
      tpu.vector_store %arg15[%swap3A, %swap3A_257], %swap3A_260 {strides = array<i32>} : memref<39x128xf32, #tpu.memory_space<vmem>>, vector<1x16xf32>,
      %swap3A_261 = arith.index_cast %scan3A_256 : i32 to index
      %swap3A_262 = arith.constant 16 : index
      %swap3A_263 = tpu.vector_load %arg15[%swap3A_261, %swap3A_262] {strides = array<i32>} : memref<39x128xf32, #tpu.memory_space<vmem>>, vector<1x16xf32>,
      %swap3A_264 = vector.shape_cast %swap3A_263 : vector<1x16xf32> to vector<16xf32>
      %swap3A_265 = vector.shape_cast %broadcast_in_dim3A_1 : vector<16xf32> to vector<1x16xf32>
      tpu.vector_store %arg15[%swap3A_261, %swap3A_262], %swap3A_265 {strides = array<i32>} : memref<39x128xf32, #tpu.memory_space<vmem>>, vector<1x16xf32>,
      %swap3A_266 = arith.index_cast %scan3A_256 : i32 to index
      %swap3A_267 = arith.constant 32 : index
      %swap3A_268 = tpu.vector_load %arg15[%swap3A_266, %swap3A_267] {strides = array<i32>} : memref<39x128xf32, #tpu.memory_space<vmem>>, vector<1x16xf32>,
      %swap3A_269 = vector.shape_cast %swap3A_268 : vector<1x16xf32> to vector<16xf32>
      %swap3A_270 = vector.shape_cast %broadcast_in_dim3A_1 : vector<16xf32> to vector<1x16xf32>
      tpu.vector_store %arg15[%swap3A_266, %swap3A_267], %swap3A_270 {strides = array<i32>} : memref<39x128xf32, #tpu.memory_space<vmem>>, vector<1x16xf32>,
      %swap3A_271 = arith.index_cast %scan3A_256 : i32 to index
      %swap3A_272 = arith.constant 48 : index
      %swap3A_273 = tpu.vector_load %arg15[%swap3A_271, %swap3A_272] {strides = array<i32>} : memref<39x128xf32, #tpu.memory_space<vmem>>, vector<1x16xf32>,
      %swap3A_274 = vector.shape_cast %swap3A_273 : vector<1x16xf32> to vector<16xf32>
      %swap3A_275 = vector.shape_cast %broadcast_in_dim3A_1 : vector<16xf32> to vector<1x16xf32>
      tpu.vector_store %arg15[%swap3A_271, %swap3A_272], %swap3A_275 {strides = array<i32>} : memref<39x128xf32, #tpu.memory_space<vmem>>, vector<1x16xf32>,
      %swap3A_276 = arith.index_cast %scan3A_256 : i32 to index
      %swap3A_277 = arith.constant 64 : index
      %swap3A_278 = tpu.vector_load %arg15[%swap3A_276, %swap3A_277] {strides = array<i32>} : memref<39x128xf32, #tpu.memory_space<vmem>>, vector<1x16xf32>,
      %swap3A_279 = vector.shape_cast %swap3A_278 : vector<1x16xf32> to vector<16xf32>
      %swap3A_280 = vector.shape_cast %broadcast_in_dim3A_1 : vector<16xf32> to vector<1x16xf32>
      tpu.vector_store %arg15[%swap3A_276, %swap3A_277], %swap3A_280 {strides = array<i32>} : memref<39x128xf32, #tpu.memory_space<vmem>>, vector<1x16xf32>,
      %swap3A_281 = arith.index_cast %scan3A_256 : i32 to index
      %swap3A_282 = arith.constant 80 : index
      %swap3A_283 = tpu.vector_load %arg15[%swap3A_281, %swap3A_282] {strides = array<i32>} : memref<39x128xf32, #tpu.memory_space<vmem>>, vector<1x16xf32>,
      %swap3A_284 = vector.shape_cast %swap3A_283 : vector<1x16xf32> to vector<16xf32>
      %swap3A_285 = vector.shape_cast %broadcast_in_dim3A_1 : vector<16xf32> to vector<1x16xf32>
      tpu.vector_store %arg15[%swap3A_281, %swap3A_282], %swap3A_285 {strides = array<i32>} : memref<39x128xf32, #tpu.memory_space<vmem>>, vector<1x16xf32>,
      %swap3A_286 = arith.index_cast %scan3A_256 : i32 to index
      %swap3A_287 = arith.constant 96 : index
      %swap3A_288 = tpu.vector_load %arg15[%swap3A_286, %swap3A_287] {strides = array<i32>} : memref<39x128xf32, #tpu.memory_space<vmem>>, vector<1x16xf32>,
      %swap3A_289 = vector.shape_cast %swap3A_288 : vector<1x16xf32> to vector<16xf32>
      %swap3A_290 = vector.shape_cast %broadcast_in_dim3A_1 : vector<16xf32> to vector<1x16xf32>
      tpu.vector_store %arg15[%swap3A_286, %swap3A_287], %swap3A_290 {strides = array<i32>} : memref<39x128xf32, #tpu.memory_space<vmem>>, vector<1x16xf32>,
      %swap3A_291 = arith.index_cast %scan3A_256 : i32 to index
      %swap3A_292 = arith.constant 112 : index
      %swap3A_293 = tpu.vector_load %arg15[%swap3A_291, %swap3A_292] {strides = array<i32>} : memref<39x128xf32, #tpu.memory_space<vmem>>, vector<1x16xf32>,
      %swap3A_294 = vector.shape_cast %swap3A_293 : vector<1x16xf32> to vector<16xf32>
      %swap3A_295 = vector.shape_cast %broadcast_in_dim3A_1 : vector<16xf32> to vector<1x16xf32>
      tpu.vector_store %arg15[%swap3A_291, %swap3A_292], %swap3A_295 {strides = array<i32>} : memref<39x128xf32, #tpu.memory_space<vmem>>, vector<1x16xf32>,
    }
    %scan3A_6 = arith.constant 39 : i32
    %mul3A_7 = arith.constant 10000 : i32
    %mul3A_8 = arith.muli %add3A, %mul3A_7 : i32
    %mul3A_9 = arith.constant 624 : i32
    %mul3A_10 = arith.muli %arg1, %mul3A_9 : i32
    %add3A_11 = arith.constant 0 : i32
    %add3A_12 = arith.addi %mul3A_10, %add3A_11 : i32
    %dma_start3A = arith.constant 0 : i32
    %dma_start3A_13 = tpu.memref_slice %arg16[%add3A_12, %dma_start3A] : memref<10000x128xf32, #tpu.memory_space<vmem_shared>> -> memref<39x128xf32, #tpu.memory_space<vmem_shared>>
    %dma_start3A_14 = arith.constant 0 : i32
    %dma_start3A_15 = tpu.memref_slice %arg16[%add3A_12, %dma_start3A_14] : memref<10000x128xf32, #tpu.memory_space<vmem_shared>> -> memref<39x128xf32, #tpu.memory_space<vmem_shared>>
    tpu.enqueue_dma source(%arg15 : memref<39x128xf32, #tpu.memory_space<vmem>>) target(%dma_start3A_15 : memref<39x128xf32, #tpu.memory_space<vmem_shared>>) target_semaphore(%arg17 : memref<!tpu.dma_semaphore, #tpu.memory_space<semaphore_mem>>)
    %mul3A_16 = arith.constant 624 : i32
    %mul3A_17 = arith.muli %arg1, %mul3A_16 : i32
    %add3A_18 = arith.constant 39 : i32
    %add3A_19 = arith.addi %mul3A_17, %add3A_18 : i32
    %dma_start3A_20 = arith.constant 0 : i32
    %dma_start3A_21 = tpu.memref_slice %arg16[%add3A_19, %dma_start3A_20] : memref<10000x128xf32, #tpu.memory_space<vmem_shared>> -> memref<39x128xf32, #tpu.memory_space<vmem_shared>>
    %dma_start3A_22 = arith.constant 0 : i32
    %dma_start3A_23 = tpu.memref_slice %arg16[%add3A_19, %dma_start3A_22] : memref<10000x128xf32, #tpu.memory_space<vmem_shared>> -> memref<39x128xf32, #tpu.memory_space<vmem_shared>>
    tpu.enqueue_dma source(%arg15 : memref<39x128xf32, #tpu.memory_space<vmem>>) target(%dma_start3A_23 : memref<39x128xf32, #tpu.memory_space<vmem_shared>>) target_semaphore(%arg17 : memref<!tpu.dma_semaphore, #tpu.memory_space<semaphore_mem>>)
    %mul3A_24 = arith.constant 624 : i32
    %mul3A_25 = arith.muli %arg1, %mul3A_24 : i32
    %add3A_26 = arith.constant 78 : i32
    %add3A_27 = arith.addi %mul3A_25, %add3A_26 : i32
    %dma_start3A_28 = arith.constant 0 : i32
    %dma_start3A_29 = tpu.memref_slice %arg16[%add3A_27, %dma_start3A_28] : memref<10000x128xf32, #tpu.memory_space<vmem_shared>> -> memref<39x128xf32, #tpu.memory_space<vmem_shared>>
    %dma_start3A_30 = arith.constant 0 : i32
    %dma_start3A_31 = tpu.memref_slice %arg16[%add3A_27, %dma_start3A_30] : memref<10000x128xf32, #tpu.memory_space<vmem_shared>> -> memref<39x128xf32, #tpu.memory_space<vmem_shared>>
    tpu.enqueue_dma source(%arg15 : memref<39x128xf32, #tpu.memory_space<vmem>>) target(%dma_start3A_31 : memref<39x128xf32, #tpu.memory_space<vmem_shared>>) target_semaphore(%arg17 : memref<!tpu.dma_semaphore, #tpu.memory_space<semaphore_mem>>)
    %mul3A_32 = arith.constant 624 : i32
    %mul3A_33 = arith.muli %arg1, %mul3A_32 : i32
    %add3A_34 = arith.constant 117 : i32
    %add3A_35 = arith.addi %mul3A_33, %add3A_34 : i32
    %dma_start3A_36 = arith.constant 0 : i32
    %dma_start3A_37 = tpu.memref_slice %arg16[%add3A_35, %dma_start3A_36] : memref<10000x128xf32, #tpu.memory_space<vmem_shared>> -> memref<39x128xf32, #tpu.memory_space<vmem_shared>>
    %dma_start3A_38 = arith.constant 0 : i32
    %dma_start3A_39 = tpu.memref_slice %arg16[%add3A_35, %dma_start3A_38] : memref<10000x128xf32, #tpu.memory_space<vmem_shared>> -> memref<39x128xf32, #tpu.memory_space<vmem_shared>>
    tpu.enqueue_dma source(%arg15 : memref<39x128xf32, #tpu.memory_space<vmem>>) target(%dma_start3A_39 : memref<39x128xf32, #tpu.memory_space<vmem_shared>>) target_semaphore(%arg17 : memref<!tpu.dma_semaphore, #tpu.memory_space<semaphore_mem>>)
    %mul3A_40 = arith.constant 624 : i32
    %mul3A_41 = arith.muli %arg1, %mul3A_40 : i32
    %add3A_42 = arith.constant 156 : i32
    %add3A_43 = arith.addi %mul3A_41, %add3A_42 : i32
    %dma_start3A_44 = arith.constant 0 : i32
    %dma_start3A_45 = tpu.memref_slice %arg16[%add3A_43, %dma_start3A_44] : memref<10000x128xf32, #tpu.memory_space<vmem_shared>> -> memref<39x128xf32, #tpu.memory_space<vmem_shared>>
    %dma_start3A_46 = arith.constant 0 : i32
    %dma_start3A_47 = tpu.memref_slice %arg16[%add3A_43, %dma_start3A_46] : memref<10000x128xf32, #tpu.memory_space<vmem_shared>> -> memref<39x128xf32, #tpu.memory_space<vmem_shared>>
    tpu.enqueue_dma source(%arg15 : memref<39x128xf32, #tpu.memory_space<vmem>>) target(%dma_start3A_47 : memref<39x128xf32, #tpu.memory_space<vmem_shared>>) target_semaphore(%arg17 : memref<!tpu.dma_semaphore, #tpu.memory_space<semaphore_mem>>)
    %mul3A_48 = arith.constant 624 : i32
    %mul3A_49 = arith.muli %arg1, %mul3A_48 : i32
    %add3A_50 = arith.constant 195 : i32
    %add3A_51 = arith.addi %mul3A_49, %add3A_50 : i32
    %dma_start3A_52 = arith.constant 0 : i32
    %dma_start3A_53 = tpu.memref_slice %arg16[%add3A_51, %dma_start3A_52] : memref<10000x128xf32, #tpu.memory_space<vmem_shared>> -> memref<39x128xf32, #tpu.memory_space<vmem_shared>>
    %dma_start3A_54 = arith.constant 0 : i32
    %dma_start3A_55 = tpu.memref_slice %arg16[%add3A_51, %dma_start3A_54] : memref<10000x128xf32, #tpu.memory_space<vmem_shared>> -> memref<39x128xf32, #tpu.memory_space<vmem_shared>>
    tpu.enqueue_dma source(%arg15 : memref<39x128xf32, #tpu.memory_space<vmem>>) target(%dma_start3A_55 : memref<39x128xf32, #tpu.memory_space<vmem_shared>>) target_semaphore(%arg17 : memref<!tpu.dma_semaphore, #tpu.memory_space<semaphore_mem>>)
    %mul3A_56 = arith.constant 624 : i32
    %mul3A_57 = arith.muli %arg1, %mul3A_56 : i32
    %add3A_58 = arith.constant 234 : i32
    %add3A_59 = arith.addi %mul3A_57, %add3A_58 : i32
    %dma_start3A_60 = arith.constant 0 : i32
    %dma_start3A_61 = tpu.memref_slice %arg16[%add3A_59, %dma_start3A_60] : memref<10000x128xf32, #tpu.memory_space<vmem_shared>> -> memref<39x128xf32, #tpu.memory_space<vmem_shared>>
    %dma_start3A_62 = arith.constant 0 : i32
    %dma_start3A_63 = tpu.memref_slice %arg16[%add3A_59, %dma_start3A_62] : memref<10000x128xf32, #tpu.memory_space<vmem_shared>> -> memref<39x128xf32, #tpu.memory_space<vmem_shared>>
    tpu.enqueue_dma source(%arg15 : memref<39x128xf32, #tpu.memory_space<vmem>>) target(%dma_start3A_63 : memref<39x128xf32, #tpu.memory_space<vmem_shared>>) target_semaphore(%arg17 : memref<!tpu.dma_semaphore, #tpu.memory_space<semaphore_mem>>)
    %mul3A_64 = arith.constant 624 : i32
    %mul3A_65 = arith.muli %arg1, %mul3A_64 : i32
    %add3A_66 = arith.constant 273 : i32
    %add3A_67 = arith.addi %mul3A_65, %add3A_66 : i32
    %dma_start3A_68 = arith.constant 0 : i32
    %dma_start3A_69 = tpu.memref_slice %arg16[%add3A_67, %dma_start3A_68] : memref<10000x128xf32, #tpu.memory_space<vmem_shared>> -> memref<39x128xf32, #tpu.memory_space<vmem_shared>>
    %dma_start3A_70 = arith.constant 0 : i32
    %dma_start3A_71 = tpu.memref_slice %arg16[%add3A_67, %dma_start3A_70] : memref<10000x128xf32, #tpu.memory_space<vmem_shared>> -> memref<39x128xf32, #tpu.memory_space<vmem_shared>>
    tpu.enqueue_dma source(%arg15 : memref<39x128xf32, #tpu.memory_space<vmem>>) target(%dma_start3A_71 : memref<39x128xf32, #tpu.memory_space<vmem_shared>>) target_semaphore(%arg17 : memref<!tpu.dma_semaphore, #tpu.memory_space<semaphore_mem>>)
    %mul3A_72 = arith.constant 624 : i32
    %mul3A_73 = arith.muli %arg1, %mul3A_72 : i32
    %add3A_74 = arith.constant 312 : i32
    %add3A_75 = arith.addi %mul3A_73, %add3A_74 : i32
    %dma_start3A_76 = arith.constant 0 : i32
    %dma_start3A_77 = tpu.memref_slice %arg16[%add3A_75, %dma_start3A_76] : memref<10000x128xf32, #tpu.memory_space<vmem_shared>> -> memref<39x128xf32, #tpu.memory_space<vmem_shared>>
    %dma_start3A_78 = arith.constant 0 : i32
    %dma_start3A_79 = tpu.memref_slice %arg16[%add3A_75, %dma_start3A_78] : memref<10000x128xf32, #tpu.memory_space<vmem_shared>> -> memref<39x128xf32, #tpu.memory_space<vmem_shared>>
    tpu.enqueue_dma source(%arg15 : memref<39x128xf32, #tpu.memory_space<vmem>>) target(%dma_start3A_79 : memref<39x128xf32, #tpu.memory_space<vmem_shared>>) target_semaphore(%arg17 : memref<!tpu.dma_semaphore, #tpu.memory_space<semaphore_mem>>)
    %mul3A_80 = arith.constant 624 : i32
    %mul3A_81 = arith.muli %arg1, %mul3A_80 : i32
    %add3A_82 = arith.constant 351 : i32
    %add3A_83 = arith.addi %mul3A_81, %add3A_82 : i32
    %dma_start3A_84 = arith.constant 0 : i32
    %dma_start3A_85 = tpu.memref_slice %arg16[%add3A_83, %dma_start3A_84] : memref<10000x128xf32, #tpu.memory_space<vmem_shared>> -> memref<39x128xf32, #tpu.memory_space<vmem_shared>>
    %dma_start3A_86 = arith.constant 0 : i32
    %dma_start3A_87 = tpu.memref_slice %arg16[%add3A_83, %dma_start3A_86] : memref<10000x128xf32, #tpu.memory_space<vmem_shared>> -> memref<39x128xf32, #tpu.memory_space<vmem_shared>>
    tpu.enqueue_dma source(%arg15 : memref<39x128xf32, #tpu.memory_space<vmem>>) target(%dma_start3A_87 : memref<39x128xf32, #tpu.memory_space<vmem_shared>>) target_semaphore(%arg17 : memref<!tpu.dma_semaphore, #tpu.memory_space<semaphore_mem>>)
    %mul3A_88 = arith.constant 624 : i32
    %mul3A_89 = arith.muli %arg1, %mul3A_88 : i32
    %add3A_90 = arith.constant 390 : i32
    %add3A_91 = arith.addi %mul3A_89, %add3A_90 : i32
    %dma_start3A_92 = arith.constant 0 : i32
    %dma_start3A_93 = tpu.memref_slice %arg16[%add3A_91, %dma_start3A_92] : memref<10000x128xf32, #tpu.memory_space<vmem_shared>> -> memref<39x128xf32, #tpu.memory_space<vmem_shared>>
    %dma_start3A_94 = arith.constant 0 : i32
    %dma_start3A_95 = tpu.memref_slice %arg16[%add3A_91, %dma_start3A_94] : memref<10000x128xf32, #tpu.memory_space<vmem_shared>> -> memref<39x128xf32, #tpu.memory_space<vmem_shared>>
    tpu.enqueue_dma source(%arg15 : memref<39x128xf32, #tpu.memory_space<vmem>>) target(%dma_start3A_95 : memref<39x128xf32, #tpu.memory_space<vmem_shared>>) target_semaphore(%arg17 : memref<!tpu.dma_semaphore, #tpu.memory_space<semaphore_mem>>)
    %mul3A_96 = arith.constant 624 : i32
    %mul3A_97 = arith.muli %arg1, %mul3A_96 : i32
    %add3A_98 = arith.constant 429 : i32
    %add3A_99 = arith.addi %mul3A_97, %add3A_98 : i32
    %dma_start3A_100 = arith.constant 0 : i32
    %dma_start3A_101 = tpu.memref_slice %arg16[%add3A_99, %dma_start3A_100] : memref<10000x128xf32, #tpu.memory_space<vmem_shared>> -> memref<39x128xf32, #tpu.memory_space<vmem_shared>>
    %dma_start3A_102 = arith.constant 0 : i32
    %dma_start3A_103 = tpu.memref_slice %arg16[%add3A_99, %dma_start3A_102] : memref<10000x128xf32, #tpu.memory_space<vmem_shared>> -> memref<39x128xf32, #tpu.memory_space<vmem_shared>>
    tpu.enqueue_dma source(%arg15 : memref<39x128xf32, #tpu.memory_space<vmem>>) target(%dma_start3A_103 : memref<39x128xf32, #tpu.memory_space<vmem_shared>>) target_semaphore(%arg17 : memref<!tpu.dma_semaphore, #tpu.memory_space<semaphore_mem>>)
    %mul3A_104 = arith.constant 624 : i32
    %mul3A_105 = arith.muli %arg1, %mul3A_104 : i32
    %add3A_106 = arith.constant 468 : i32
    %add3A_107 = arith.addi %mul3A_105, %add3A_106 : i32
    %dma_start3A_108 = arith.constant 0 : i32
    %dma_start3A_109 = tpu.memref_slice %arg16[%add3A_107, %dma_start3A_108] : memref<10000x128xf32, #tpu.memory_space<vmem_shared>> -> memref<39x128xf32, #tpu.memory_space<vmem_shared>>
    %dma_start3A_110 = arith.constant 0 : i32
    %dma_start3A_111 = tpu.memref_slice %arg16[%add3A_107, %dma_start3A_110] : memref<10000x128xf32, #tpu.memory_space<vmem_shared>> -> memref<39x128xf32, #tpu.memory_space<vmem_shared>>
    tpu.enqueue_dma source(%arg15 : memref<39x128xf32, #tpu.memory_space<vmem>>) target(%dma_start3A_111 : memref<39x128xf32, #tpu.memory_space<vmem_shared>>) target_semaphore(%arg17 : memref<!tpu.dma_semaphore, #tpu.memory_space<semaphore_mem>>)
    %mul3A_112 = arith.constant 624 : i32
    %mul3A_113 = arith.muli %arg1, %mul3A_112 : i32
    %add3A_114 = arith.constant 507 : i32
    %add3A_115 = arith.addi %mul3A_113, %add3A_114 : i32
    %dma_start3A_116 = arith.constant 0 : i32
    %dma_start3A_117 = tpu.memref_slice %arg16[%add3A_115, %dma_start3A_116] : memref<10000x128xf32, #tpu.memory_space<vmem_shared>> -> memref<39x128xf32, #tpu.memory_space<vmem_shared>>
    %dma_start3A_118 = arith.constant 0 : i32
    %dma_start3A_119 = tpu.memref_slice %arg16[%add3A_115, %dma_start3A_118] : memref<10000x128xf32, #tpu.memory_space<vmem_shared>> -> memref<39x128xf32, #tpu.memory_space<vmem_shared>>
    tpu.enqueue_dma source(%arg15 : memref<39x128xf32, #tpu.memory_space<vmem>>) target(%dma_start3A_119 : memref<39x128xf32, #tpu.memory_space<vmem_shared>>) target_semaphore(%arg17 : memref<!tpu.dma_semaphore, #tpu.memory_space<semaphore_mem>>)
    %mul3A_120 = arith.constant 624 : i32
    %mul3A_121 = arith.muli %arg1, %mul3A_120 : i32
    %add3A_122 = arith.constant 546 : i32
    %add3A_123 = arith.addi %mul3A_121, %add3A_122 : i32
    %dma_start3A_124 = arith.constant 0 : i32
    %dma_start3A_125 = tpu.memref_slice %arg16[%add3A_123, %dma_start3A_124] : memref<10000x128xf32, #tpu.memory_space<vmem_shared>> -> memref<39x128xf32, #tpu.memory_space<vmem_shared>>
    %dma_start3A_126 = arith.constant 0 : i32
    %dma_start3A_127 = tpu.memref_slice %arg16[%add3A_123, %dma_start3A_126] : memref<10000x128xf32, #tpu.memory_space<vmem_shared>> -> memref<39x128xf32, #tpu.memory_space<vmem_shared>>
    tpu.enqueue_dma source(%arg15 : memref<39x128xf32, #tpu.memory_space<vmem>>) target(%dma_start3A_127 : memref<39x128xf32, #tpu.memory_space<vmem_shared>>) target_semaphore(%arg17 : memref<!tpu.dma_semaphore, #tpu.memory_space<semaphore_mem>>)
    %mul3A_128 = arith.constant 624 : i32
    %mul3A_129 = arith.muli %arg1, %mul3A_128 : i32
    %add3A_130 = arith.constant 585 : i32
    %add3A_131 = arith.addi %mul3A_129, %add3A_130 : i32
    %dma_start3A_132 = arith.constant 0 : i32
    %dma_start3A_133 = tpu.memref_slice %arg16[%add3A_131, %dma_start3A_132] : memref<10000x128xf32, #tpu.memory_space<vmem_shared>> -> memref<39x128xf32, #tpu.memory_space<vmem_shared>>
    %dma_start3A_134 = arith.constant 0 : i32
    %dma_start3A_135 = tpu.memref_slice %arg16[%add3A_131, %dma_start3A_134] : memref<10000x128xf32, #tpu.memory_space<vmem_shared>> -> memref<39x128xf32, #tpu.memory_space<vmem_shared>>
    tpu.enqueue_dma source(%arg15 : memref<39x128xf32, #tpu.memory_space<vmem>>) target(%dma_start3A_135 : memref<39x128xf32, #tpu.memory_space<vmem_shared>>) target_semaphore(%arg17 : memref<!tpu.dma_semaphore, #tpu.memory_space<semaphore_mem>>)
    "tpu.region"() ({
      %run_scoped3A = tpu.sem_alloc : memref<!tpu.dma_semaphore, #tpu.memory_space<semaphore_mem>>
      %dma_start3A_256 = tpu.memref_slice %arg3[%mul3A_8] : memref<640000xi32, #tpu.memory_space<hbm>> -> memref<240xi32, #tpu.memory_space<hbm>>
      %dma_start3A_257 = tpu.memref_slice %arg3[%mul3A_8] : memref<640000xi32, #tpu.memory_space<hbm>> -> memref<240xi32, #tpu.memory_space<hbm>>
      tpu.enqueue_dma source(%dma_start3A_257 : memref<240xi32, #tpu.memory_space<hbm>>) target(%arg5 : memref<240xi32, #tpu.memory_space<vmem>>) target_semaphore(%run_scoped3A : memref<!tpu.dma_semaphore, #tpu.memory_space<semaphore_mem>>)
      %dma_wait3A_258 = tpu.memref_slice %arg3[%mul3A_8] : memref<640000xi32, #tpu.memory_space<hbm>> -> memref<240xi32, #tpu.memory_space<hbm>>
      %dma_wait3A_259 = tpu.memref_slice %arg3[%mul3A_8] : memref<640000xi32, #tpu.memory_space<hbm>> -> memref<240xi32, #tpu.memory_space<hbm>>
      tpu.wait_dma2 semaphore(%run_scoped3A : memref<!tpu.dma_semaphore, #tpu.memory_space<semaphore_mem>>) src(%dma_wait3A_259 : memref<240xi32, #tpu.memory_space<hbm>>) dst(%arg5 : memref<240xi32, #tpu.memory_space<vmem>>)
      tpu.yield
    }) : () -> ()
    %add3A_136 = arith.constant 320000 : i32
    %add3A_137 = arith.addi %add3A_136, %mul3A_8 : i32
    "tpu.region"() ({
      %run_scoped3A = tpu.sem_alloc : memref<!tpu.dma_semaphore, #tpu.memory_space<semaphore_mem>>
      %dma_start3A_256 = tpu.memref_slice %arg3[%add3A_137] : memref<640000xi32, #tpu.memory_space<hbm>> -> memref<240xi32, #tpu.memory_space<hbm>>
      %dma_start3A_257 = tpu.memref_slice %arg3[%add3A_137] : memref<640000xi32, #tpu.memory_space<hbm>> -> memref<240xi32, #tpu.memory_space<hbm>>
      tpu.enqueue_dma source(%dma_start3A_257 : memref<240xi32, #tpu.memory_space<hbm>>) target(%arg6 : memref<240xi32, #tpu.memory_space<vmem>>) target_semaphore(%run_scoped3A : memref<!tpu.dma_semaphore, #tpu.memory_space<semaphore_mem>>)
      %dma_wait3A_258 = tpu.memref_slice %arg3[%add3A_137] : memref<640000xi32, #tpu.memory_space<hbm>> -> memref<240xi32, #tpu.memory_space<hbm>>
      %dma_wait3A_259 = tpu.memref_slice %arg3[%add3A_137] : memref<640000xi32, #tpu.memory_space<hbm>> -> memref<240xi32, #tpu.memory_space<hbm>>
      tpu.wait_dma2 semaphore(%run_scoped3A : memref<!tpu.dma_semaphore, #tpu.memory_space<semaphore_mem>>) src(%dma_wait3A_259 : memref<240xi32, #tpu.memory_space<hbm>>) dst(%arg6 : memref<240xi32, #tpu.memory_space<vmem>>)
      tpu.yield
    }) : () -> ()
    %dma_wait3A = arith.constant 0 : i32
    %dma_wait3A_138 = tpu.memref_slice %arg16[%add3A_12, %dma_wait3A] : memref<10000x128xf32, #tpu.memory_space<vmem_shared>> -> memref<39x128xf32, #tpu.memory_space<vmem_shared>>
    %dma_wait3A_139 = arith.constant 0 : i32
    %dma_wait3A_140 = tpu.memref_slice %arg16[%add3A_12, %dma_wait3A_139] : memref<10000x128xf32, #tpu.memory_space<vmem_shared>> -> memref<39x128xf32, #tpu.memory_space<vmem_shared>>
    tpu.wait_dma2 semaphore(%arg17 : memref<!tpu.dma_semaphore, #tpu.memory_space<semaphore_mem>>) src(%arg15 : memref<39x128xf32, #tpu.memory_space<vmem>>) dst(%dma_wait3A_140 : memref<39x128xf32, #tpu.memory_space<vmem_shared>>)
    %dma_wait3A_141 = arith.constant 0 : i32
    %dma_wait3A_142 = tpu.memref_slice %arg16[%add3A_19, %dma_wait3A_141] : memref<10000x128xf32, #tpu.memory_space<vmem_shared>> -> memref<39x128xf32, #tpu.memory_space<vmem_shared>>
    %dma_wait3A_143 = arith.constant 0 : i32
    %dma_wait3A_144 = tpu.memref_slice %arg16[%add3A_19, %dma_wait3A_143] : memref<10000x128xf32, #tpu.memory_space<vmem_shared>> -> memref<39x128xf32, #tpu.memory_space<vmem_shared>>
    tpu.wait_dma2 semaphore(%arg17 : memref<!tpu.dma_semaphore, #tpu.memory_space<semaphore_mem>>) src(%arg15 : memref<39x128xf32, #tpu.memory_space<vmem>>) dst(%dma_wait3A_144 : memref<39x128xf32, #tpu.memory_space<vmem_shared>>)
    %dma_wait3A_145 = arith.constant 0 : i32
    %dma_wait3A_146 = tpu.memref_slice %arg16[%add3A_27, %dma_wait3A_145] : memref<10000x128xf32, #tpu.memory_space<vmem_shared>> -> memref<39x128xf32, #tpu.memory_space<vmem_shared>>
    %dma_wait3A_147 = arith.constant 0 : i32
    %dma_wait3A_148 = tpu.memref_slice %arg16[%add3A_27, %dma_wait3A_147] : memref<10000x128xf32, #tpu.memory_space<vmem_shared>> -> memref<39x128xf32, #tpu.memory_space<vmem_shared>>
    tpu.wait_dma2 semaphore(%arg17 : memref<!tpu.dma_semaphore, #tpu.memory_space<semaphore_mem>>) src(%arg15 : memref<39x128xf32, #tpu.memory_space<vmem>>) dst(%dma_wait3A_148 : memref<39x128xf32, #tpu.memory_space<vmem_shared>>)
    %dma_wait3A_149 = arith.constant 0 : i32
    %dma_wait3A_150 = tpu.memref_slice %arg16[%add3A_35, %dma_wait3A_149] : memref<10000x128xf32, #tpu.memory_space<vmem_shared>> -> memref<39x128xf32, #tpu.memory_space<vmem_shared>>
    %dma_wait3A_151 = arith.constant 0 : i32
    %dma_wait3A_152 = tpu.memref_slice %arg16[%add3A_35, %dma_wait3A_151] : memref<10000x128xf32, #tpu.memory_space<vmem_shared>> -> memref<39x128xf32, #tpu.memory_space<vmem_shared>>
    tpu.wait_dma2 semaphore(%arg17 : memref<!tpu.dma_semaphore, #tpu.memory_space<semaphore_mem>>) src(%arg15 : memref<39x128xf32, #tpu.memory_space<vmem>>) dst(%dma_wait3A_152 : memref<39x128xf32, #tpu.memory_space<vmem_shared>>)
    %dma_wait3A_153 = arith.constant 0 : i32
    %dma_wait3A_154 = tpu.memref_slice %arg16[%add3A_43, %dma_wait3A_153] : memref<10000x128xf32, #tpu.memory_space<vmem_shared>> -> memref<39x128xf32, #tpu.memory_space<vmem_shared>>
    %dma_wait3A_155 = arith.constant 0 : i32
    %dma_wait3A_156 = tpu.memref_slice %arg16[%add3A_43, %dma_wait3A_155] : memref<10000x128xf32, #tpu.memory_space<vmem_shared>> -> memref<39x128xf32, #tpu.memory_space<vmem_shared>>
    tpu.wait_dma2 semaphore(%arg17 : memref<!tpu.dma_semaphore, #tpu.memory_space<semaphore_mem>>) src(%arg15 : memref<39x128xf32, #tpu.memory_space<vmem>>) dst(%dma_wait3A_156 : memref<39x128xf32, #tpu.memory_space<vmem_shared>>)
    %dma_wait3A_157 = arith.constant 0 : i32
    %dma_wait3A_158 = tpu.memref_slice %arg16[%add3A_51, %dma_wait3A_157] : memref<10000x128xf32, #tpu.memory_space<vmem_shared>> -> memref<39x128xf32, #tpu.memory_space<vmem_shared>>
    %dma_wait3A_159 = arith.constant 0 : i32
    %dma_wait3A_160 = tpu.memref_slice %arg16[%add3A_51, %dma_wait3A_159] : memref<10000x128xf32, #tpu.memory_space<vmem_shared>> -> memref<39x128xf32, #tpu.memory_space<vmem_shared>>
    tpu.wait_dma2 semaphore(%arg17 : memref<!tpu.dma_semaphore, #tpu.memory_space<semaphore_mem>>) src(%arg15 : memref<39x128xf32, #tpu.memory_space<vmem>>) dst(%dma_wait3A_160 : memref<39x128xf32, #tpu.memory_space<vmem_shared>>)
    %dma_wait3A_161 = arith.constant 0 : i32
    %dma_wait3A_162 = tpu.memref_slice %arg16[%add3A_59, %dma_wait3A_161] : memref<10000x128xf32, #tpu.memory_space<vmem_shared>> -> memref<39x128xf32, #tpu.memory_space<vmem_shared>>
    %dma_wait3A_163 = arith.constant 0 : i32
    %dma_wait3A_164 = tpu.memref_slice %arg16[%add3A_59, %dma_wait3A_163] : memref<10000x128xf32, #tpu.memory_space<vmem_shared>> -> memref<39x128xf32, #tpu.memory_space<vmem_shared>>
    tpu.wait_dma2 semaphore(%arg17 : memref<!tpu.dma_semaphore, #tpu.memory_space<semaphore_mem>>) src(%arg15 : memref<39x128xf32, #tpu.memory_space<vmem>>) dst(%dma_wait3A_164 : memref<39x128xf32, #tpu.memory_space<vmem_shared>>)
    %dma_wait3A_165 = arith.constant 0 : i32
    %dma_wait3A_166 = tpu.memref_slice %arg16[%add3A_67, %dma_wait3A_165] : memref<10000x128xf32, #tpu.memory_space<vmem_shared>> -> memref<39x128xf32, #tpu.memory_space<vmem_shared>>
    %dma_wait3A_167 = arith.constant 0 : i32
    %dma_wait3A_168 = tpu.memref_slice %arg16[%add3A_67, %dma_wait3A_167] : memref<10000x128xf32, #tpu.memory_space<vmem_shared>> -> memref<39x128xf32, #tpu.memory_space<vmem_shared>>
    tpu.wait_dma2 semaphore(%arg17 : memref<!tpu.dma_semaphore, #tpu.memory_space<semaphore_mem>>) src(%arg15 : memref<39x128xf32, #tpu.memory_space<vmem>>) dst(%dma_wait3A_168 : memref<39x128xf32, #tpu.memory_space<vmem_shared>>)
    %dma_wait3A_169 = arith.constant 0 : i32
    %dma_wait3A_170 = tpu.memref_slice %arg16[%add3A_75, %dma_wait3A_169] : memref<10000x128xf32, #tpu.memory_space<vmem_shared>> -> memref<39x128xf32, #tpu.memory_space<vmem_shared>>
    %dma_wait3A_171 = arith.constant 0 : i32
    %dma_wait3A_172 = tpu.memref_slice %arg16[%add3A_75, %dma_wait3A_171] : memref<10000x128xf32, #tpu.memory_space<vmem_shared>> -> memref<39x128xf32, #tpu.memory_space<vmem_shared>>
    tpu.wait_dma2 semaphore(%arg17 : memref<!tpu.dma_semaphore, #tpu.memory_space<semaphore_mem>>) src(%arg15 : memref<39x128xf32, #tpu.memory_space<vmem>>) dst(%dma_wait3A_172 : memref<39x128xf32, #tpu.memory_space<vmem_shared>>)
    %dma_wait3A_173 = arith.constant 0 : i32
    %dma_wait3A_174 = tpu.memref_slice %arg16[%add3A_83, %dma_wait3A_173] : memref<10000x128xf32, #tpu.memory_space<vmem_shared>> -> memref<39x128xf32, #tpu.memory_space<vmem_shared>>
    %dma_wait3A_175 = arith.constant 0 : i32
    %dma_wait3A_176 = tpu.memref_slice %arg16[%add3A_83, %dma_wait3A_175] : memref<10000x128xf32, #tpu.memory_space<vmem_shared>> -> memref<39x128xf32, #tpu.memory_space<vmem_shared>>
    tpu.wait_dma2 semaphore(%arg17 : memref<!tpu.dma_semaphore, #tpu.memory_space<semaphore_mem>>) src(%arg15 : memref<39x128xf32, #tpu.memory_space<vmem>>) dst(%dma_wait3A_176 : memref<39x128xf32, #tpu.memory_space<vmem_shared>>)
    %dma_wait3A_177 = arith.constant 0 : i32
    %dma_wait3A_178 = tpu.memref_slice %arg16[%add3A_91, %dma_wait3A_177] : memref<10000x128xf32, #tpu.memory_space<vmem_shared>> -> memref<39x128xf32, #tpu.memory_space<vmem_shared>>
    %dma_wait3A_179 = arith.constant 0 : i32
    %dma_wait3A_180 = tpu.memref_slice %arg16[%add3A_91, %dma_wait3A_179] : memref<10000x128xf32, #tpu.memory_space<vmem_shared>> -> memref<39x128xf32, #tpu.memory_space<vmem_shared>>
    tpu.wait_dma2 semaphore(%arg17 : memref<!tpu.dma_semaphore, #tpu.memory_space<semaphore_mem>>) src(%arg15 : memref<39x128xf32, #tpu.memory_space<vmem>>) dst(%dma_wait3A_180 : memref<39x128xf32, #tpu.memory_space<vmem_shared>>)
    %dma_wait3A_181 = arith.constant 0 : i32
    %dma_wait3A_182 = tpu.memref_slice %arg16[%add3A_99, %dma_wait3A_181] : memref<10000x128xf32, #tpu.memory_space<vmem_shared>> -> memref<39x128xf32, #tpu.memory_space<vmem_shared>>
    %dma_wait3A_183 = arith.constant 0 : i32
    %dma_wait3A_184 = tpu.memref_slice %arg16[%add3A_99, %dma_wait3A_183] : memref<10000x128xf32, #tpu.memory_space<vmem_shared>> -> memref<39x128xf32, #tpu.memory_space<vmem_shared>>
    tpu.wait_dma2 semaphore(%arg17 : memref<!tpu.dma_semaphore, #tpu.memory_space<semaphore_mem>>) src(%arg15 : memref<39x128xf32, #tpu.memory_space<vmem>>) dst(%dma_wait3A_184 : memref<39x128xf32, #tpu.memory_space<vmem_shared>>)
    %dma_wait3A_185 = arith.constant 0 : i32
    %dma_wait3A_186 = tpu.memref_slice %arg16[%add3A_107, %dma_wait3A_185] : memref<10000x128xf32, #tpu.memory_space<vmem_shared>> -> memref<39x128xf32, #tpu.memory_space<vmem_shared>>
    %dma_wait3A_187 = arith.constant 0 : i32
    %dma_wait3A_188 = tpu.memref_slice %arg16[%add3A_107, %dma_wait3A_187] : memref<10000x128xf32, #tpu.memory_space<vmem_shared>> -> memref<39x128xf32, #tpu.memory_space<vmem_shared>>
    tpu.wait_dma2 semaphore(%arg17 : memref<!tpu.dma_semaphore, #tpu.memory_space<semaphore_mem>>) src(%arg15 : memref<39x128xf32, #tpu.memory_space<vmem>>) dst(%dma_wait3A_188 : memref<39x128xf32, #tpu.memory_space<vmem_shared>>)
    %dma_wait3A_189 = arith.constant 0 : i32
    %dma_wait3A_190 = tpu.memref_slice %arg16[%add3A_115, %dma_wait3A_189] : memref<10000x128xf32, #tpu.memory_space<vmem_shared>> -> memref<39x128xf32, #tpu.memory_space<vmem_shared>>
    %dma_wait3A_191 = arith.constant 0 : i32
    %dma_wait3A_192 = tpu.memref_slice %arg16[%add3A_115, %dma_wait3A_191] : memref<10000x128xf32, #tpu.memory_space<vmem_shared>> -> memref<39x128xf32, #tpu.memory_space<vmem_shared>>
    tpu.wait_dma2 semaphore(%arg17 : memref<!tpu.dma_semaphore, #tpu.memory_space<semaphore_mem>>) src(%arg15 : memref<39x128xf32, #tpu.memory_space<vmem>>) dst(%dma_wait3A_192 : memref<39x128xf32, #tpu.memory_space<vmem_shared>>)
    %dma_wait3A_193 = arith.constant 0 : i32
    %dma_wait3A_194 = tpu.memref_slice %arg16[%add3A_123, %dma_wait3A_193] : memref<10000x128xf32, #tpu.memory_space<vmem_shared>> -> memref<39x128xf32, #tpu.memory_space<vmem_shared>>
    %dma_wait3A_195 = arith.constant 0 : i32
    %dma_wait3A_196 = tpu.memref_slice %arg16[%add3A_123, %dma_wait3A_195] : memref<10000x128xf32, #tpu.memory_space<vmem_shared>> -> memref<39x128xf32, #tpu.memory_space<vmem_shared>>
    tpu.wait_dma2 semaphore(%arg17 : memref<!tpu.dma_semaphore, #tpu.memory_space<semaphore_mem>>) src(%arg15 : memref<39x128xf32, #tpu.memory_space<vmem>>) dst(%dma_wait3A_196 : memref<39x128xf32, #tpu.memory_space<vmem_shared>>)
    %dma_wait3A_197 = arith.constant 0 : i32
    %dma_wait3A_198 = tpu.memref_slice %arg16[%add3A_131, %dma_wait3A_197] : memref<10000x128xf32, #tpu.memory_space<vmem_shared>> -> memref<39x128xf32, #tpu.memory_space<vmem_shared>>
    %dma_wait3A_199 = arith.constant 0 : i32
    %dma_wait3A_200 = tpu.memref_slice %arg16[%add3A_131, %dma_wait3A_199] : memref<10000x128xf32, #tpu.memory_space<vmem_shared>> -> memref<39x128xf32, #tpu.memory_space<vmem_shared>>
    tpu.wait_dma2 semaphore(%arg17 : memref<!tpu.dma_semaphore, #tpu.memory_space<semaphore_mem>>) src(%arg15 : memref<39x128xf32, #tpu.memory_space<vmem>>) dst(%dma_wait3A_200 : memref<39x128xf32, #tpu.memory_space<vmem_shared>>)
    %eq3A = arith.constant 15 : i32
    %eq3A_201 = arith.cmpi eq, %arg1, %eq3A : i32
    %convert_element_type3A = arith.extui %eq3A_201 : i1 to i32
    %cond3A = arith.constant 0 : i32
    %cond3A_202 = arith.cmpi ne, %convert_element_type3A, %cond3A : i32
    scf.if %cond3A_202 {
      "tpu.region"() ({
        %run_scoped3A = tpu.sem_alloc : memref<!tpu.dma_semaphore, #tpu.memory_space<semaphore_mem>>
        %dma_start3A_256 = arith.constant 0 : i32
        %dma_start3A_257 = arith.constant 0 : i32
        %dma_start3A_258 = tpu.memref_slice %arg15[%dma_start3A_256, %dma_start3A_257] : memref<39x128xf32, #tpu.memory_space<vmem>> -> memref<16x128xf32, #tpu.memory_space<vmem>>
        %dma_start3A_259 = arith.constant 9984 : i32
        %dma_start3A_260 = arith.constant 0 : i32
        %dma_start3A_261 = tpu.memref_slice %arg16[%dma_start3A_259, %dma_start3A_260] : memref<10000x128xf32, #tpu.memory_space<vmem_shared>> -> memref<16x128xf32, #tpu.memory_space<vmem_shared>>
        %dma_start3A_262 = arith.constant 9984 : i32
        %dma_start3A_263 = arith.constant 0 : i32
        %dma_start3A_264 = tpu.memref_slice %arg16[%dma_start3A_262, %dma_start3A_263] : memref<10000x128xf32, #tpu.memory_space<vmem_shared>> -> memref<16x128xf32, #tpu.memory_space<vmem_shared>>
        %dma_start3A_265 = arith.constant 0 : i32
        %dma_start3A_266 = arith.constant 0 : i32
        %dma_start3A_267 = tpu.memref_slice %arg15[%dma_start3A_265, %dma_start3A_266] : memref<39x128xf32, #tpu.memory_space<vmem>> -> memref<16x128xf32, #tpu.memory_space<vmem>>
        tpu.enqueue_dma source(%dma_start3A_267 : memref<16x128xf32, #tpu.memory_space<vmem>>) target(%dma_start3A_264 : memref<16x128xf32, #tpu.memory_space<vmem_shared>>) target_semaphore(%run_scoped3A : memref<!tpu.dma_semaphore, #tpu.memory_space<semaphore_mem>>)
        %dma_wait3A_268 = arith.constant 0 : i32
        %dma_wait3A_269 = arith.constant 0 : i32
        %dma_wait3A_270 = tpu.memref_slice %arg15[%dma_wait3A_268, %dma_wait3A_269] : memref<39x128xf32, #tpu.memory_space<vmem>> -> memref<16x128xf32, #tpu.memory_space<vmem>>
        %dma_wait3A_271 = arith.constant 9984 : i32
        %dma_wait3A_272 = arith.constant 0 : i32
        %dma_wait3A_273 = tpu.memref_slice %arg16[%dma_wait3A_271, %dma_wait3A_272] : memref<10000x128xf32, #tpu.memory_space<vmem_shared>> -> memref<16x128xf32, #tpu.memory_space<vmem_shared>>
        %dma_wait3A_274 = arith.constant 9984 : i32
        %dma_wait3A_275 = arith.constant 0 : i32
        %dma_wait3A_276 = tpu.memref_slice %arg16[%dma_wait3A_274, %dma_wait3A_275] : memref<10000x128xf32, #tpu.memory_space<vmem_shared>> -> memref<16x128xf32, #tpu.memory_space<vmem_shared>>
        %dma_wait3A_277 = arith.constant 0 : i32
        %dma_wait3A_278 = arith.constant 0 : i32
        %dma_wait3A_279 = tpu.memref_slice %arg15[%dma_wait3A_277, %dma_wait3A_278] : memref<39x128xf32, #tpu.memory_space<vmem>> -> memref<16x128xf32, #tpu.memory_space<vmem>>
        tpu.wait_dma2 semaphore(%run_scoped3A : memref<!tpu.dma_semaphore, #tpu.memory_space<semaphore_mem>>) src(%dma_wait3A_279 : memref<16x128xf32, #tpu.memory_space<vmem>>) dst(%dma_wait3A_276 : memref<16x128xf32, #tpu.memory_space<vmem_shared>>)
        tpu.yield
      }) : () -> ()
    } else {
    }
    %barrier3A = arith.constant 0 : index
    tpu.barrier barrier_id(%barrier3A)
    %scan3A_203 = arith.constant 0 : i32
    %scan3A_204 = arith.constant 0 : i32
    %scan3A_205 = arith.constant 41 : i32
    %scan3A_206 = arith.addi %scan3A_204, %scan3A_205 : i32
    %scan3A_207 = arith.constant 1 : i32
    scf.for %scan3A_256 = %scan3A_204 to %scan3A_206 step %scan3A_207  : i32 {
      %add3A_257 = arith.constant 1 : i32
      %add3A_258 = arith.addi %scan3A_256, %add3A_257 : i32
      %min3A = arith.constant 40 : i32
      %min3A_259 = arith.minsi %add3A_258, %min3A : i32
      %mul3A_260 = arith.constant 240 : i32
      %mul3A_261 = arith.muli %mul3A_260, %min3A_259 : i32
      %add3A_262 = arith.addi %mul3A_8, %mul3A_261 : i32
      %dma_start3A_263 = tpu.memref_slice %arg3[%add3A_262] : memref<640000xi32, #tpu.memory_space<hbm>> -> memref<240xi32, #tpu.memory_space<hbm>>
      %dma_start3A_264 = tpu.memref_slice %arg3[%add3A_262] : memref<640000xi32, #tpu.memory_space<hbm>> -> memref<240xi32, #tpu.memory_space<hbm>>
      tpu.enqueue_dma source(%dma_start3A_264 : memref<240xi32, #tpu.memory_space<hbm>>) target(%arg7 : memref<240xi32, #tpu.memory_space<vmem>>) target_semaphore(%arg23 : memref<!tpu.dma_semaphore, #tpu.memory_space<semaphore_mem>>)
      %add3A_265 = arith.constant 320000 : i32
      %add3A_266 = arith.addi %add3A_265, %add3A_262 : i32
      %dma_start3A_267 = tpu.memref_slice %arg3[%add3A_266] : memref<640000xi32, #tpu.memory_space<hbm>> -> memref<240xi32, #tpu.memory_space<hbm>>
      %dma_start3A_268 = tpu.memref_slice %arg3[%add3A_266] : memref<640000xi32, #tpu.memory_space<hbm>> -> memref<240xi32, #tpu.memory_space<hbm>>
      tpu.enqueue_dma source(%dma_start3A_268 : memref<240xi32, #tpu.memory_space<hbm>>) target(%arg8 : memref<240xi32, #tpu.memory_space<vmem>>) target_semaphore(%arg24 : memref<!tpu.dma_semaphore, #tpu.memory_space<semaphore_mem>>)
      %ne3A = arith.constant 0 : i32
      %ne3A_269 = arith.cmpi ne, %scan3A_256, %ne3A : i32
      %convert_element_type3A_270 = arith.extui %ne3A_269 : i1 to i32
      %cond3A_271 = arith.constant 0 : i32
      %cond3A_272 = arith.cmpi ne, %convert_element_type3A_270, %cond3A_271 : i32
      scf.if %cond3A_272 {
        %dma_wait3A_639 = arith.constant 0 : i32
        %dma_wait3A_640 = arith.constant 0 : i32
        %dma_wait3A_641 = tpu.memref_slice %arg16[%dma_wait3A_639, %dma_wait3A_640] : memref<10000x128xf32, #tpu.memory_space<vmem_shared>> -> memref<10000x128xf32, #tpu.memory_space<vmem_shared>>
        tpu.wait_indirect_dma semaphore(%arg20 : memref<!tpu.dma_semaphore, #tpu.memory_space<semaphore_mem>>) src(%arg12 : memref<80x128xf32, #tpu.memory_space<vmem>>) dst(%dma_wait3A_641 : memref<10000x128xf32, #tpu.memory_space<vmem_shared>>)
      } else {
      }
      %get3A = arith.constant 0 : index
      %get3A_273 = tpu.vector_load %arg6[%get3A] {strides = array<i32>} : memref<240xi32, #tpu.memory_space<vmem>>, vector<16xi32>,
      %get3A_274 = vector.shape_cast %get3A_273 : vector<16xi32> to vector<16xi32>
      %swap3A = arith.constant 0 : index
      %swap3A_275 = tpu.vector_load %arg9[%swap3A] {strides = array<i32>} : memref<80xi32, #tpu.memory_space<vmem>>, vector<16xi32>,
      %swap3A_276 = vector.shape_cast %swap3A_275 : vector<16xi32> to vector<16xi32>
      %swap3A_277 = vector.shape_cast %get3A_274 : vector<16xi32> to vector<16xi32>
      tpu.vector_store %arg9[%swap3A], %swap3A_277 {strides = array<i32>} : memref<80xi32, #tpu.memory_space<vmem>>, vector<16xi32>,
      %get3A_278 = arith.constant 16 : index
      %get3A_279 = tpu.vector_load %arg6[%get3A_278] {strides = array<i32>} : memref<240xi32, #tpu.memory_space<vmem>>, vector<16xi32>,
      %get3A_280 = vector.shape_cast %get3A_279 : vector<16xi32> to vector<16xi32>
      %swap3A_281 = arith.constant 16 : index
      %swap3A_282 = tpu.vector_load %arg9[%swap3A_281] {strides = array<i32>} : memref<80xi32, #tpu.memory_space<vmem>>, vector<16xi32>,
      %swap3A_283 = vector.shape_cast %swap3A_282 : vector<16xi32> to vector<16xi32>
      %swap3A_284 = vector.shape_cast %get3A_280 : vector<16xi32> to vector<16xi32>
      tpu.vector_store %arg9[%swap3A_281], %swap3A_284 {strides = array<i32>} : memref<80xi32, #tpu.memory_space<vmem>>, vector<16xi32>,
      %get3A_285 = arith.constant 32 : index
      %get3A_286 = tpu.vector_load %arg6[%get3A_285] {strides = array<i32>} : memref<240xi32, #tpu.memory_space<vmem>>, vector<16xi32>,
      %get3A_287 = vector.shape_cast %get3A_286 : vector<16xi32> to vector<16xi32>
      %swap3A_288 = arith.constant 32 : index
      %swap3A_289 = tpu.vector_load %arg9[%swap3A_288] {strides = array<i32>} : memref<80xi32, #tpu.memory_space<vmem>>, vector<16xi32>,
      %swap3A_290 = vector.shape_cast %swap3A_289 : vector<16xi32> to vector<16xi32>
      %swap3A_291 = vector.shape_cast %get3A_287 : vector<16xi32> to vector<16xi32>
      tpu.vector_store %arg9[%swap3A_288], %swap3A_291 {strides = array<i32>} : memref<80xi32, #tpu.memory_space<vmem>>, vector<16xi32>,
      %get3A_292 = arith.constant 48 : index
      %get3A_293 = tpu.vector_load %arg6[%get3A_292] {strides = array<i32>} : memref<240xi32, #tpu.memory_space<vmem>>, vector<16xi32>,
      %get3A_294 = vector.shape_cast %get3A_293 : vector<16xi32> to vector<16xi32>
      %swap3A_295 = arith.constant 48 : index
      %swap3A_296 = tpu.vector_load %arg9[%swap3A_295] {strides = array<i32>} : memref<80xi32, #tpu.memory_space<vmem>>, vector<16xi32>,
      %swap3A_297 = vector.shape_cast %swap3A_296 : vector<16xi32> to vector<16xi32>
      %swap3A_298 = vector.shape_cast %get3A_294 : vector<16xi32> to vector<16xi32>
      tpu.vector_store %arg9[%swap3A_295], %swap3A_298 {strides = array<i32>} : memref<80xi32, #tpu.memory_space<vmem>>, vector<16xi32>,
      %get3A_299 = arith.constant 64 : index
      %get3A_300 = tpu.vector_load %arg6[%get3A_299] {strides = array<i32>} : memref<240xi32, #tpu.memory_space<vmem>>, vector<16xi32>,
      %get3A_301 = vector.shape_cast %get3A_300 : vector<16xi32> to vector<16xi32>
      %swap3A_302 = arith.constant 64 : index
      %swap3A_303 = tpu.vector_load %arg9[%swap3A_302] {strides = array<i32>} : memref<80xi32, #tpu.memory_space<vmem>>, vector<16xi32>,
      %swap3A_304 = vector.shape_cast %swap3A_303 : vector<16xi32> to vector<16xi32>
      %swap3A_305 = vector.shape_cast %get3A_301 : vector<16xi32> to vector<16xi32>
      tpu.vector_store %arg9[%swap3A_302], %swap3A_305 {strides = array<i32>} : memref<80xi32, #tpu.memory_space<vmem>>, vector<16xi32>,
      %dma_start3A_306 = arith.constant 0 : i32
      %dma_start3A_307 = tpu.memref_slice %arg5[%dma_start3A_306] : memref<240xi32, #tpu.memory_space<vmem>> -> memref<80xi32, #tpu.memory_space<vmem>>
      %dma_start3A_308 = arith.constant 0 : i32
      %dma_start3A_309 = arith.constant 0 : i32
      %dma_start3A_310 = tpu.memref_slice %arg2[%dma_start3A_308, %dma_start3A_309] : memref<10000x128xf32, #tpu.memory_space<hbm>> -> memref<10000x128xf32, #tpu.memory_space<hbm>>
      tpu.enqueue_indirect_dma source(%dma_start3A_310 : memref<10000x128xf32, #tpu.memory_space<hbm>>) target(%arg12 : memref<80x128xf32, #tpu.memory_space<vmem>>) offsets(%dma_start3A_307 : memref<80xi32, #tpu.memory_space<vmem>>) semaphore(%arg17 : memref<!tpu.dma_semaphore, #tpu.memory_space<semaphore_mem>>)
      %ne3A_311 = arith.constant 0 : i32
      %ne3A_312 = arith.cmpi ne, %scan3A_256, %ne3A_311 : i32
      %convert_element_type3A_313 = arith.extui %ne3A_312 : i1 to i32
      %cond3A_314 = arith.constant 0 : i32
      %cond3A_315 = arith.cmpi ne, %convert_element_type3A_313, %cond3A_314 : i32
      scf.if %cond3A_315 {
        %dma_wait3A_639 = arith.constant 0 : i32
        %dma_wait3A_640 = arith.constant 0 : i32
        %dma_wait3A_641 = tpu.memref_slice %arg16[%dma_wait3A_639, %dma_wait3A_640] : memref<10000x128xf32, #tpu.memory_space<vmem_shared>> -> memref<10000x128xf32, #tpu.memory_space<vmem_shared>>
        tpu.wait_indirect_dma semaphore(%arg21 : memref<!tpu.dma_semaphore, #tpu.memory_space<semaphore_mem>>) src(%arg13 : memref<80x128xf32, #tpu.memory_space<vmem>>) dst(%dma_wait3A_641 : memref<10000x128xf32, #tpu.memory_space<vmem_shared>>)
      } else {
      }
      %get3A_316 = arith.constant 80 : index
      %get3A_317 = tpu.vector_load %arg6[%get3A_316] {strides = array<i32>} : memref<240xi32, #tpu.memory_space<vmem>>, vector<16xi32>,
      %get3A_318 = vector.shape_cast %get3A_317 : vector<16xi32> to vector<16xi32>
      %swap3A_319 = arith.constant 0 : index
      %swap3A_320 = tpu.vector_load %arg10[%swap3A_319] {strides = array<i32>} : memref<80xi32, #tpu.memory_space<vmem>>, vector<16xi32>,
      %swap3A_321 = vector.shape_cast %swap3A_320 : vector<16xi32> to vector<16xi32>
      %swap3A_322 = vector.shape_cast %get3A_318 : vector<16xi32> to vector<16xi32>
      tpu.vector_store %arg10[%swap3A_319], %swap3A_322 {strides = array<i32>} : memref<80xi32, #tpu.memory_space<vmem>>, vector<16xi32>,
      %get3A_323 = arith.constant 96 : index
      %get3A_324 = tpu.vector_load %arg6[%get3A_323] {strides = array<i32>} : memref<240xi32, #tpu.memory_space<vmem>>, vector<16xi32>,
      %get3A_325 = vector.shape_cast %get3A_324 : vector<16xi32> to vector<16xi32>
      %swap3A_326 = arith.constant 16 : index
      %swap3A_327 = tpu.vector_load %arg10[%swap3A_326] {strides = array<i32>} : memref<80xi32, #tpu.memory_space<vmem>>, vector<16xi32>,
      %swap3A_328 = vector.shape_cast %swap3A_327 : vector<16xi32> to vector<16xi32>
      %swap3A_329 = vector.shape_cast %get3A_325 : vector<16xi32> to vector<16xi32>
      tpu.vector_store %arg10[%swap3A_326], %swap3A_329 {strides = array<i32>} : memref<80xi32, #tpu.memory_space<vmem>>, vector<16xi32>,
      %get3A_330 = arith.constant 112 : index
      %get3A_331 = tpu.vector_load %arg6[%get3A_330] {strides = array<i32>} : memref<240xi32, #tpu.memory_space<vmem>>, vector<16xi32>,
      %get3A_332 = vector.shape_cast %get3A_331 : vector<16xi32> to vector<16xi32>
      %swap3A_333 = arith.constant 32 : index
      %swap3A_334 = tpu.vector_load %arg10[%swap3A_333] {strides = array<i32>} : memref<80xi32, #tpu.memory_space<vmem>>, vector<16xi32>,
      %swap3A_335 = vector.shape_cast %swap3A_334 : vector<16xi32> to vector<16xi32>
      %swap3A_336 = vector.shape_cast %get3A_332 : vector<16xi32> to vector<16xi32>
      tpu.vector_store %arg10[%swap3A_333], %swap3A_336 {strides = array<i32>} : memref<80xi32, #tpu.memory_space<vmem>>, vector<16xi32>,
      %get3A_337 = arith.constant 128 : index
      %get3A_338 = tpu.vector_load %arg6[%get3A_337] {strides = array<i32>} : memref<240xi32, #tpu.memory_space<vmem>>, vector<16xi32>,
      %get3A_339 = vector.shape_cast %get3A_338 : vector<16xi32> to vector<16xi32>
      %swap3A_340 = arith.constant 48 : index
      %swap3A_341 = tpu.vector_load %arg10[%swap3A_340] {strides = array<i32>} : memref<80xi32, #tpu.memory_space<vmem>>, vector<16xi32>,
      %swap3A_342 = vector.shape_cast %swap3A_341 : vector<16xi32> to vector<16xi32>
      %swap3A_343 = vector.shape_cast %get3A_339 : vector<16xi32> to vector<16xi32>
      tpu.vector_store %arg10[%swap3A_340], %swap3A_343 {strides = array<i32>} : memref<80xi32, #tpu.memory_space<vmem>>, vector<16xi32>,
      %get3A_344 = arith.constant 144 : index
      %get3A_345 = tpu.vector_load %arg6[%get3A_344] {strides = array<i32>} : memref<240xi32, #tpu.memory_space<vmem>>, vector<16xi32>,
      %get3A_346 = vector.shape_cast %get3A_345 : vector<16xi32> to vector<16xi32>
      %swap3A_347 = arith.constant 64 : index
      %swap3A_348 = tpu.vector_load %arg10[%swap3A_347] {strides = array<i32>} : memref<80xi32, #tpu.memory_space<vmem>>, vector<16xi32>,
      %swap3A_349 = vector.shape_cast %swap3A_348 : vector<16xi32> to vector<16xi32>
      %swap3A_350 = vector.shape_cast %get3A_346 : vector<16xi32> to vector<16xi32>
      tpu.vector_store %arg10[%swap3A_347], %swap3A_350 {strides = array<i32>} : memref<80xi32, #tpu.memory_space<vmem>>, vector<16xi32>,
      %dma_start3A_351 = arith.constant 80 : i32
      %dma_start3A_352 = tpu.memref_slice %arg5[%dma_start3A_351] : memref<240xi32, #tpu.memory_space<vmem>> -> memref<80xi32, #tpu.memory_space<vmem>>
      %dma_start3A_353 = arith.constant 0 : i32
      %dma_start3A_354 = arith.constant 0 : i32
      %dma_start3A_355 = tpu.memref_slice %arg2[%dma_start3A_353, %dma_start3A_354] : memref<10000x128xf32, #tpu.memory_space<hbm>> -> memref<10000x128xf32, #tpu.memory_space<hbm>>
      tpu.enqueue_indirect_dma source(%dma_start3A_355 : memref<10000x128xf32, #tpu.memory_space<hbm>>) target(%arg13 : memref<80x128xf32, #tpu.memory_space<vmem>>) offsets(%dma_start3A_352 : memref<80xi32, #tpu.memory_space<vmem>>) semaphore(%arg18 : memref<!tpu.dma_semaphore, #tpu.memory_space<semaphore_mem>>)
      %ne3A_356 = arith.constant 0 : i32
      %ne3A_357 = arith.cmpi ne, %scan3A_256, %ne3A_356 : i32
      %convert_element_type3A_358 = arith.extui %ne3A_357 : i1 to i32
      %cond3A_359 = arith.constant 0 : i32
      %cond3A_360 = arith.cmpi ne, %convert_element_type3A_358, %cond3A_359 : i32
      scf.if %cond3A_360 {
        %dma_wait3A_639 = arith.constant 0 : i32
        %dma_wait3A_640 = arith.constant 0 : i32
        %dma_wait3A_641 = tpu.memref_slice %arg16[%dma_wait3A_639, %dma_wait3A_640] : memref<10000x128xf32, #tpu.memory_space<vmem_shared>> -> memref<10000x128xf32, #tpu.memory_space<vmem_shared>>
        tpu.wait_indirect_dma semaphore(%arg22 : memref<!tpu.dma_semaphore, #tpu.memory_space<semaphore_mem>>) src(%arg14 : memref<80x128xf32, #tpu.memory_space<vmem>>) dst(%dma_wait3A_641 : memref<10000x128xf32, #tpu.memory_space<vmem_shared>>)
      } else {
      }
      %get3A_361 = arith.constant 160 : index
      %get3A_362 = tpu.vector_load %arg6[%get3A_361] {strides = array<i32>} : memref<240xi32, #tpu.memory_space<vmem>>, vector<16xi32>,
      %get3A_363 = vector.shape_cast %get3A_362 : vector<16xi32> to vector<16xi32>
      %swap3A_364 = arith.constant 0 : index
      %swap3A_365 = tpu.vector_load %arg11[%swap3A_364] {strides = array<i32>} : memref<80xi32, #tpu.memory_space<vmem>>, vector<16xi32>,
      %swap3A_366 = vector.shape_cast %swap3A_365 : vector<16xi32> to vector<16xi32>
      %swap3A_367 = vector.shape_cast %get3A_363 : vector<16xi32> to vector<16xi32>
      tpu.vector_store %arg11[%swap3A_364], %swap3A_367 {strides = array<i32>} : memref<80xi32, #tpu.memory_space<vmem>>, vector<16xi32>,
      %get3A_368 = arith.constant 176 : index
      %get3A_369 = tpu.vector_load %arg6[%get3A_368] {strides = array<i32>} : memref<240xi32, #tpu.memory_space<vmem>>, vector<16xi32>,
      %get3A_370 = vector.shape_cast %get3A_369 : vector<16xi32> to vector<16xi32>
      %swap3A_371 = arith.constant 16 : index
      %swap3A_372 = tpu.vector_load %arg11[%swap3A_371] {strides = array<i32>} : memref<80xi32, #tpu.memory_space<vmem>>, vector<16xi32>,
      %swap3A_373 = vector.shape_cast %swap3A_372 : vector<16xi32> to vector<16xi32>
      %swap3A_374 = vector.shape_cast %get3A_370 : vector<16xi32> to vector<16xi32>
      tpu.vector_store %arg11[%swap3A_371], %swap3A_374 {strides = array<i32>} : memref<80xi32, #tpu.memory_space<vmem>>, vector<16xi32>,
      %get3A_375 = arith.constant 192 : index
      %get3A_376 = tpu.vector_load %arg6[%get3A_375] {strides = array<i32>} : memref<240xi32, #tpu.memory_space<vmem>>, vector<16xi32>,
      %get3A_377 = vector.shape_cast %get3A_376 : vector<16xi32> to vector<16xi32>
      %swap3A_378 = arith.constant 32 : index
      %swap3A_379 = tpu.vector_load %arg11[%swap3A_378] {strides = array<i32>} : memref<80xi32, #tpu.memory_space<vmem>>, vector<16xi32>,
      %swap3A_380 = vector.shape_cast %swap3A_379 : vector<16xi32> to vector<16xi32>
      %swap3A_381 = vector.shape_cast %get3A_377 : vector<16xi32> to vector<16xi32>
      tpu.vector_store %arg11[%swap3A_378], %swap3A_381 {strides = array<i32>} : memref<80xi32, #tpu.memory_space<vmem>>, vector<16xi32>,
      %get3A_382 = arith.constant 208 : index
      %get3A_383 = tpu.vector_load %arg6[%get3A_382] {strides = array<i32>} : memref<240xi32, #tpu.memory_space<vmem>>, vector<16xi32>,
      %get3A_384 = vector.shape_cast %get3A_383 : vector<16xi32> to vector<16xi32>
      %swap3A_385 = arith.constant 48 : index
      %swap3A_386 = tpu.vector_load %arg11[%swap3A_385] {strides = array<i32>} : memref<80xi32, #tpu.memory_space<vmem>>, vector<16xi32>,
      %swap3A_387 = vector.shape_cast %swap3A_386 : vector<16xi32> to vector<16xi32>
      %swap3A_388 = vector.shape_cast %get3A_384 : vector<16xi32> to vector<16xi32>
      tpu.vector_store %arg11[%swap3A_385], %swap3A_388 {strides = array<i32>} : memref<80xi32, #tpu.memory_space<vmem>>, vector<16xi32>,
      %get3A_389 = arith.constant 224 : index
      %get3A_390 = tpu.vector_load %arg6[%get3A_389] {strides = array<i32>} : memref<240xi32, #tpu.memory_space<vmem>>, vector<16xi32>,
      %get3A_391 = vector.shape_cast %get3A_390 : vector<16xi32> to vector<16xi32>
      %swap3A_392 = arith.constant 64 : index
      %swap3A_393 = tpu.vector_load %arg11[%swap3A_392] {strides = array<i32>} : memref<80xi32, #tpu.memory_space<vmem>>, vector<16xi32>,
      %swap3A_394 = vector.shape_cast %swap3A_393 : vector<16xi32> to vector<16xi32>
      %swap3A_395 = vector.shape_cast %get3A_391 : vector<16xi32> to vector<16xi32>
      tpu.vector_store %arg11[%swap3A_392], %swap3A_395 {strides = array<i32>} : memref<80xi32, #tpu.memory_space<vmem>>, vector<16xi32>,
      %dma_start3A_396 = arith.constant 160 : i32
      %dma_start3A_397 = tpu.memref_slice %arg5[%dma_start3A_396] : memref<240xi32, #tpu.memory_space<vmem>> -> memref<80xi32, #tpu.memory_space<vmem>>
      %dma_start3A_398 = arith.constant 0 : i32
      %dma_start3A_399 = arith.constant 0 : i32
      %dma_start3A_400 = tpu.memref_slice %arg2[%dma_start3A_398, %dma_start3A_399] : memref<10000x128xf32, #tpu.memory_space<hbm>> -> memref<10000x128xf32, #tpu.memory_space<hbm>>
      tpu.enqueue_indirect_dma source(%dma_start3A_400 : memref<10000x128xf32, #tpu.memory_space<hbm>>) target(%arg14 : memref<80x128xf32, #tpu.memory_space<vmem>>) offsets(%dma_start3A_397 : memref<80xi32, #tpu.memory_space<vmem>>) semaphore(%arg19 : memref<!tpu.dma_semaphore, #tpu.memory_space<semaphore_mem>>)
      %dma_wait3A_401 = arith.constant 0 : i32
      %dma_wait3A_402 = tpu.memref_slice %arg5[%dma_wait3A_401] : memref<240xi32, #tpu.memory_space<vmem>> -> memref<80xi32, #tpu.memory_space<vmem>>
      %dma_wait3A_403 = arith.constant 0 : i32
      %dma_wait3A_404 = arith.constant 0 : i32
      %dma_wait3A_405 = tpu.memref_slice %arg2[%dma_wait3A_403, %dma_wait3A_404] : memref<10000x128xf32, #tpu.memory_space<hbm>> -> memref<10000x128xf32, #tpu.memory_space<hbm>>
      tpu.wait_indirect_dma semaphore(%arg17 : memref<!tpu.dma_semaphore, #tpu.memory_space<semaphore_mem>>) src(%dma_wait3A_405 : memref<10000x128xf32, #tpu.memory_space<hbm>>) dst(%arg12 : memref<80x128xf32, #tpu.memory_space<vmem>>)
      %dma_start3A_406 = arith.constant 0 : i32
      %dma_start3A_407 = arith.constant 0 : i32
      %dma_start3A_408 = tpu.memref_slice %arg16[%dma_start3A_406, %dma_start3A_407] : memref<10000x128xf32, #tpu.memory_space<vmem_shared>> -> memref<10000x128xf32, #tpu.memory_space<vmem_shared>>
      tpu.enqueue_indirect_dma source(%arg12 : memref<80x128xf32, #tpu.memory_space<vmem>>) target(%dma_start3A_408 : memref<10000x128xf32, #tpu.memory_space<vmem_shared>>) offsets(%arg9 : memref<80xi32, #tpu.memory_space<vmem>>) semaphore(%arg20 : memref<!tpu.dma_semaphore, #tpu.memory_space<semaphore_mem>>) {add = true}
      %dma_wait3A_409 = arith.constant 80 : i32
      %dma_wait3A_410 = tpu.memref_slice %arg5[%dma_wait3A_409] : memref<240xi32, #tpu.memory_space<vmem>> -> memref<80xi32, #tpu.memory_space<vmem>>
      %dma_wait3A_411 = arith.constant 0 : i32
      %dma_wait3A_412 = arith.constant 0 : i32
      %dma_wait3A_413 = tpu.memref_slice %arg2[%dma_wait3A_411, %dma_wait3A_412] : memref<10000x128xf32, #tpu.memory_space<hbm>> -> memref<10000x128xf32, #tpu.memory_space<hbm>>
      tpu.wait_indirect_dma semaphore(%arg18 : memref<!tpu.dma_semaphore, #tpu.memory_space<semaphore_mem>>) src(%dma_wait3A_413 : memref<10000x128xf32, #tpu.memory_space<hbm>>) dst(%arg13 : memref<80x128xf32, #tpu.memory_space<vmem>>)
      %dma_start3A_414 = arith.constant 0 : i32
      %dma_start3A_415 = arith.constant 0 : i32
      %dma_start3A_416 = tpu.memref_slice %arg16[%dma_start3A_414, %dma_start3A_415] : memref<10000x128xf32, #tpu.memory_space<vmem_shared>> -> memref<10000x128xf32, #tpu.memory_space<vmem_shared>>
      tpu.enqueue_indirect_dma source(%arg13 : memref<80x128xf32, #tpu.memory_space<vmem>>) target(%dma_start3A_416 : memref<10000x128xf32, #tpu.memory_space<vmem_shared>>) offsets(%arg10 : memref<80xi32, #tpu.memory_space<vmem>>) semaphore(%arg21 : memref<!tpu.dma_semaphore, #tpu.memory_space<semaphore_mem>>) {add = true}
      %dma_wait3A_417 = arith.constant 160 : i32
      %dma_wait3A_418 = tpu.memref_slice %arg5[%dma_wait3A_417] : memref<240xi32, #tpu.memory_space<vmem>> -> memref<80xi32, #tpu.memory_space<vmem>>
      %dma_wait3A_419 = arith.constant 0 : i32
      %dma_wait3A_420 = arith.constant 0 : i32
      %dma_wait3A_421 = tpu.memref_slice %arg2[%dma_wait3A_419, %dma_wait3A_420] : memref<10000x128xf32, #tpu.memory_space<hbm>> -> memref<10000x128xf32, #tpu.memory_space<hbm>>
      tpu.wait_indirect_dma semaphore(%arg19 : memref<!tpu.dma_semaphore, #tpu.memory_space<semaphore_mem>>) src(%dma_wait3A_421 : memref<10000x128xf32, #tpu.memory_space<hbm>>) dst(%arg14 : memref<80x128xf32, #tpu.memory_space<vmem>>)
      %dma_start3A_422 = arith.constant 0 : i32
      %dma_start3A_423 = arith.constant 0 : i32
      %dma_start3A_424 = tpu.memref_slice %arg16[%dma_start3A_422, %dma_start3A_423] : memref<10000x128xf32, #tpu.memory_space<vmem_shared>> -> memref<10000x128xf32, #tpu.memory_space<vmem_shared>>
      tpu.enqueue_indirect_dma source(%arg14 : memref<80x128xf32, #tpu.memory_space<vmem>>) target(%dma_start3A_424 : memref<10000x128xf32, #tpu.memory_space<vmem_shared>>) offsets(%arg11 : memref<80xi32, #tpu.memory_space<vmem>>) semaphore(%arg22 : memref<!tpu.dma_semaphore, #tpu.memory_space<semaphore_mem>>) {add = true}
      %dma_wait3A_425 = tpu.memref_slice %arg3[%add3A_262] : memref<640000xi32, #tpu.memory_space<hbm>> -> memref<240xi32, #tpu.memory_space<hbm>>
      %dma_wait3A_426 = tpu.memref_slice %arg3[%add3A_262] : memref<640000xi32, #tpu.memory_space<hbm>> -> memref<240xi32, #tpu.memory_space<hbm>>
      tpu.wait_dma2 semaphore(%arg23 : memref<!tpu.dma_semaphore, #tpu.memory_space<semaphore_mem>>) src(%dma_wait3A_426 : memref<240xi32, #tpu.memory_space<hbm>>) dst(%arg7 : memref<240xi32, #tpu.memory_space<vmem>>)
      %dma_wait3A_427 = tpu.memref_slice %arg3[%add3A_266] : memref<640000xi32, #tpu.memory_space<hbm>> -> memref<240xi32, #tpu.memory_space<hbm>>
      %dma_wait3A_428 = tpu.memref_slice %arg3[%add3A_266] : memref<640000xi32, #tpu.memory_space<hbm>> -> memref<240xi32, #tpu.memory_space<hbm>>
      tpu.wait_dma2 semaphore(%arg24 : memref<!tpu.dma_semaphore, #tpu.memory_space<semaphore_mem>>) src(%dma_wait3A_428 : memref<240xi32, #tpu.memory_space<hbm>>) dst(%arg8 : memref<240xi32, #tpu.memory_space<vmem>>)
      %get3A_429 = arith.constant 0 : index
      %get3A_430 = tpu.vector_load %arg7[%get3A_429] {strides = array<i32>} : memref<240xi32, #tpu.memory_space<vmem>>, vector<16xi32>,
      %get3A_431 = vector.shape_cast %get3A_430 : vector<16xi32> to vector<16xi32>
      %swap3A_432 = arith.constant 0 : index
      %swap3A_433 = tpu.vector_load %arg5[%swap3A_432] {strides = array<i32>} : memref<240xi32, #tpu.memory_space<vmem>>, vector<16xi32>,
      %swap3A_434 = vector.shape_cast %swap3A_433 : vector<16xi32> to vector<16xi32>
      %swap3A_435 = vector.shape_cast %get3A_431 : vector<16xi32> to vector<16xi32>
      tpu.vector_store %arg5[%swap3A_432], %swap3A_435 {strides = array<i32>} : memref<240xi32, #tpu.memory_space<vmem>>, vector<16xi32>,
      %get3A_436 = arith.constant 0 : index
      %get3A_437 = tpu.vector_load %arg8[%get3A_436] {strides = array<i32>} : memref<240xi32, #tpu.memory_space<vmem>>, vector<16xi32>,
      %get3A_438 = vector.shape_cast %get3A_437 : vector<16xi32> to vector<16xi32>
      %swap3A_439 = arith.constant 0 : index
      %swap3A_440 = tpu.vector_load %arg6[%swap3A_439] {strides = array<i32>} : memref<240xi32, #tpu.memory_space<vmem>>, vector<16xi32>,
      %swap3A_441 = vector.shape_cast %swap3A_440 : vector<16xi32> to vector<16xi32>
      %swap3A_442 = vector.shape_cast %get3A_438 : vector<16xi32> to vector<16xi32>
      tpu.vector_store %arg6[%swap3A_439], %swap3A_442 {strides = array<i32>} : memref<240xi32, #tpu.memory_space<vmem>>, vector<16xi32>,
      %get3A_443 = arith.constant 16 : index
      %get3A_444 = tpu.vector_load %arg7[%get3A_443] {strides = array<i32>} : memref<240xi32, #tpu.memory_space<vmem>>, vector<16xi32>,
      %get3A_445 = vector.shape_cast %get3A_444 : vector<16xi32> to vector<16xi32>
      %swap3A_446 = arith.constant 16 : index
      %swap3A_447 = tpu.vector_load %arg5[%swap3A_446] {strides = array<i32>} : memref<240xi32, #tpu.memory_space<vmem>>, vector<16xi32>,
      %swap3A_448 = vector.shape_cast %swap3A_447 : vector<16xi32> to vector<16xi32>
      %swap3A_449 = vector.shape_cast %get3A_445 : vector<16xi32> to vector<16xi32>
      tpu.vector_store %arg5[%swap3A_446], %swap3A_449 {strides = array<i32>} : memref<240xi32, #tpu.memory_space<vmem>>, vector<16xi32>,
      %get3A_450 = arith.constant 16 : index
      %get3A_451 = tpu.vector_load %arg8[%get3A_450] {strides = array<i32>} : memref<240xi32, #tpu.memory_space<vmem>>, vector<16xi32>,
      %get3A_452 = vector.shape_cast %get3A_451 : vector<16xi32> to vector<16xi32>
      %swap3A_453 = arith.constant 16 : index
      %swap3A_454 = tpu.vector_load %arg6[%swap3A_453] {strides = array<i32>} : memref<240xi32, #tpu.memory_space<vmem>>, vector<16xi32>,
      %swap3A_455 = vector.shape_cast %swap3A_454 : vector<16xi32> to vector<16xi32>
      %swap3A_456 = vector.shape_cast %get3A_452 : vector<16xi32> to vector<16xi32>
      tpu.vector_store %arg6[%swap3A_453], %swap3A_456 {strides = array<i32>} : memref<240xi32, #tpu.memory_space<vmem>>, vector<16xi32>,
      %get3A_457 = arith.constant 32 : index
      %get3A_458 = tpu.vector_load %arg7[%get3A_457] {strides = array<i32>} : memref<240xi32, #tpu.memory_space<vmem>>, vector<16xi32>,
      %get3A_459 = vector.shape_cast %get3A_458 : vector<16xi32> to vector<16xi32>
      %swap3A_460 = arith.constant 32 : index
      %swap3A_461 = tpu.vector_load %arg5[%swap3A_460] {strides = array<i32>} : memref<240xi32, #tpu.memory_space<vmem>>, vector<16xi32>,
      %swap3A_462 = vector.shape_cast %swap3A_461 : vector<16xi32> to vector<16xi32>
      %swap3A_463 = vector.shape_cast %get3A_459 : vector<16xi32> to vector<16xi32>
      tpu.vector_store %arg5[%swap3A_460], %swap3A_463 {strides = array<i32>} : memref<240xi32, #tpu.memory_space<vmem>>, vector<16xi32>,
      %get3A_464 = arith.constant 32 : index
      %get3A_465 = tpu.vector_load %arg8[%get3A_464] {strides = array<i32>} : memref<240xi32, #tpu.memory_space<vmem>>, vector<16xi32>,
      %get3A_466 = vector.shape_cast %get3A_465 : vector<16xi32> to vector<16xi32>
      %swap3A_467 = arith.constant 32 : index
      %swap3A_468 = tpu.vector_load %arg6[%swap3A_467] {strides = array<i32>} : memref<240xi32, #tpu.memory_space<vmem>>, vector<16xi32>,
      %swap3A_469 = vector.shape_cast %swap3A_468 : vector<16xi32> to vector<16xi32>
      %swap3A_470 = vector.shape_cast %get3A_466 : vector<16xi32> to vector<16xi32>
      tpu.vector_store %arg6[%swap3A_467], %swap3A_470 {strides = array<i32>} : memref<240xi32, #tpu.memory_space<vmem>>, vector<16xi32>,
      %get3A_471 = arith.constant 48 : index
      %get3A_472 = tpu.vector_load %arg7[%get3A_471] {strides = array<i32>} : memref<240xi32, #tpu.memory_space<vmem>>, vector<16xi32>,
      %get3A_473 = vector.shape_cast %get3A_472 : vector<16xi32> to vector<16xi32>
      %swap3A_474 = arith.constant 48 : index
      %swap3A_475 = tpu.vector_load %arg5[%swap3A_474] {strides = array<i32>} : memref<240xi32, #tpu.memory_space<vmem>>, vector<16xi32>,
      %swap3A_476 = vector.shape_cast %swap3A_475 : vector<16xi32> to vector<16xi32>
      %swap3A_477 = vector.shape_cast %get3A_473 : vector<16xi32> to vector<16xi32>
      tpu.vector_store %arg5[%swap3A_474], %swap3A_477 {strides = array<i32>} : memref<240xi32, #tpu.memory_space<vmem>>, vector<16xi32>,
      %get3A_478 = arith.constant 48 : index
      %get3A_479 = tpu.vector_load %arg8[%get3A_478] {strides = array<i32>} : memref<240xi32, #tpu.memory_space<vmem>>, vector<16xi32>,
      %get3A_480 = vector.shape_cast %get3A_479 : vector<16xi32> to vector<16xi32>
      %swap3A_481 = arith.constant 48 : index
      %swap3A_482 = tpu.vector_load %arg6[%swap3A_481] {strides = array<i32>} : memref<240xi32, #tpu.memory_space<vmem>>, vector<16xi32>,
      %swap3A_483 = vector.shape_cast %swap3A_482 : vector<16xi32> to vector<16xi32>
      %swap3A_484 = vector.shape_cast %get3A_480 : vector<16xi32> to vector<16xi32>
      tpu.vector_store %arg6[%swap3A_481], %swap3A_484 {strides = array<i32>} : memref<240xi32, #tpu.memory_space<vmem>>, vector<16xi32>,
      %get3A_485 = arith.constant 64 : index
      %get3A_486 = tpu.vector_load %arg7[%get3A_485] {strides = array<i32>} : memref<240xi32, #tpu.memory_space<vmem>>, vector<16xi32>,
      %get3A_487 = vector.shape_cast %get3A_486 : vector<16xi32> to vector<16xi32>
      %swap3A_488 = arith.constant 64 : index
      %swap3A_489 = tpu.vector_load %arg5[%swap3A_488] {strides = array<i32>} : memref<240xi32, #tpu.memory_space<vmem>>, vector<16xi32>,
      %swap3A_490 = vector.shape_cast %swap3A_489 : vector<16xi32> to vector<16xi32>
      %swap3A_491 = vector.shape_cast %get3A_487 : vector<16xi32> to vector<16xi32>
      tpu.vector_store %arg5[%swap3A_488], %swap3A_491 {strides = array<i32>} : memref<240xi32, #tpu.memory_space<vmem>>, vector<16xi32>,
      %get3A_492 = arith.constant 64 : index
      %get3A_493 = tpu.vector_load %arg8[%get3A_492] {strides = array<i32>} : memref<240xi32, #tpu.memory_space<vmem>>, vector<16xi32>,
      %get3A_494 = vector.shape_cast %get3A_493 : vector<16xi32> to vector<16xi32>
      %swap3A_495 = arith.constant 64 : index
      %swap3A_496 = tpu.vector_load %arg6[%swap3A_495] {strides = array<i32>} : memref<240xi32, #tpu.memory_space<vmem>>, vector<16xi32>,
      %swap3A_497 = vector.shape_cast %swap3A_496 : vector<16xi32> to vector<16xi32>
      %swap3A_498 = vector.shape_cast %get3A_494 : vector<16xi32> to vector<16xi32>
      tpu.vector_store %arg6[%swap3A_495], %swap3A_498 {strides = array<i32>} : memref<240xi32, #tpu.memory_space<vmem>>, vector<16xi32>,
      %get3A_499 = arith.constant 80 : index
      %get3A_500 = tpu.vector_load %arg7[%get3A_499] {strides = array<i32>} : memref<240xi32, #tpu.memory_space<vmem>>, vector<16xi32>,
      %get3A_501 = vector.shape_cast %get3A_500 : vector<16xi32> to vector<16xi32>
      %swap3A_502 = arith.constant 80 : index
      %swap3A_503 = tpu.vector_load %arg5[%swap3A_502] {strides = array<i32>} : memref<240xi32, #tpu.memory_space<vmem>>, vector<16xi32>,
      %swap3A_504 = vector.shape_cast %swap3A_503 : vector<16xi32> to vector<16xi32>
      %swap3A_505 = vector.shape_cast %get3A_501 : vector<16xi32> to vector<16xi32>
      tpu.vector_store %arg5[%swap3A_502], %swap3A_505 {strides = array<i32>} : memref<240xi32, #tpu.memory_space<vmem>>, vector<16xi32>,
      %get3A_506 = arith.constant 80 : index
      %get3A_507 = tpu.vector_load %arg8[%get3A_506] {strides = array<i32>} : memref<240xi32, #tpu.memory_space<vmem>>, vector<16xi32>,
      %get3A_508 = vector.shape_cast %get3A_507 : vector<16xi32> to vector<16xi32>
      %swap3A_509 = arith.constant 80 : index
      %swap3A_510 = tpu.vector_load %arg6[%swap3A_509] {strides = array<i32>} : memref<240xi32, #tpu.memory_space<vmem>>, vector<16xi32>,
      %swap3A_511 = vector.shape_cast %swap3A_510 : vector<16xi32> to vector<16xi32>
      %swap3A_512 = vector.shape_cast %get3A_508 : vector<16xi32> to vector<16xi32>
      tpu.vector_store %arg6[%swap3A_509], %swap3A_512 {strides = array<i32>} : memref<240xi32, #tpu.memory_space<vmem>>, vector<16xi32>,
      %get3A_513 = arith.constant 96 : index
      %get3A_514 = tpu.vector_load %arg7[%get3A_513] {strides = array<i32>} : memref<240xi32, #tpu.memory_space<vmem>>, vector<16xi32>,
      %get3A_515 = vector.shape_cast %get3A_514 : vector<16xi32> to vector<16xi32>
      %swap3A_516 = arith.constant 96 : index
      %swap3A_517 = tpu.vector_load %arg5[%swap3A_516] {strides = array<i32>} : memref<240xi32, #tpu.memory_space<vmem>>, vector<16xi32>,
      %swap3A_518 = vector.shape_cast %swap3A_517 : vector<16xi32> to vector<16xi32>
      %swap3A_519 = vector.shape_cast %get3A_515 : vector<16xi32> to vector<16xi32>
      tpu.vector_store %arg5[%swap3A_516], %swap3A_519 {strides = array<i32>} : memref<240xi32, #tpu.memory_space<vmem>>, vector<16xi32>,
      %get3A_520 = arith.constant 96 : index
      %get3A_521 = tpu.vector_load %arg8[%get3A_520] {strides = array<i32>} : memref<240xi32, #tpu.memory_space<vmem>>, vector<16xi32>,
      %get3A_522 = vector.shape_cast %get3A_521 : vector<16xi32> to vector<16xi32>
      %swap3A_523 = arith.constant 96 : index
      %swap3A_524 = tpu.vector_load %arg6[%swap3A_523] {strides = array<i32>} : memref<240xi32, #tpu.memory_space<vmem>>, vector<16xi32>,
      %swap3A_525 = vector.shape_cast %swap3A_524 : vector<16xi32> to vector<16xi32>
      %swap3A_526 = vector.shape_cast %get3A_522 : vector<16xi32> to vector<16xi32>
      tpu.vector_store %arg6[%swap3A_523], %swap3A_526 {strides = array<i32>} : memref<240xi32, #tpu.memory_space<vmem>>, vector<16xi32>,
      %get3A_527 = arith.constant 112 : index
      %get3A_528 = tpu.vector_load %arg7[%get3A_527] {strides = array<i32>} : memref<240xi32, #tpu.memory_space<vmem>>, vector<16xi32>,
      %get3A_529 = vector.shape_cast %get3A_528 : vector<16xi32> to vector<16xi32>
      %swap3A_530 = arith.constant 112 : index
      %swap3A_531 = tpu.vector_load %arg5[%swap3A_530] {strides = array<i32>} : memref<240xi32, #tpu.memory_space<vmem>>, vector<16xi32>,
      %swap3A_532 = vector.shape_cast %swap3A_531 : vector<16xi32> to vector<16xi32>
      %swap3A_533 = vector.shape_cast %get3A_529 : vector<16xi32> to vector<16xi32>
      tpu.vector_store %arg5[%swap3A_530], %swap3A_533 {strides = array<i32>} : memref<240xi32, #tpu.memory_space<vmem>>, vector<16xi32>,
      %get3A_534 = arith.constant 112 : index
      %get3A_535 = tpu.vector_load %arg8[%get3A_534] {strides = array<i32>} : memref<240xi32, #tpu.memory_space<vmem>>, vector<16xi32>,
      %get3A_536 = vector.shape_cast %get3A_535 : vector<16xi32> to vector<16xi32>
      %swap3A_537 = arith.constant 112 : index
      %swap3A_538 = tpu.vector_load %arg6[%swap3A_537] {strides = array<i32>} : memref<240xi32, #tpu.memory_space<vmem>>, vector<16xi32>,
      %swap3A_539 = vector.shape_cast %swap3A_538 : vector<16xi32> to vector<16xi32>
      %swap3A_540 = vector.shape_cast %get3A_536 : vector<16xi32> to vector<16xi32>
      tpu.vector_store %arg6[%swap3A_537], %swap3A_540 {strides = array<i32>} : memref<240xi32, #tpu.memory_space<vmem>>, vector<16xi32>,
      %get3A_541 = arith.constant 128 : index
      %get3A_542 = tpu.vector_load %arg7[%get3A_541] {strides = array<i32>} : memref<240xi32, #tpu.memory_space<vmem>>, vector<16xi32>,
      %get3A_543 = vector.shape_cast %get3A_542 : vector<16xi32> to vector<16xi32>
      %swap3A_544 = arith.constant 128 : index
      %swap3A_545 = tpu.vector_load %arg5[%swap3A_544] {strides = array<i32>} : memref<240xi32, #tpu.memory_space<vmem>>, vector<16xi32>,
      %swap3A_546 = vector.shape_cast %swap3A_545 : vector<16xi32> to vector<16xi32>
      %swap3A_547 = vector.shape_cast %get3A_543 : vector<16xi32> to vector<16xi32>
      tpu.vector_store %arg5[%swap3A_544], %swap3A_547 {strides = array<i32>} : memref<240xi32, #tpu.memory_space<vmem>>, vector<16xi32>,
      %get3A_548 = arith.constant 128 : index
      %get3A_549 = tpu.vector_load %arg8[%get3A_548] {strides = array<i32>} : memref<240xi32, #tpu.memory_space<vmem>>, vector<16xi32>,
      %get3A_550 = vector.shape_cast %get3A_549 : vector<16xi32> to vector<16xi32>
      %swap3A_551 = arith.constant 128 : index
      %swap3A_552 = tpu.vector_load %arg6[%swap3A_551] {strides = array<i32>} : memref<240xi32, #tpu.memory_space<vmem>>, vector<16xi32>,
      %swap3A_553 = vector.shape_cast %swap3A_552 : vector<16xi32> to vector<16xi32>
      %swap3A_554 = vector.shape_cast %get3A_550 : vector<16xi32> to vector<16xi32>
      tpu.vector_store %arg6[%swap3A_551], %swap3A_554 {strides = array<i32>} : memref<240xi32, #tpu.memory_space<vmem>>, vector<16xi32>,
      %get3A_555 = arith.constant 144 : index
      %get3A_556 = tpu.vector_load %arg7[%get3A_555] {strides = array<i32>} : memref<240xi32, #tpu.memory_space<vmem>>, vector<16xi32>,
      %get3A_557 = vector.shape_cast %get3A_556 : vector<16xi32> to vector<16xi32>
      %swap3A_558 = arith.constant 144 : index
      %swap3A_559 = tpu.vector_load %arg5[%swap3A_558] {strides = array<i32>} : memref<240xi32, #tpu.memory_space<vmem>>, vector<16xi32>,
      %swap3A_560 = vector.shape_cast %swap3A_559 : vector<16xi32> to vector<16xi32>
      %swap3A_561 = vector.shape_cast %get3A_557 : vector<16xi32> to vector<16xi32>
      tpu.vector_store %arg5[%swap3A_558], %swap3A_561 {strides = array<i32>} : memref<240xi32, #tpu.memory_space<vmem>>, vector<16xi32>,
      %get3A_562 = arith.constant 144 : index
      %get3A_563 = tpu.vector_load %arg8[%get3A_562] {strides = array<i32>} : memref<240xi32, #tpu.memory_space<vmem>>, vector<16xi32>,
      %get3A_564 = vector.shape_cast %get3A_563 : vector<16xi32> to vector<16xi32>
      %swap3A_565 = arith.constant 144 : index
      %swap3A_566 = tpu.vector_load %arg6[%swap3A_565] {strides = array<i32>} : memref<240xi32, #tpu.memory_space<vmem>>, vector<16xi32>,
      %swap3A_567 = vector.shape_cast %swap3A_566 : vector<16xi32> to vector<16xi32>
      %swap3A_568 = vector.shape_cast %get3A_564 : vector<16xi32> to vector<16xi32>
      tpu.vector_store %arg6[%swap3A_565], %swap3A_568 {strides = array<i32>} : memref<240xi32, #tpu.memory_space<vmem>>, vector<16xi32>,
      %get3A_569 = arith.constant 160 : index
      %get3A_570 = tpu.vector_load %arg7[%get3A_569] {strides = array<i32>} : memref<240xi32, #tpu.memory_space<vmem>>, vector<16xi32>,
      %get3A_571 = vector.shape_cast %get3A_570 : vector<16xi32> to vector<16xi32>
      %swap3A_572 = arith.constant 160 : index
      %swap3A_573 = tpu.vector_load %arg5[%swap3A_572] {strides = array<i32>} : memref<240xi32, #tpu.memory_space<vmem>>, vector<16xi32>,
      %swap3A_574 = vector.shape_cast %swap3A_573 : vector<16xi32> to vector<16xi32>
      %swap3A_575 = vector.shape_cast %get3A_571 : vector<16xi32> to vector<16xi32>
      tpu.vector_store %arg5[%swap3A_572], %swap3A_575 {strides = array<i32>} : memref<240xi32, #tpu.memory_space<vmem>>, vector<16xi32>,
      %get3A_576 = arith.constant 160 : index
      %get3A_577 = tpu.vector_load %arg8[%get3A_576] {strides = array<i32>} : memref<240xi32, #tpu.memory_space<vmem>>, vector<16xi32>,
      %get3A_578 = vector.shape_cast %get3A_577 : vector<16xi32> to vector<16xi32>
      %swap3A_579 = arith.constant 160 : index
      %swap3A_580 = tpu.vector_load %arg6[%swap3A_579] {strides = array<i32>} : memref<240xi32, #tpu.memory_space<vmem>>, vector<16xi32>,
      %swap3A_581 = vector.shape_cast %swap3A_580 : vector<16xi32> to vector<16xi32>
      %swap3A_582 = vector.shape_cast %get3A_578 : vector<16xi32> to vector<16xi32>
      tpu.vector_store %arg6[%swap3A_579], %swap3A_582 {strides = array<i32>} : memref<240xi32, #tpu.memory_space<vmem>>, vector<16xi32>,
      %get3A_583 = arith.constant 176 : index
      %get3A_584 = tpu.vector_load %arg7[%get3A_583] {strides = array<i32>} : memref<240xi32, #tpu.memory_space<vmem>>, vector<16xi32>,
      %get3A_585 = vector.shape_cast %get3A_584 : vector<16xi32> to vector<16xi32>
      %swap3A_586 = arith.constant 176 : index
      %swap3A_587 = tpu.vector_load %arg5[%swap3A_586] {strides = array<i32>} : memref<240xi32, #tpu.memory_space<vmem>>, vector<16xi32>,
      %swap3A_588 = vector.shape_cast %swap3A_587 : vector<16xi32> to vector<16xi32>
      %swap3A_589 = vector.shape_cast %get3A_585 : vector<16xi32> to vector<16xi32>
      tpu.vector_store %arg5[%swap3A_586], %swap3A_589 {strides = array<i32>} : memref<240xi32, #tpu.memory_space<vmem>>, vector<16xi32>,
      %get3A_590 = arith.constant 176 : index
      %get3A_591 = tpu.vector_load %arg8[%get3A_590] {strides = array<i32>} : memref<240xi32, #tpu.memory_space<vmem>>, vector<16xi32>,
      %get3A_592 = vector.shape_cast %get3A_591 : vector<16xi32> to vector<16xi32>
      %swap3A_593 = arith.constant 176 : index
      %swap3A_594 = tpu.vector_load %arg6[%swap3A_593] {strides = array<i32>} : memref<240xi32, #tpu.memory_space<vmem>>, vector<16xi32>,
      %swap3A_595 = vector.shape_cast %swap3A_594 : vector<16xi32> to vector<16xi32>
      %swap3A_596 = vector.shape_cast %get3A_592 : vector<16xi32> to vector<16xi32>
      tpu.vector_store %arg6[%swap3A_593], %swap3A_596 {strides = array<i32>} : memref<240xi32, #tpu.memory_space<vmem>>, vector<16xi32>,
      %get3A_597 = arith.constant 192 : index
      %get3A_598 = tpu.vector_load %arg7[%get3A_597] {strides = array<i32>} : memref<240xi32, #tpu.memory_space<vmem>>, vector<16xi32>,
      %get3A_599 = vector.shape_cast %get3A_598 : vector<16xi32> to vector<16xi32>
      %swap3A_600 = arith.constant 192 : index
      %swap3A_601 = tpu.vector_load %arg5[%swap3A_600] {strides = array<i32>} : memref<240xi32, #tpu.memory_space<vmem>>, vector<16xi32>,
      %swap3A_602 = vector.shape_cast %swap3A_601 : vector<16xi32> to vector<16xi32>
      %swap3A_603 = vector.shape_cast %get3A_599 : vector<16xi32> to vector<16xi32>
      tpu.vector_store %arg5[%swap3A_600], %swap3A_603 {strides = array<i32>} : memref<240xi32, #tpu.memory_space<vmem>>, vector<16xi32>,
      %get3A_604 = arith.constant 192 : index
      %get3A_605 = tpu.vector_load %arg8[%get3A_604] {strides = array<i32>} : memref<240xi32, #tpu.memory_space<vmem>>, vector<16xi32>,
      %get3A_606 = vector.shape_cast %get3A_605 : vector<16xi32> to vector<16xi32>
      %swap3A_607 = arith.constant 192 : index
      %swap3A_608 = tpu.vector_load %arg6[%swap3A_607] {strides = array<i32>} : memref<240xi32, #tpu.memory_space<vmem>>, vector<16xi32>,
      %swap3A_609 = vector.shape_cast %swap3A_608 : vector<16xi32> to vector<16xi32>
      %swap3A_610 = vector.shape_cast %get3A_606 : vector<16xi32> to vector<16xi32>
      tpu.vector_store %arg6[%swap3A_607], %swap3A_610 {strides = array<i32>} : memref<240xi32, #tpu.memory_space<vmem>>, vector<16xi32>,
      %get3A_611 = arith.constant 208 : index
      %get3A_612 = tpu.vector_load %arg7[%get3A_611] {strides = array<i32>} : memref<240xi32, #tpu.memory_space<vmem>>, vector<16xi32>,
      %get3A_613 = vector.shape_cast %get3A_612 : vector<16xi32> to vector<16xi32>
      %swap3A_614 = arith.constant 208 : index
      %swap3A_615 = tpu.vector_load %arg5[%swap3A_614] {strides = array<i32>} : memref<240xi32, #tpu.memory_space<vmem>>, vector<16xi32>,
      %swap3A_616 = vector.shape_cast %swap3A_615 : vector<16xi32> to vector<16xi32>
      %swap3A_617 = vector.shape_cast %get3A_613 : vector<16xi32> to vector<16xi32>
      tpu.vector_store %arg5[%swap3A_614], %swap3A_617 {strides = array<i32>} : memref<240xi32, #tpu.memory_space<vmem>>, vector<16xi32>,
      %get3A_618 = arith.constant 208 : index
      %get3A_619 = tpu.vector_load %arg8[%get3A_618] {strides = array<i32>} : memref<240xi32, #tpu.memory_space<vmem>>, vector<16xi32>,
      %get3A_620 = vector.shape_cast %get3A_619 : vector<16xi32> to vector<16xi32>
      %swap3A_621 = arith.constant 208 : index
      %swap3A_622 = tpu.vector_load %arg6[%swap3A_621] {strides = array<i32>} : memref<240xi32, #tpu.memory_space<vmem>>, vector<16xi32>,
      %swap3A_623 = vector.shape_cast %swap3A_622 : vector<16xi32> to vector<16xi32>
      %swap3A_624 = vector.shape_cast %get3A_620 : vector<16xi32> to vector<16xi32>
      tpu.vector_store %arg6[%swap3A_621], %swap3A_624 {strides = array<i32>} : memref<240xi32, #tpu.memory_space<vmem>>, vector<16xi32>,
      %get3A_625 = arith.constant 224 : index
      %get3A_626 = tpu.vector_load %arg7[%get3A_625] {strides = array<i32>} : memref<240xi32, #tpu.memory_space<vmem>>, vector<16xi32>,
      %get3A_627 = vector.shape_cast %get3A_626 : vector<16xi32> to vector<16xi32>
      %swap3A_628 = arith.constant 224 : index
      %swap3A_629 = tpu.vector_load %arg5[%swap3A_628] {strides = array<i32>} : memref<240xi32, #tpu.memory_space<vmem>>, vector<16xi32>,
      %swap3A_630 = vector.shape_cast %swap3A_629 : vector<16xi32> to vector<16xi32>
      %swap3A_631 = vector.shape_cast %get3A_627 : vector<16xi32> to vector<16xi32>
      tpu.vector_store %arg5[%swap3A_628], %swap3A_631 {strides = array<i32>} : memref<240xi32, #tpu.memory_space<vmem>>, vector<16xi32>,
      %get3A_632 = arith.constant 224 : index
      %get3A_633 = tpu.vector_load %arg8[%get3A_632] {strides = array<i32>} : memref<240xi32, #tpu.memory_space<vmem>>, vector<16xi32>,
      %get3A_634 = vector.shape_cast %get3A_633 : vector<16xi32> to vector<16xi32>
      %swap3A_635 = arith.constant 224 : index
      %swap3A_636 = tpu.vector_load %arg6[%swap3A_635] {strides = array<i32>} : memref<240xi32, #tpu.memory_space<vmem>>, vector<16xi32>,
      %swap3A_637 = vector.shape_cast %swap3A_636 : vector<16xi32> to vector<16xi32>
      %swap3A_638 = vector.shape_cast %get3A_634 : vector<16xi32> to vector<16xi32>
      tpu.vector_store %arg6[%swap3A_635], %swap3A_638 {strides = array<i32>} : memref<240xi32, #tpu.memory_space<vmem>>, vector<16xi32>,
    }
    %scan3A_208 = arith.constant 41 : i32
    %dma_wait3A_209 = arith.constant 0 : i32
    %dma_wait3A_210 = arith.constant 0 : i32
    %dma_wait3A_211 = tpu.memref_slice %arg16[%dma_wait3A_209, %dma_wait3A_210] : memref<10000x128xf32, #tpu.memory_space<vmem_shared>> -> memref<10000x128xf32, #tpu.memory_space<vmem_shared>>
    tpu.wait_indirect_dma semaphore(%arg20 : memref<!tpu.dma_semaphore, #tpu.memory_space<semaphore_mem>>) src(%arg12 : memref<80x128xf32, #tpu.memory_space<vmem>>) dst(%dma_wait3A_211 : memref<10000x128xf32, #tpu.memory_space<vmem_shared>>)
    %dma_wait3A_212 = arith.constant 0 : i32
    %dma_wait3A_213 = arith.constant 0 : i32
    %dma_wait3A_214 = tpu.memref_slice %arg16[%dma_wait3A_212, %dma_wait3A_213] : memref<10000x128xf32, #tpu.memory_space<vmem_shared>> -> memref<10000x128xf32, #tpu.memory_space<vmem_shared>>
    tpu.wait_indirect_dma semaphore(%arg21 : memref<!tpu.dma_semaphore, #tpu.memory_space<semaphore_mem>>) src(%arg13 : memref<80x128xf32, #tpu.memory_space<vmem>>) dst(%dma_wait3A_214 : memref<10000x128xf32, #tpu.memory_space<vmem_shared>>)
    %dma_wait3A_215 = arith.constant 0 : i32
    %dma_wait3A_216 = arith.constant 0 : i32
    %dma_wait3A_217 = tpu.memref_slice %arg16[%dma_wait3A_215, %dma_wait3A_216] : memref<10000x128xf32, #tpu.memory_space<vmem_shared>> -> memref<10000x128xf32, #tpu.memory_space<vmem_shared>>
    tpu.wait_indirect_dma semaphore(%arg22 : memref<!tpu.dma_semaphore, #tpu.memory_space<semaphore_mem>>) src(%arg14 : memref<80x128xf32, #tpu.memory_space<vmem>>) dst(%dma_wait3A_217 : memref<10000x128xf32, #tpu.memory_space<vmem_shared>>)
    %add3A_218 = arith.constant 9840 : i32
    %add3A_219 = arith.addi %mul3A_8, %add3A_218 : i32
    "tpu.region"() ({
      %run_scoped3A = tpu.sem_alloc : memref<!tpu.dma_semaphore, #tpu.memory_space<semaphore_mem>>
      %dma_start3A_256 = arith.constant 0 : i32
      %dma_start3A_257 = tpu.memref_slice %arg5[%dma_start3A_256] : memref<240xi32, #tpu.memory_space<vmem>> -> memref<80xi32, #tpu.memory_space<vmem>>
      %dma_start3A_258 = tpu.memref_slice %arg3[%add3A_219] : memref<640000xi32, #tpu.memory_space<hbm>> -> memref<80xi32, #tpu.memory_space<hbm>>
      %dma_start3A_259 = arith.constant 0 : i32
      %dma_start3A_260 = tpu.memref_slice %arg5[%dma_start3A_259] : memref<240xi32, #tpu.memory_space<vmem>> -> memref<80xi32, #tpu.memory_space<vmem>>
      %dma_start3A_261 = tpu.memref_slice %arg3[%add3A_219] : memref<640000xi32, #tpu.memory_space<hbm>> -> memref<80xi32, #tpu.memory_space<hbm>>
      tpu.enqueue_dma source(%dma_start3A_261 : memref<80xi32, #tpu.memory_space<hbm>>) target(%dma_start3A_260 : memref<80xi32, #tpu.memory_space<vmem>>) target_semaphore(%run_scoped3A : memref<!tpu.dma_semaphore, #tpu.memory_space<semaphore_mem>>)
      %dma_wait3A_262 = arith.constant 0 : i32
      %dma_wait3A_263 = tpu.memref_slice %arg5[%dma_wait3A_262] : memref<240xi32, #tpu.memory_space<vmem>> -> memref<80xi32, #tpu.memory_space<vmem>>
      %dma_wait3A_264 = tpu.memref_slice %arg3[%add3A_219] : memref<640000xi32, #tpu.memory_space<hbm>> -> memref<80xi32, #tpu.memory_space<hbm>>
      %dma_wait3A_265 = arith.constant 0 : i32
      %dma_wait3A_266 = tpu.memref_slice %arg5[%dma_wait3A_265] : memref<240xi32, #tpu.memory_space<vmem>> -> memref<80xi32, #tpu.memory_space<vmem>>
      %dma_wait3A_267 = tpu.memref_slice %arg3[%add3A_219] : memref<640000xi32, #tpu.memory_space<hbm>> -> memref<80xi32, #tpu.memory_space<hbm>>
      tpu.wait_dma2 semaphore(%run_scoped3A : memref<!tpu.dma_semaphore, #tpu.memory_space<semaphore_mem>>) src(%dma_wait3A_267 : memref<80xi32, #tpu.memory_space<hbm>>) dst(%dma_wait3A_266 : memref<80xi32, #tpu.memory_space<vmem>>)
      tpu.yield
    }) : () -> ()
    %add3A_220 = arith.constant 320000 : i32
    %add3A_221 = arith.addi %add3A_220, %add3A_219 : i32
    "tpu.region"() ({
      %run_scoped3A = tpu.sem_alloc : memref<!tpu.dma_semaphore, #tpu.memory_space<semaphore_mem>>
      %dma_start3A_256 = tpu.memref_slice %arg3[%add3A_221] : memref<640000xi32, #tpu.memory_space<hbm>> -> memref<80xi32, #tpu.memory_space<hbm>>
      %dma_start3A_257 = tpu.memref_slice %arg3[%add3A_221] : memref<640000xi32, #tpu.memory_space<hbm>> -> memref<80xi32, #tpu.memory_space<hbm>>
      tpu.enqueue_dma source(%dma_start3A_257 : memref<80xi32, #tpu.memory_space<hbm>>) target(%arg9 : memref<80xi32, #tpu.memory_space<vmem>>) target_semaphore(%run_scoped3A : memref<!tpu.dma_semaphore, #tpu.memory_space<semaphore_mem>>)
      %dma_wait3A_258 = tpu.memref_slice %arg3[%add3A_221] : memref<640000xi32, #tpu.memory_space<hbm>> -> memref<80xi32, #tpu.memory_space<hbm>>
      %dma_wait3A_259 = tpu.memref_slice %arg3[%add3A_221] : memref<640000xi32, #tpu.memory_space<hbm>> -> memref<80xi32, #tpu.memory_space<hbm>>
      tpu.wait_dma2 semaphore(%run_scoped3A : memref<!tpu.dma_semaphore, #tpu.memory_space<semaphore_mem>>) src(%dma_wait3A_259 : memref<80xi32, #tpu.memory_space<hbm>>) dst(%arg9 : memref<80xi32, #tpu.memory_space<vmem>>)
      tpu.yield
    }) : () -> ()
    %dma_start3A_222 = arith.constant 0 : i32
    %dma_start3A_223 = tpu.memref_slice %arg5[%dma_start3A_222] : memref<240xi32, #tpu.memory_space<vmem>> -> memref<80xi32, #tpu.memory_space<vmem>>
    %dma_start3A_224 = arith.constant 0 : i32
    %dma_start3A_225 = arith.constant 0 : i32
    %dma_start3A_226 = tpu.memref_slice %arg2[%dma_start3A_224, %dma_start3A_225] : memref<10000x128xf32, #tpu.memory_space<hbm>> -> memref<10000x128xf32, #tpu.memory_space<hbm>>
    tpu.enqueue_indirect_dma source(%dma_start3A_226 : memref<10000x128xf32, #tpu.memory_space<hbm>>) target(%arg12 : memref<80x128xf32, #tpu.memory_space<vmem>>) offsets(%dma_start3A_223 : memref<80xi32, #tpu.memory_space<vmem>>) semaphore(%arg17 : memref<!tpu.dma_semaphore, #tpu.memory_space<semaphore_mem>>)
    %dma_wait3A_227 = arith.constant 0 : i32
    %dma_wait3A_228 = tpu.memref_slice %arg5[%dma_wait3A_227] : memref<240xi32, #tpu.memory_space<vmem>> -> memref<80xi32, #tpu.memory_space<vmem>>
    %dma_wait3A_229 = arith.constant 0 : i32
    %dma_wait3A_230 = arith.constant 0 : i32
    %dma_wait3A_231 = tpu.memref_slice %arg2[%dma_wait3A_229, %dma_wait3A_230] : memref<10000x128xf32, #tpu.memory_space<hbm>> -> memref<10000x128xf32, #tpu.memory_space<hbm>>
    tpu.wait_indirect_dma semaphore(%arg17 : memref<!tpu.dma_semaphore, #tpu.memory_space<semaphore_mem>>) src(%dma_wait3A_231 : memref<10000x128xf32, #tpu.memory_space<hbm>>) dst(%arg12 : memref<80x128xf32, #tpu.memory_space<vmem>>)
    "tpu.region"() ({
      %run_scoped3A = tpu.sem_alloc : memref<!tpu.dma_semaphore, #tpu.memory_space<semaphore_mem>>
      %dma_start3A_256 = arith.constant 0 : i32
      %dma_start3A_257 = arith.constant 0 : i32
      %dma_start3A_258 = tpu.memref_slice %arg16[%dma_start3A_256, %dma_start3A_257] : memref<10000x128xf32, #tpu.memory_space<vmem_shared>> -> memref<10000x128xf32, #tpu.memory_space<vmem_shared>>
      tpu.enqueue_indirect_dma source(%arg12 : memref<80x128xf32, #tpu.memory_space<vmem>>) target(%dma_start3A_258 : memref<10000x128xf32, #tpu.memory_space<vmem_shared>>) offsets(%arg9 : memref<80xi32, #tpu.memory_space<vmem>>) semaphore(%run_scoped3A : memref<!tpu.dma_semaphore, #tpu.memory_space<semaphore_mem>>) {add = true}
      %dma_wait3A_259 = arith.constant 0 : i32
      %dma_wait3A_260 = arith.constant 0 : i32
      %dma_wait3A_261 = tpu.memref_slice %arg16[%dma_wait3A_259, %dma_wait3A_260] : memref<10000x128xf32, #tpu.memory_space<vmem_shared>> -> memref<10000x128xf32, #tpu.memory_space<vmem_shared>>
      tpu.wait_indirect_dma semaphore(%run_scoped3A : memref<!tpu.dma_semaphore, #tpu.memory_space<semaphore_mem>>) src(%arg12 : memref<80x128xf32, #tpu.memory_space<vmem>>) dst(%dma_wait3A_261 : memref<10000x128xf32, #tpu.memory_space<vmem_shared>>)
      tpu.yield
    }) : () -> ()
    %add3A_232 = arith.constant 9920 : i32
    %add3A_233 = arith.addi %mul3A_8, %add3A_232 : i32
    "tpu.region"() ({
      %run_scoped3A = tpu.sem_alloc : memref<!tpu.dma_semaphore, #tpu.memory_space<semaphore_mem>>
      %dma_start3A_256 = arith.constant 0 : i32
      %dma_start3A_257 = tpu.memref_slice %arg5[%dma_start3A_256] : memref<240xi32, #tpu.memory_space<vmem>> -> memref<80xi32, #tpu.memory_space<vmem>>
      %dma_start3A_258 = tpu.memref_slice %arg3[%add3A_233] : memref<640000xi32, #tpu.memory_space<hbm>> -> memref<80xi32, #tpu.memory_space<hbm>>
      %dma_start3A_259 = arith.constant 0 : i32
      %dma_start3A_260 = tpu.memref_slice %arg5[%dma_start3A_259] : memref<240xi32, #tpu.memory_space<vmem>> -> memref<80xi32, #tpu.memory_space<vmem>>
      %dma_start3A_261 = tpu.memref_slice %arg3[%add3A_233] : memref<640000xi32, #tpu.memory_space<hbm>> -> memref<80xi32, #tpu.memory_space<hbm>>
      tpu.enqueue_dma source(%dma_start3A_261 : memref<80xi32, #tpu.memory_space<hbm>>) target(%dma_start3A_260 : memref<80xi32, #tpu.memory_space<vmem>>) target_semaphore(%run_scoped3A : memref<!tpu.dma_semaphore, #tpu.memory_space<semaphore_mem>>)
      %dma_wait3A_262 = arith.constant 0 : i32
      %dma_wait3A_263 = tpu.memref_slice %arg5[%dma_wait3A_262] : memref<240xi32, #tpu.memory_space<vmem>> -> memref<80xi32, #tpu.memory_space<vmem>>
      %dma_wait3A_264 = tpu.memref_slice %arg3[%add3A_233] : memref<640000xi32, #tpu.memory_space<hbm>> -> memref<80xi32, #tpu.memory_space<hbm>>
      %dma_wait3A_265 = arith.constant 0 : i32
      %dma_wait3A_266 = tpu.memref_slice %arg5[%dma_wait3A_265] : memref<240xi32, #tpu.memory_space<vmem>> -> memref<80xi32, #tpu.memory_space<vmem>>
      %dma_wait3A_267 = tpu.memref_slice %arg3[%add3A_233] : memref<640000xi32, #tpu.memory_space<hbm>> -> memref<80xi32, #tpu.memory_space<hbm>>
      tpu.wait_dma2 semaphore(%run_scoped3A : memref<!tpu.dma_semaphore, #tpu.memory_space<semaphore_mem>>) src(%dma_wait3A_267 : memref<80xi32, #tpu.memory_space<hbm>>) dst(%dma_wait3A_266 : memref<80xi32, #tpu.memory_space<vmem>>)
      tpu.yield
    }) : () -> ()
    %add3A_234 = arith.constant 320000 : i32
    %add3A_235 = arith.addi %add3A_234, %add3A_233 : i32
    "tpu.region"() ({
      %run_scoped3A = tpu.sem_alloc : memref<!tpu.dma_semaphore, #tpu.memory_space<semaphore_mem>>
      %dma_start3A_256 = tpu.memref_slice %arg3[%add3A_235] : memref<640000xi32, #tpu.memory_space<hbm>> -> memref<80xi32, #tpu.memory_space<hbm>>
      %dma_start3A_257 = tpu.memref_slice %arg3[%add3A_235] : memref<640000xi32, #tpu.memory_space<hbm>> -> memref<80xi32, #tpu.memory_space<hbm>>
      tpu.enqueue_dma source(%dma_start3A_257 : memref<80xi32, #tpu.memory_space<hbm>>) target(%arg9 : memref<80xi32, #tpu.memory_space<vmem>>) target_semaphore(%run_scoped3A : memref<!tpu.dma_semaphore, #tpu.memory_space<semaphore_mem>>)
      %dma_wait3A_258 = tpu.memref_slice %arg3[%add3A_235] : memref<640000xi32, #tpu.memory_space<hbm>> -> memref<80xi32, #tpu.memory_space<hbm>>
      %dma_wait3A_259 = tpu.memref_slice %arg3[%add3A_235] : memref<640000xi32, #tpu.memory_space<hbm>> -> memref<80xi32, #tpu.memory_space<hbm>>
      tpu.wait_dma2 semaphore(%run_scoped3A : memref<!tpu.dma_semaphore, #tpu.memory_space<semaphore_mem>>) src(%dma_wait3A_259 : memref<80xi32, #tpu.memory_space<hbm>>) dst(%arg9 : memref<80xi32, #tpu.memory_space<vmem>>)
      tpu.yield
    }) : () -> ()
    %dma_start3A_236 = arith.constant 0 : i32
    %dma_start3A_237 = tpu.memref_slice %arg5[%dma_start3A_236] : memref<240xi32, #tpu.memory_space<vmem>> -> memref<80xi32, #tpu.memory_space<vmem>>
    %dma_start3A_238 = arith.constant 0 : i32
    %dma_start3A_239 = arith.constant 0 : i32
    %dma_start3A_240 = tpu.memref_slice %arg2[%dma_start3A_238, %dma_start3A_239] : memref<10000x128xf32, #tpu.memory_space<hbm>> -> memref<10000x128xf32, #tpu.memory_space<hbm>>
    tpu.enqueue_indirect_dma source(%dma_start3A_240 : memref<10000x128xf32, #tpu.memory_space<hbm>>) target(%arg12 : memref<80x128xf32, #tpu.memory_space<vmem>>) offsets(%dma_start3A_237 : memref<80xi32, #tpu.memory_space<vmem>>) semaphore(%arg17 : memref<!tpu.dma_semaphore, #tpu.memory_space<semaphore_mem>>)
    %dma_wait3A_241 = arith.constant 0 : i32
    %dma_wait3A_242 = tpu.memref_slice %arg5[%dma_wait3A_241] : memref<240xi32, #tpu.memory_space<vmem>> -> memref<80xi32, #tpu.memory_space<vmem>>
    %dma_wait3A_243 = arith.constant 0 : i32
    %dma_wait3A_244 = arith.constant 0 : i32
    %dma_wait3A_245 = tpu.memref_slice %arg2[%dma_wait3A_243, %dma_wait3A_244] : memref<10000x128xf32, #tpu.memory_space<hbm>> -> memref<10000x128xf32, #tpu.memory_space<hbm>>
    tpu.wait_indirect_dma semaphore(%arg17 : memref<!tpu.dma_semaphore, #tpu.memory_space<semaphore_mem>>) src(%dma_wait3A_245 : memref<10000x128xf32, #tpu.memory_space<hbm>>) dst(%arg12 : memref<80x128xf32, #tpu.memory_space<vmem>>)
    "tpu.region"() ({
      %run_scoped3A = tpu.sem_alloc : memref<!tpu.dma_semaphore, #tpu.memory_space<semaphore_mem>>
      %dma_start3A_256 = arith.constant 0 : i32
      %dma_start3A_257 = arith.constant 0 : i32
      %dma_start3A_258 = tpu.memref_slice %arg16[%dma_start3A_256, %dma_start3A_257] : memref<10000x128xf32, #tpu.memory_space<vmem_shared>> -> memref<10000x128xf32, #tpu.memory_space<vmem_shared>>
      tpu.enqueue_indirect_dma source(%arg12 : memref<80x128xf32, #tpu.memory_space<vmem>>) target(%dma_start3A_258 : memref<10000x128xf32, #tpu.memory_space<vmem_shared>>) offsets(%arg9 : memref<80xi32, #tpu.memory_space<vmem>>) semaphore(%run_scoped3A : memref<!tpu.dma_semaphore, #tpu.memory_space<semaphore_mem>>) {add = true}
      %dma_wait3A_259 = arith.constant 0 : i32
      %dma_wait3A_260 = arith.constant 0 : i32
      %dma_wait3A_261 = tpu.memref_slice %arg16[%dma_wait3A_259, %dma_wait3A_260] : memref<10000x128xf32, #tpu.memory_space<vmem_shared>> -> memref<10000x128xf32, #tpu.memory_space<vmem_shared>>
      tpu.wait_indirect_dma semaphore(%run_scoped3A : memref<!tpu.dma_semaphore, #tpu.memory_space<semaphore_mem>>) src(%arg12 : memref<80x128xf32, #tpu.memory_space<vmem>>) dst(%dma_wait3A_261 : memref<10000x128xf32, #tpu.memory_space<vmem_shared>>)
      tpu.yield
    }) : () -> ()
    %barrier3A_246 = arith.constant 0 : index
    tpu.barrier barrier_id(%barrier3A_246)
    %mul3A_247 = arith.constant 624 : i32
    %mul3A_248 = arith.muli %arg1, %mul3A_247 : i32
    %mul3A_249 = arith.constant 624 : i32
    %mul3A_250 = arith.muli %arg1, %mul3A_249 : i32
    "tpu.region"() ({
      %run_scoped3A = tpu.sem_alloc : memref<!tpu.dma_semaphore, #tpu.memory_space<semaphore_mem>>
      %dma_start3A_256 = arith.constant 0 : i32
      %dma_start3A_257 = tpu.memref_slice %arg4[%arg0, %mul3A_250, %dma_start3A_256] : memref<2x10000x128xf32, #tpu.memory_space<hbm>> -> memref<1x624x128xf32, #tpu.memory_space<hbm>>
      %dma_start3A_258 = tpu.memref_squeeze %dma_start3A_257 : memref<1x624x128xf32, #tpu.memory_space<hbm>> -> memref<624x128xf32, #tpu.memory_space<hbm>>
      %dma_start3A_259 = arith.constant 0 : i32
      %dma_start3A_260 = tpu.memref_slice %arg16[%mul3A_248, %dma_start3A_259] : memref<10000x128xf32, #tpu.memory_space<vmem_shared>> -> memref<624x128xf32, #tpu.memory_space<vmem_shared>>
      tpu.enqueue_dma source(%dma_start3A_260 : memref<624x128xf32, #tpu.memory_space<vmem_shared>>) target(%dma_start3A_258 : memref<624x128xf32, #tpu.memory_space<hbm>>) target_semaphore(%run_scoped3A : memref<!tpu.dma_semaphore, #tpu.memory_space<semaphore_mem>>)
      %dma_wait3A_261 = arith.constant 0 : i32
      %dma_wait3A_262 = tpu.memref_slice %arg4[%arg0, %mul3A_250, %dma_wait3A_261] : memref<2x10000x128xf32, #tpu.memory_space<hbm>> -> memref<1x624x128xf32, #tpu.memory_space<hbm>>
      %dma_wait3A_263 = tpu.memref_squeeze %dma_wait3A_262 : memref<1x624x128xf32, #tpu.memory_space<hbm>> -> memref<624x128xf32, #tpu.memory_space<hbm>>
      %dma_wait3A_264 = arith.constant 0 : i32
      %dma_wait3A_265 = tpu.memref_slice %arg16[%mul3A_248, %dma_wait3A_264] : memref<10000x128xf32, #tpu.memory_space<vmem_shared>> -> memref<624x128xf32, #tpu.memory_space<vmem_shared>>
      tpu.wait_dma2 semaphore(%run_scoped3A : memref<!tpu.dma_semaphore, #tpu.memory_space<semaphore_mem>>) src(%dma_wait3A_265 : memref<624x128xf32, #tpu.memory_space<vmem_shared>>) dst(%dma_wait3A_263 : memref<624x128xf32, #tpu.memory_space<hbm>>)
      tpu.yield
    }) : () -> ()
    %eq3A_251 = arith.constant 15 : i32
    %eq3A_252 = arith.cmpi eq, %arg1, %eq3A_251 : i32
    %convert_element_type3A_253 = arith.extui %eq3A_252 : i1 to i32
    %cond3A_254 = arith.constant 0 : i32
    %cond3A_255 = arith.cmpi ne, %convert_element_type3A_253, %cond3A_254 : i32
    scf.if %cond3A_255 {
      "tpu.region"() ({
        %run_scoped3A = tpu.sem_alloc : memref<!tpu.dma_semaphore, #tpu.memory_space<semaphore_mem>>
        %dma_start3A_256 = arith.constant 9984 : i32
        %dma_start3A_257 = arith.constant 0 : i32
        %dma_start3A_258 = tpu.memref_slice %arg4[%arg0, %dma_start3A_256, %dma_start3A_257] : memref<2x10000x128xf32, #tpu.memory_space<hbm>> -> memref<1x16x128xf32, #tpu.memory_space<hbm>>
        %dma_start3A_259 = tpu.memref_squeeze %dma_start3A_258 : memref<1x16x128xf32, #tpu.memory_space<hbm>> -> memref<16x128xf32, #tpu.memory_space<hbm>>
        %dma_start3A_260 = arith.constant 9984 : i32
        %dma_start3A_261 = arith.constant 0 : i32
        %dma_start3A_262 = tpu.memref_slice %arg16[%dma_start3A_260, %dma_start3A_261] : memref<10000x128xf32, #tpu.memory_space<vmem_shared>> -> memref<16x128xf32, #tpu.memory_space<vmem_shared>>
        tpu.enqueue_dma source(%dma_start3A_262 : memref<16x128xf32, #tpu.memory_space<vmem_shared>>) target(%dma_start3A_259 : memref<16x128xf32, #tpu.memory_space<hbm>>) target_semaphore(%run_scoped3A : memref<!tpu.dma_semaphore, #tpu.memory_space<semaphore_mem>>)
        %dma_wait3A_263 = arith.constant 9984 : i32
        %dma_wait3A_264 = arith.constant 0 : i32
        %dma_wait3A_265 = tpu.memref_slice %arg4[%arg0, %dma_wait3A_263, %dma_wait3A_264] : memref<2x10000x128xf32, #tpu.memory_space<hbm>> -> memref<1x16x128xf32, #tpu.memory_space<hbm>>
        %dma_wait3A_266 = tpu.memref_squeeze %dma_wait3A_265 : memref<1x16x128xf32, #tpu.memory_space<hbm>> -> memref<16x128xf32, #tpu.memory_space<hbm>>
        %dma_wait3A_267 = arith.constant 9984 : i32
        %dma_wait3A_268 = arith.constant 0 : i32
        %dma_wait3A_269 = tpu.memref_slice %arg16[%dma_wait3A_267, %dma_wait3A_268] : memref<10000x128xf32, #tpu.memory_space<vmem_shared>> -> memref<16x128xf32, #tpu.memory_space<vmem_shared>>
        tpu.wait_dma2 semaphore(%run_scoped3A : memref<!tpu.dma_semaphore, #tpu.memory_space<semaphore_mem>>) src(%dma_wait3A_269 : memref<16x128xf32, #tpu.memory_space<vmem_shared>>) dst(%dma_wait3A_266 : memref<16x128xf32, #tpu.memory_space<hbm>>)
        tpu.yield
      }) : () -> ()
    } else {
    }
    return
  }
}

#map = affine_map<(d0, d1) -> (0, 0)>
#map1 = affine_map<(d0, d1) -> (0)>
#map2 = affine_map<(d0, d1) -> (0, 0, 0)>
module attributes {stable_mosaic.version = 14 : i64} {
  func.func @seg(%arg0: i32, %arg1: i32, %arg2: memref<10000x128xf32, #tpu.memory_space<hbm>>, %arg3: memref<640000xi32, #tpu.memory_space<hbm>>, %arg4: memref<2x10000x128xf32, #tpu.memory_space<hbm>>, %arg5: memref<240xi32, #tpu.memory_space<vmem>>, %arg6: memref<240xi32, #tpu.memory_space<vmem>>, %arg7: memref<240xi32, #tpu.memory_space<vmem>>, %arg8: memref<240xi32, #tpu.memory_space<vmem>>, %arg9: memref<80xi32, #tpu.memory_space<vmem>>, %arg10: memref<80xi32, #tpu.memory_space<vmem>>, %arg11: memref<80xi32, #tpu.memory_space<vmem>>, %arg12: memref<80x128xf32, #tpu.memory_space<vmem>>, %arg13: memref<80x128xf32, #tpu.memory_space<vmem>>, %arg14: memref<80x128xf32, #tpu.memory_space<vmem>>, %arg15: memref<39x128xf32, #tpu.memory_space<vmem>>, %arg16: memref<10000x128xf32, #tpu.memory_space<vmem_shared>>, %arg17: memref<!tpu.dma_semaphore, #tpu.memory_space<semaphore_mem>>, %arg18: memref<!tpu.dma_semaphore, #tpu.memory_space<semaphore_mem>>, %arg19: memref<!tpu.dma_semaphore, #tpu.memory_space<semaphore_mem>>, %arg20: memref<!tpu.dma_semaphore, #tpu.memory_space<semaphore_mem>>, %arg21: memref<!tpu.dma_semaphore, #tpu.memory_space<semaphore_mem>>, %arg22: memref<!tpu.dma_semaphore, #tpu.memory_space<semaphore_mem>>, %arg23: memref<!tpu.dma_semaphore, #tpu.memory_space<semaphore_mem>>, %arg24: memref<!tpu.dma_semaphore, #tpu.memory_space<semaphore_mem>>) attributes {dimension_semantics = [#tpu.dimension_semantics<core_parallel>, #tpu.dimension_semantics<subcore_parallel>], iteration_bounds = array<i64: 2, 16>, scalar_prefetch = 0 : i64, scratch_operands = 20 : i64, tpu.core_type = #tpu.core_type<sc_vector_subcore>, window_params = [{transform_indices = #map}, {transform_indices = #map1}, {transform_indices = #map2}]} {
    %mul3A = arith.constant 2 : i32
    %mul3A_0 = arith.muli %arg1, %mul3A : i32
    %add3A = arith.addi %mul3A_0, %arg0 : i32
    %broadcast_in_dim3A = arith.constant 0.000000e+00 : f32
    %broadcast_in_dim3A_1 = vector.broadcast %broadcast_in_dim3A : f32 to vector<16xf32>
    %scan3A = arith.constant 0 : i32
    %scan3A_2 = arith.constant 0 : i32
    %scan3A_3 = arith.constant 39 : i32
    %scan3A_4 = arith.addi %scan3A_2, %scan3A_3 : i32
    %scan3A_5 = arith.constant 1 : i32
    scf.for %scan3A_256 = %scan3A_2 to %scan3A_4 step %scan3A_5  : i32 {
      %swap3A = arith.index_cast %scan3A_256 : i32 to index
      %swap3A_257 = arith.constant 0 : index
      %swap3A_258 = tpu.vector_load %arg15[%swap3A, %swap3A_257] {strides = array<i32>} : memref<39x128xf32, #tpu.memory_space<vmem>>, vector<1x16xf32>,
      %swap3A_259 = vector.shape_cast %swap3A_258 : vector<1x16xf32> to vector<16xf32>
      %swap3A_260 = vector.shape_cast %broadcast_in_dim3A_1 : vector<16xf32> to vector<1x16xf32>
      tpu.vector_store %arg15[%swap3A, %swap3A_257], %swap3A_260 {strides = array<i32>} : memref<39x128xf32, #tpu.memory_space<vmem>>, vector<1x16xf32>,
      %swap3A_261 = arith.index_cast %scan3A_256 : i32 to index
      %swap3A_262 = arith.constant 16 : index
      %swap3A_263 = tpu.vector_load %arg15[%swap3A_261, %swap3A_262] {strides = array<i32>} : memref<39x128xf32, #tpu.memory_space<vmem>>, vector<1x16xf32>,
      %swap3A_264 = vector.shape_cast %swap3A_263 : vector<1x16xf32> to vector<16xf32>
      %swap3A_265 = vector.shape_cast %broadcast_in_dim3A_1 : vector<16xf32> to vector<1x16xf32>
      tpu.vector_store %arg15[%swap3A_261, %swap3A_262], %swap3A_265 {strides = array<i32>} : memref<39x128xf32, #tpu.memory_space<vmem>>, vector<1x16xf32>,
      %swap3A_266 = arith.index_cast %scan3A_256 : i32 to index
      %swap3A_267 = arith.constant 32 : index
      %swap3A_268 = tpu.vector_load %arg15[%swap3A_266, %swap3A_267] {strides = array<i32>} : memref<39x128xf32, #tpu.memory_space<vmem>>, vector<1x16xf32>,
      %swap3A_269 = vector.shape_cast %swap3A_268 : vector<1x16xf32> to vector<16xf32>
      %swap3A_270 = vector.shape_cast %broadcast_in_dim3A_1 : vector<16xf32> to vector<1x16xf32>
      tpu.vector_store %arg15[%swap3A_266, %swap3A_267], %swap3A_270 {strides = array<i32>} : memref<39x128xf32, #tpu.memory_space<vmem>>, vector<1x16xf32>,
      %swap3A_271 = arith.index_cast %scan3A_256 : i32 to index
      %swap3A_272 = arith.constant 48 : index
      %swap3A_273 = tpu.vector_load %arg15[%swap3A_271, %swap3A_272] {strides = array<i32>} : memref<39x128xf32, #tpu.memory_space<vmem>>, vector<1x16xf32>,
      %swap3A_274 = vector.shape_cast %swap3A_273 : vector<1x16xf32> to vector<16xf32>
      %swap3A_275 = vector.shape_cast %broadcast_in_dim3A_1 : vector<16xf32> to vector<1x16xf32>
      tpu.vector_store %arg15[%swap3A_271, %swap3A_272], %swap3A_275 {strides = array<i32>} : memref<39x128xf32, #tpu.memory_space<vmem>>, vector<1x16xf32>,
      %swap3A_276 = arith.index_cast %scan3A_256 : i32 to index
      %swap3A_277 = arith.constant 64 : index
      %swap3A_278 = tpu.vector_load %arg15[%swap3A_276, %swap3A_277] {strides = array<i32>} : memref<39x128xf32, #tpu.memory_space<vmem>>, vector<1x16xf32>,
      %swap3A_279 = vector.shape_cast %swap3A_278 : vector<1x16xf32> to vector<16xf32>
      %swap3A_280 = vector.shape_cast %broadcast_in_dim3A_1 : vector<16xf32> to vector<1x16xf32>
      tpu.vector_store %arg15[%swap3A_276, %swap3A_277], %swap3A_280 {strides = array<i32>} : memref<39x128xf32, #tpu.memory_space<vmem>>, vector<1x16xf32>,
      %swap3A_281 = arith.index_cast %scan3A_256 : i32 to index
      %swap3A_282 = arith.constant 80 : index
      %swap3A_283 = tpu.vector_load %arg15[%swap3A_281, %swap3A_282] {strides = array<i32>} : memref<39x128xf32, #tpu.memory_space<vmem>>, vector<1x16xf32>,
      %swap3A_284 = vector.shape_cast %swap3A_283 : vector<1x16xf32> to vector<16xf32>
      %swap3A_285 = vector.shape_cast %broadcast_in_dim3A_1 : vector<16xf32> to vector<1x16xf32>
      tpu.vector_store %arg15[%swap3A_281, %swap3A_282], %swap3A_285 {strides = array<i32>} : memref<39x128xf32, #tpu.memory_space<vmem>>, vector<1x16xf32>,
      %swap3A_286 = arith.index_cast %scan3A_256 : i32 to index
      %swap3A_287 = arith.constant 96 : index
      %swap3A_288 = tpu.vector_load %arg15[%swap3A_286, %swap3A_287] {strides = array<i32>} : memref<39x128xf32, #tpu.memory_space<vmem>>, vector<1x16xf32>,
      %swap3A_289 = vector.shape_cast %swap3A_288 : vector<1x16xf32> to vector<16xf32>
      %swap3A_290 = vector.shape_cast %broadcast_in_dim3A_1 : vector<16xf32> to vector<1x16xf32>
      tpu.vector_store %arg15[%swap3A_286, %swap3A_287], %swap3A_290 {strides = array<i32>} : memref<39x128xf32, #tpu.memory_space<vmem>>, vector<1x16xf32>,
      %swap3A_291 = arith.index_cast %scan3A_256 : i32 to index
      %swap3A_292 = arith.constant 112 : index
      %swap3A_293 = tpu.vector_load %arg15[%swap3A_291, %swap3A_292] {strides = array<i32>} : memref<39x128xf32, #tpu.memory_space<vmem>>, vector<1x16xf32>,
      %swap3A_294 = vector.shape_cast %swap3A_293 : vector<1x16xf32> to vector<16xf32>
      %swap3A_295 = vector.shape_cast %broadcast_in_dim3A_1 : vector<16xf32> to vector<1x16xf32>
      tpu.vector_store %arg15[%swap3A_291, %swap3A_292], %swap3A_295 {strides = array<i32>} : memref<39x128xf32, #tpu.memory_space<vmem>>, vector<1x16xf32>,
    }
    %scan3A_6 = arith.constant 39 : i32
    %mul3A_7 = arith.constant 10000 : i32
    %mul3A_8 = arith.muli %add3A, %mul3A_7 : i32
    %mul3A_9 = arith.constant 624 : i32
    %mul3A_10 = arith.muli %arg1, %mul3A_9 : i32
    %add3A_11 = arith.constant 0 : i32
    %add3A_12 = arith.addi %mul3A_10, %add3A_11 : i32
    %dma_start3A = arith.constant 0 : i32
    %dma_start3A_13 = tpu.memref_slice %arg16[%add3A_12, %dma_start3A] : memref<10000x128xf32, #tpu.memory_space<vmem_shared>> -> memref<39x128xf32, #tpu.memory_space<vmem_shared>>
    %dma_start3A_14 = arith.constant 0 : i32
    %dma_start3A_15 = tpu.memref_slice %arg16[%add3A_12, %dma_start3A_14] : memref<10000x128xf32, #tpu.memory_space<vmem_shared>> -> memref<39x128xf32, #tpu.memory_space<vmem_shared>>
    tpu.enqueue_dma source(%arg15 : memref<39x128xf32, #tpu.memory_space<vmem>>) target(%dma_start3A_15 : memref<39x128xf32, #tpu.memory_space<vmem_shared>>) target_semaphore(%arg17 : memref<!tpu.dma_semaphore, #tpu.memory_space<semaphore_mem>>)
    %mul3A_16 = arith.constant 624 : i32
    %mul3A_17 = arith.muli %arg1, %mul3A_16 : i32
    %add3A_18 = arith.constant 39 : i32
    %add3A_19 = arith.addi %mul3A_17, %add3A_18 : i32
    %dma_start3A_20 = arith.constant 0 : i32
    %dma_start3A_21 = tpu.memref_slice %arg16[%add3A_19, %dma_start3A_20] : memref<10000x128xf32, #tpu.memory_space<vmem_shared>> -> memref<39x128xf32, #tpu.memory_space<vmem_shared>>
    %dma_start3A_22 = arith.constant 0 : i32
    %dma_start3A_23 = tpu.memref_slice %arg16[%add3A_19, %dma_start3A_22] : memref<10000x128xf32, #tpu.memory_space<vmem_shared>> -> memref<39x128xf32, #tpu.memory_space<vmem_shared>>
    tpu.enqueue_dma source(%arg15 : memref<39x128xf32, #tpu.memory_space<vmem>>) target(%dma_start3A_23 : memref<39x128xf32, #tpu.memory_space<vmem_shared>>) target_semaphore(%arg17 : memref<!tpu.dma_semaphore, #tpu.memory_space<semaphore_mem>>)
    %mul3A_24 = arith.constant 624 : i32
    %mul3A_25 = arith.muli %arg1, %mul3A_24 : i32
    %add3A_26 = arith.constant 78 : i32
    %add3A_27 = arith.addi %mul3A_25, %add3A_26 : i32
    %dma_start3A_28 = arith.constant 0 : i32
    %dma_start3A_29 = tpu.memref_slice %arg16[%add3A_27, %dma_start3A_28] : memref<10000x128xf32, #tpu.memory_space<vmem_shared>> -> memref<39x128xf32, #tpu.memory_space<vmem_shared>>
    %dma_start3A_30 = arith.constant 0 : i32
    %dma_start3A_31 = tpu.memref_slice %arg16[%add3A_27, %dma_start3A_30] : memref<10000x128xf32, #tpu.memory_space<vmem_shared>> -> memref<39x128xf32, #tpu.memory_space<vmem_shared>>
    tpu.enqueue_dma source(%arg15 : memref<39x128xf32, #tpu.memory_space<vmem>>) target(%dma_start3A_31 : memref<39x128xf32, #tpu.memory_space<vmem_shared>>) target_semaphore(%arg17 : memref<!tpu.dma_semaphore, #tpu.memory_space<semaphore_mem>>)
    %mul3A_32 = arith.constant 624 : i32
    %mul3A_33 = arith.muli %arg1, %mul3A_32 : i32
    %add3A_34 = arith.constant 117 : i32
    %add3A_35 = arith.addi %mul3A_33, %add3A_34 : i32
    %dma_start3A_36 = arith.constant 0 : i32
    %dma_start3A_37 = tpu.memref_slice %arg16[%add3A_35, %dma_start3A_36] : memref<10000x128xf32, #tpu.memory_space<vmem_shared>> -> memref<39x128xf32, #tpu.memory_space<vmem_shared>>
    %dma_start3A_38 = arith.constant 0 : i32
    %dma_start3A_39 = tpu.memref_slice %arg16[%add3A_35, %dma_start3A_38] : memref<10000x128xf32, #tpu.memory_space<vmem_shared>> -> memref<39x128xf32, #tpu.memory_space<vmem_shared>>
    tpu.enqueue_dma source(%arg15 : memref<39x128xf32, #tpu.memory_space<vmem>>) target(%dma_start3A_39 : memref<39x128xf32, #tpu.memory_space<vmem_shared>>) target_semaphore(%arg17 : memref<!tpu.dma_semaphore, #tpu.memory_space<semaphore_mem>>)
    %mul3A_40 = arith.constant 624 : i32
    %mul3A_41 = arith.muli %arg1, %mul3A_40 : i32
    %add3A_42 = arith.constant 156 : i32
    %add3A_43 = arith.addi %mul3A_41, %add3A_42 : i32
    %dma_start3A_44 = arith.constant 0 : i32
    %dma_start3A_45 = tpu.memref_slice %arg16[%add3A_43, %dma_start3A_44] : memref<10000x128xf32, #tpu.memory_space<vmem_shared>> -> memref<39x128xf32, #tpu.memory_space<vmem_shared>>
    %dma_start3A_46 = arith.constant 0 : i32
    %dma_start3A_47 = tpu.memref_slice %arg16[%add3A_43, %dma_start3A_46] : memref<10000x128xf32, #tpu.memory_space<vmem_shared>> -> memref<39x128xf32, #tpu.memory_space<vmem_shared>>
    tpu.enqueue_dma source(%arg15 : memref<39x128xf32, #tpu.memory_space<vmem>>) target(%dma_start3A_47 : memref<39x128xf32, #tpu.memory_space<vmem_shared>>) target_semaphore(%arg17 : memref<!tpu.dma_semaphore, #tpu.memory_space<semaphore_mem>>)
    %mul3A_48 = arith.constant 624 : i32
    %mul3A_49 = arith.muli %arg1, %mul3A_48 : i32
    %add3A_50 = arith.constant 195 : i32
    %add3A_51 = arith.addi %mul3A_49, %add3A_50 : i32
    %dma_start3A_52 = arith.constant 0 : i32
    %dma_start3A_53 = tpu.memref_slice %arg16[%add3A_51, %dma_start3A_52] : memref<10000x128xf32, #tpu.memory_space<vmem_shared>> -> memref<39x128xf32, #tpu.memory_space<vmem_shared>>
    %dma_start3A_54 = arith.constant 0 : i32
    %dma_start3A_55 = tpu.memref_slice %arg16[%add3A_51, %dma_start3A_54] : memref<10000x128xf32, #tpu.memory_space<vmem_shared>> -> memref<39x128xf32, #tpu.memory_space<vmem_shared>>
    tpu.enqueue_dma source(%arg15 : memref<39x128xf32, #tpu.memory_space<vmem>>) target(%dma_start3A_55 : memref<39x128xf32, #tpu.memory_space<vmem_shared>>) target_semaphore(%arg17 : memref<!tpu.dma_semaphore, #tpu.memory_space<semaphore_mem>>)
    %mul3A_56 = arith.constant 624 : i32
    %mul3A_57 = arith.muli %arg1, %mul3A_56 : i32
    %add3A_58 = arith.constant 234 : i32
    %add3A_59 = arith.addi %mul3A_57, %add3A_58 : i32
    %dma_start3A_60 = arith.constant 0 : i32
    %dma_start3A_61 = tpu.memref_slice %arg16[%add3A_59, %dma_start3A_60] : memref<10000x128xf32, #tpu.memory_space<vmem_shared>> -> memref<39x128xf32, #tpu.memory_space<vmem_shared>>
    %dma_start3A_62 = arith.constant 0 : i32
    %dma_start3A_63 = tpu.memref_slice %arg16[%add3A_59, %dma_start3A_62] : memref<10000x128xf32, #tpu.memory_space<vmem_shared>> -> memref<39x128xf32, #tpu.memory_space<vmem_shared>>
    tpu.enqueue_dma source(%arg15 : memref<39x128xf32, #tpu.memory_space<vmem>>) target(%dma_start3A_63 : memref<39x128xf32, #tpu.memory_space<vmem_shared>>) target_semaphore(%arg17 : memref<!tpu.dma_semaphore, #tpu.memory_space<semaphore_mem>>)
    %mul3A_64 = arith.constant 624 : i32
    %mul3A_65 = arith.muli %arg1, %mul3A_64 : i32
    %add3A_66 = arith.constant 273 : i32
    %add3A_67 = arith.addi %mul3A_65, %add3A_66 : i32
    %dma_start3A_68 = arith.constant 0 : i32
    %dma_start3A_69 = tpu.memref_slice %arg16[%add3A_67, %dma_start3A_68] : memref<10000x128xf32, #tpu.memory_space<vmem_shared>> -> memref<39x128xf32, #tpu.memory_space<vmem_shared>>
    %dma_start3A_70 = arith.constant 0 : i32
    %dma_start3A_71 = tpu.memref_slice %arg16[%add3A_67, %dma_start3A_70] : memref<10000x128xf32, #tpu.memory_space<vmem_shared>> -> memref<39x128xf32, #tpu.memory_space<vmem_shared>>
    tpu.enqueue_dma source(%arg15 : memref<39x128xf32, #tpu.memory_space<vmem>>) target(%dma_start3A_71 : memref<39x128xf32, #tpu.memory_space<vmem_shared>>) target_semaphore(%arg17 : memref<!tpu.dma_semaphore, #tpu.memory_space<semaphore_mem>>)
    %mul3A_72 = arith.constant 624 : i32
    %mul3A_73 = arith.muli %arg1, %mul3A_72 : i32
    %add3A_74 = arith.constant 312 : i32
    %add3A_75 = arith.addi %mul3A_73, %add3A_74 : i32
    %dma_start3A_76 = arith.constant 0 : i32
    %dma_start3A_77 = tpu.memref_slice %arg16[%add3A_75, %dma_start3A_76] : memref<10000x128xf32, #tpu.memory_space<vmem_shared>> -> memref<39x128xf32, #tpu.memory_space<vmem_shared>>
    %dma_start3A_78 = arith.constant 0 : i32
    %dma_start3A_79 = tpu.memref_slice %arg16[%add3A_75, %dma_start3A_78] : memref<10000x128xf32, #tpu.memory_space<vmem_shared>> -> memref<39x128xf32, #tpu.memory_space<vmem_shared>>
    tpu.enqueue_dma source(%arg15 : memref<39x128xf32, #tpu.memory_space<vmem>>) target(%dma_start3A_79 : memref<39x128xf32, #tpu.memory_space<vmem_shared>>) target_semaphore(%arg17 : memref<!tpu.dma_semaphore, #tpu.memory_space<semaphore_mem>>)
    %mul3A_80 = arith.constant 624 : i32
    %mul3A_81 = arith.muli %arg1, %mul3A_80 : i32
    %add3A_82 = arith.constant 351 : i32
    %add3A_83 = arith.addi %mul3A_81, %add3A_82 : i32
    %dma_start3A_84 = arith.constant 0 : i32
    %dma_start3A_85 = tpu.memref_slice %arg16[%add3A_83, %dma_start3A_84] : memref<10000x128xf32, #tpu.memory_space<vmem_shared>> -> memref<39x128xf32, #tpu.memory_space<vmem_shared>>
    %dma_start3A_86 = arith.constant 0 : i32
    %dma_start3A_87 = tpu.memref_slice %arg16[%add3A_83, %dma_start3A_86] : memref<10000x128xf32, #tpu.memory_space<vmem_shared>> -> memref<39x128xf32, #tpu.memory_space<vmem_shared>>
    tpu.enqueue_dma source(%arg15 : memref<39x128xf32, #tpu.memory_space<vmem>>) target(%dma_start3A_87 : memref<39x128xf32, #tpu.memory_space<vmem_shared>>) target_semaphore(%arg17 : memref<!tpu.dma_semaphore, #tpu.memory_space<semaphore_mem>>)
    %mul3A_88 = arith.constant 624 : i32
    %mul3A_89 = arith.muli %arg1, %mul3A_88 : i32
    %add3A_90 = arith.constant 390 : i32
    %add3A_91 = arith.addi %mul3A_89, %add3A_90 : i32
    %dma_start3A_92 = arith.constant 0 : i32
    %dma_start3A_93 = tpu.memref_slice %arg16[%add3A_91, %dma_start3A_92] : memref<10000x128xf32, #tpu.memory_space<vmem_shared>> -> memref<39x128xf32, #tpu.memory_space<vmem_shared>>
    %dma_start3A_94 = arith.constant 0 : i32
    %dma_start3A_95 = tpu.memref_slice %arg16[%add3A_91, %dma_start3A_94] : memref<10000x128xf32, #tpu.memory_space<vmem_shared>> -> memref<39x128xf32, #tpu.memory_space<vmem_shared>>
    tpu.enqueue_dma source(%arg15 : memref<39x128xf32, #tpu.memory_space<vmem>>) target(%dma_start3A_95 : memref<39x128xf32, #tpu.memory_space<vmem_shared>>) target_semaphore(%arg17 : memref<!tpu.dma_semaphore, #tpu.memory_space<semaphore_mem>>)
    %mul3A_96 = arith.constant 624 : i32
    %mul3A_97 = arith.muli %arg1, %mul3A_96 : i32
    %add3A_98 = arith.constant 429 : i32
    %add3A_99 = arith.addi %mul3A_97, %add3A_98 : i32
    %dma_start3A_100 = arith.constant 0 : i32
    %dma_start3A_101 = tpu.memref_slice %arg16[%add3A_99, %dma_start3A_100] : memref<10000x128xf32, #tpu.memory_space<vmem_shared>> -> memref<39x128xf32, #tpu.memory_space<vmem_shared>>
    %dma_start3A_102 = arith.constant 0 : i32
    %dma_start3A_103 = tpu.memref_slice %arg16[%add3A_99, %dma_start3A_102] : memref<10000x128xf32, #tpu.memory_space<vmem_shared>> -> memref<39x128xf32, #tpu.memory_space<vmem_shared>>
    tpu.enqueue_dma source(%arg15 : memref<39x128xf32, #tpu.memory_space<vmem>>) target(%dma_start3A_103 : memref<39x128xf32, #tpu.memory_space<vmem_shared>>) target_semaphore(%arg17 : memref<!tpu.dma_semaphore, #tpu.memory_space<semaphore_mem>>)
    %mul3A_104 = arith.constant 624 : i32
    %mul3A_105 = arith.muli %arg1, %mul3A_104 : i32
    %add3A_106 = arith.constant 468 : i32
    %add3A_107 = arith.addi %mul3A_105, %add3A_106 : i32
    %dma_start3A_108 = arith.constant 0 : i32
    %dma_start3A_109 = tpu.memref_slice %arg16[%add3A_107, %dma_start3A_108] : memref<10000x128xf32, #tpu.memory_space<vmem_shared>> -> memref<39x128xf32, #tpu.memory_space<vmem_shared>>
    %dma_start3A_110 = arith.constant 0 : i32
    %dma_start3A_111 = tpu.memref_slice %arg16[%add3A_107, %dma_start3A_110] : memref<10000x128xf32, #tpu.memory_space<vmem_shared>> -> memref<39x128xf32, #tpu.memory_space<vmem_shared>>
    tpu.enqueue_dma source(%arg15 : memref<39x128xf32, #tpu.memory_space<vmem>>) target(%dma_start3A_111 : memref<39x128xf32, #tpu.memory_space<vmem_shared>>) target_semaphore(%arg17 : memref<!tpu.dma_semaphore, #tpu.memory_space<semaphore_mem>>)
    %mul3A_112 = arith.constant 624 : i32
    %mul3A_113 = arith.muli %arg1, %mul3A_112 : i32
    %add3A_114 = arith.constant 507 : i32
    %add3A_115 = arith.addi %mul3A_113, %add3A_114 : i32
    %dma_start3A_116 = arith.constant 0 : i32
    %dma_start3A_117 = tpu.memref_slice %arg16[%add3A_115, %dma_start3A_116] : memref<10000x128xf32, #tpu.memory_space<vmem_shared>> -> memref<39x128xf32, #tpu.memory_space<vmem_shared>>
    %dma_start3A_118 = arith.constant 0 : i32
    %dma_start3A_119 = tpu.memref_slice %arg16[%add3A_115, %dma_start3A_118] : memref<10000x128xf32, #tpu.memory_space<vmem_shared>> -> memref<39x128xf32, #tpu.memory_space<vmem_shared>>
    tpu.enqueue_dma source(%arg15 : memref<39x128xf32, #tpu.memory_space<vmem>>) target(%dma_start3A_119 : memref<39x128xf32, #tpu.memory_space<vmem_shared>>) target_semaphore(%arg17 : memref<!tpu.dma_semaphore, #tpu.memory_space<semaphore_mem>>)
    %mul3A_120 = arith.constant 624 : i32
    %mul3A_121 = arith.muli %arg1, %mul3A_120 : i32
    %add3A_122 = arith.constant 546 : i32
    %add3A_123 = arith.addi %mul3A_121, %add3A_122 : i32
    %dma_start3A_124 = arith.constant 0 : i32
    %dma_start3A_125 = tpu.memref_slice %arg16[%add3A_123, %dma_start3A_124] : memref<10000x128xf32, #tpu.memory_space<vmem_shared>> -> memref<39x128xf32, #tpu.memory_space<vmem_shared>>
    %dma_start3A_126 = arith.constant 0 : i32
    %dma_start3A_127 = tpu.memref_slice %arg16[%add3A_123, %dma_start3A_126] : memref<10000x128xf32, #tpu.memory_space<vmem_shared>> -> memref<39x128xf32, #tpu.memory_space<vmem_shared>>
    tpu.enqueue_dma source(%arg15 : memref<39x128xf32, #tpu.memory_space<vmem>>) target(%dma_start3A_127 : memref<39x128xf32, #tpu.memory_space<vmem_shared>>) target_semaphore(%arg17 : memref<!tpu.dma_semaphore, #tpu.memory_space<semaphore_mem>>)
    %mul3A_128 = arith.constant 624 : i32
    %mul3A_129 = arith.muli %arg1, %mul3A_128 : i32
    %add3A_130 = arith.constant 585 : i32
    %add3A_131 = arith.addi %mul3A_129, %add3A_130 : i32
    %dma_start3A_132 = arith.constant 0 : i32
    %dma_start3A_133 = tpu.memref_slice %arg16[%add3A_131, %dma_start3A_132] : memref<10000x128xf32, #tpu.memory_space<vmem_shared>> -> memref<39x128xf32, #tpu.memory_space<vmem_shared>>
    %dma_start3A_134 = arith.constant 0 : i32
    %dma_start3A_135 = tpu.memref_slice %arg16[%add3A_131, %dma_start3A_134] : memref<10000x128xf32, #tpu.memory_space<vmem_shared>> -> memref<39x128xf32, #tpu.memory_space<vmem_shared>>
    tpu.enqueue_dma source(%arg15 : memref<39x128xf32, #tpu.memory_space<vmem>>) target(%dma_start3A_135 : memref<39x128xf32, #tpu.memory_space<vmem_shared>>) target_semaphore(%arg17 : memref<!tpu.dma_semaphore, #tpu.memory_space<semaphore_mem>>)
    "tpu.region"() ({
      %run_scoped3A = tpu.sem_alloc : memref<!tpu.dma_semaphore, #tpu.memory_space<semaphore_mem>>
      %dma_start3A_256 = tpu.memref_slice %arg3[%mul3A_8] : memref<640000xi32, #tpu.memory_space<hbm>> -> memref<240xi32, #tpu.memory_space<hbm>>
      %dma_start3A_257 = tpu.memref_slice %arg3[%mul3A_8] : memref<640000xi32, #tpu.memory_space<hbm>> -> memref<240xi32, #tpu.memory_space<hbm>>
      tpu.enqueue_dma source(%dma_start3A_257 : memref<240xi32, #tpu.memory_space<hbm>>) target(%arg5 : memref<240xi32, #tpu.memory_space<vmem>>) target_semaphore(%run_scoped3A : memref<!tpu.dma_semaphore, #tpu.memory_space<semaphore_mem>>)
      %dma_wait3A_258 = tpu.memref_slice %arg3[%mul3A_8] : memref<640000xi32, #tpu.memory_space<hbm>> -> memref<240xi32, #tpu.memory_space<hbm>>
      %dma_wait3A_259 = tpu.memref_slice %arg3[%mul3A_8] : memref<640000xi32, #tpu.memory_space<hbm>> -> memref<240xi32, #tpu.memory_space<hbm>>
      tpu.wait_dma2 semaphore(%run_scoped3A : memref<!tpu.dma_semaphore, #tpu.memory_space<semaphore_mem>>) src(%dma_wait3A_259 : memref<240xi32, #tpu.memory_space<hbm>>) dst(%arg5 : memref<240xi32, #tpu.memory_space<vmem>>)
      tpu.yield
    }) : () -> ()
    %add3A_136 = arith.constant 320000 : i32
    %add3A_137 = arith.addi %add3A_136, %mul3A_8 : i32
    "tpu.region"() ({
      %run_scoped3A = tpu.sem_alloc : memref<!tpu.dma_semaphore, #tpu.memory_space<semaphore_mem>>
      %dma_start3A_256 = tpu.memref_slice %arg3[%add3A_137] : memref<640000xi32, #tpu.memory_space<hbm>> -> memref<240xi32, #tpu.memory_space<hbm>>
      %dma_start3A_257 = tpu.memref_slice %arg3[%add3A_137] : memref<640000xi32, #tpu.memory_space<hbm>> -> memref<240xi32, #tpu.memory_space<hbm>>
      tpu.enqueue_dma source(%dma_start3A_257 : memref<240xi32, #tpu.memory_space<hbm>>) target(%arg6 : memref<240xi32, #tpu.memory_space<vmem>>) target_semaphore(%run_scoped3A : memref<!tpu.dma_semaphore, #tpu.memory_space<semaphore_mem>>)
      %dma_wait3A_258 = tpu.memref_slice %arg3[%add3A_137] : memref<640000xi32, #tpu.memory_space<hbm>> -> memref<240xi32, #tpu.memory_space<hbm>>
      %dma_wait3A_259 = tpu.memref_slice %arg3[%add3A_137] : memref<640000xi32, #tpu.memory_space<hbm>> -> memref<240xi32, #tpu.memory_space<hbm>>
      tpu.wait_dma2 semaphore(%run_scoped3A : memref<!tpu.dma_semaphore, #tpu.memory_space<semaphore_mem>>) src(%dma_wait3A_259 : memref<240xi32, #tpu.memory_space<hbm>>) dst(%arg6 : memref<240xi32, #tpu.memory_space<vmem>>)
      tpu.yield
    }) : () -> ()
    %dma_wait3A = arith.constant 0 : i32
    %dma_wait3A_138 = tpu.memref_slice %arg16[%add3A_12, %dma_wait3A] : memref<10000x128xf32, #tpu.memory_space<vmem_shared>> -> memref<39x128xf32, #tpu.memory_space<vmem_shared>>
    %dma_wait3A_139 = arith.constant 0 : i32
    %dma_wait3A_140 = tpu.memref_slice %arg16[%add3A_12, %dma_wait3A_139] : memref<10000x128xf32, #tpu.memory_space<vmem_shared>> -> memref<39x128xf32, #tpu.memory_space<vmem_shared>>
    tpu.wait_dma2 semaphore(%arg17 : memref<!tpu.dma_semaphore, #tpu.memory_space<semaphore_mem>>) src(%arg15 : memref<39x128xf32, #tpu.memory_space<vmem>>) dst(%dma_wait3A_140 : memref<39x128xf32, #tpu.memory_space<vmem_shared>>)
    %dma_wait3A_141 = arith.constant 0 : i32
    %dma_wait3A_142 = tpu.memref_slice %arg16[%add3A_19, %dma_wait3A_141] : memref<10000x128xf32, #tpu.memory_space<vmem_shared>> -> memref<39x128xf32, #tpu.memory_space<vmem_shared>>
    %dma_wait3A_143 = arith.constant 0 : i32
    %dma_wait3A_144 = tpu.memref_slice %arg16[%add3A_19, %dma_wait3A_143] : memref<10000x128xf32, #tpu.memory_space<vmem_shared>> -> memref<39x128xf32, #tpu.memory_space<vmem_shared>>
    tpu.wait_dma2 semaphore(%arg17 : memref<!tpu.dma_semaphore, #tpu.memory_space<semaphore_mem>>) src(%arg15 : memref<39x128xf32, #tpu.memory_space<vmem>>) dst(%dma_wait3A_144 : memref<39x128xf32, #tpu.memory_space<vmem_shared>>)
    %dma_wait3A_145 = arith.constant 0 : i32
    %dma_wait3A_146 = tpu.memref_slice %arg16[%add3A_27, %dma_wait3A_145] : memref<10000x128xf32, #tpu.memory_space<vmem_shared>> -> memref<39x128xf32, #tpu.memory_space<vmem_shared>>
    %dma_wait3A_147 = arith.constant 0 : i32
    %dma_wait3A_148 = tpu.memref_slice %arg16[%add3A_27, %dma_wait3A_147] : memref<10000x128xf32, #tpu.memory_space<vmem_shared>> -> memref<39x128xf32, #tpu.memory_space<vmem_shared>>
    tpu.wait_dma2 semaphore(%arg17 : memref<!tpu.dma_semaphore, #tpu.memory_space<semaphore_mem>>) src(%arg15 : memref<39x128xf32, #tpu.memory_space<vmem>>) dst(%dma_wait3A_148 : memref<39x128xf32, #tpu.memory_space<vmem_shared>>)
    %dma_wait3A_149 = arith.constant 0 : i32
    %dma_wait3A_150 = tpu.memref_slice %arg16[%add3A_35, %dma_wait3A_149] : memref<10000x128xf32, #tpu.memory_space<vmem_shared>> -> memref<39x128xf32, #tpu.memory_space<vmem_shared>>
    %dma_wait3A_151 = arith.constant 0 : i32
    %dma_wait3A_152 = tpu.memref_slice %arg16[%add3A_35, %dma_wait3A_151] : memref<10000x128xf32, #tpu.memory_space<vmem_shared>> -> memref<39x128xf32, #tpu.memory_space<vmem_shared>>
    tpu.wait_dma2 semaphore(%arg17 : memref<!tpu.dma_semaphore, #tpu.memory_space<semaphore_mem>>) src(%arg15 : memref<39x128xf32, #tpu.memory_space<vmem>>) dst(%dma_wait3A_152 : memref<39x128xf32, #tpu.memory_space<vmem_shared>>)
    %dma_wait3A_153 = arith.constant 0 : i32
    %dma_wait3A_154 = tpu.memref_slice %arg16[%add3A_43, %dma_wait3A_153] : memref<10000x128xf32, #tpu.memory_space<vmem_shared>> -> memref<39x128xf32, #tpu.memory_space<vmem_shared>>
    %dma_wait3A_155 = arith.constant 0 : i32
    %dma_wait3A_156 = tpu.memref_slice %arg16[%add3A_43, %dma_wait3A_155] : memref<10000x128xf32, #tpu.memory_space<vmem_shared>> -> memref<39x128xf32, #tpu.memory_space<vmem_shared>>
    tpu.wait_dma2 semaphore(%arg17 : memref<!tpu.dma_semaphore, #tpu.memory_space<semaphore_mem>>) src(%arg15 : memref<39x128xf32, #tpu.memory_space<vmem>>) dst(%dma_wait3A_156 : memref<39x128xf32, #tpu.memory_space<vmem_shared>>)
    %dma_wait3A_157 = arith.constant 0 : i32
    %dma_wait3A_158 = tpu.memref_slice %arg16[%add3A_51, %dma_wait3A_157] : memref<10000x128xf32, #tpu.memory_space<vmem_shared>> -> memref<39x128xf32, #tpu.memory_space<vmem_shared>>
    %dma_wait3A_159 = arith.constant 0 : i32
    %dma_wait3A_160 = tpu.memref_slice %arg16[%add3A_51, %dma_wait3A_159] : memref<10000x128xf32, #tpu.memory_space<vmem_shared>> -> memref<39x128xf32, #tpu.memory_space<vmem_shared>>
    tpu.wait_dma2 semaphore(%arg17 : memref<!tpu.dma_semaphore, #tpu.memory_space<semaphore_mem>>) src(%arg15 : memref<39x128xf32, #tpu.memory_space<vmem>>) dst(%dma_wait3A_160 : memref<39x128xf32, #tpu.memory_space<vmem_shared>>)
    %dma_wait3A_161 = arith.constant 0 : i32
    %dma_wait3A_162 = tpu.memref_slice %arg16[%add3A_59, %dma_wait3A_161] : memref<10000x128xf32, #tpu.memory_space<vmem_shared>> -> memref<39x128xf32, #tpu.memory_space<vmem_shared>>
    %dma_wait3A_163 = arith.constant 0 : i32
    %dma_wait3A_164 = tpu.memref_slice %arg16[%add3A_59, %dma_wait3A_163] : memref<10000x128xf32, #tpu.memory_space<vmem_shared>> -> memref<39x128xf32, #tpu.memory_space<vmem_shared>>
    tpu.wait_dma2 semaphore(%arg17 : memref<!tpu.dma_semaphore, #tpu.memory_space<semaphore_mem>>) src(%arg15 : memref<39x128xf32, #tpu.memory_space<vmem>>) dst(%dma_wait3A_164 : memref<39x128xf32, #tpu.memory_space<vmem_shared>>)
    %dma_wait3A_165 = arith.constant 0 : i32
    %dma_wait3A_166 = tpu.memref_slice %arg16[%add3A_67, %dma_wait3A_165] : memref<10000x128xf32, #tpu.memory_space<vmem_shared>> -> memref<39x128xf32, #tpu.memory_space<vmem_shared>>
    %dma_wait3A_167 = arith.constant 0 : i32
    %dma_wait3A_168 = tpu.memref_slice %arg16[%add3A_67, %dma_wait3A_167] : memref<10000x128xf32, #tpu.memory_space<vmem_shared>> -> memref<39x128xf32, #tpu.memory_space<vmem_shared>>
    tpu.wait_dma2 semaphore(%arg17 : memref<!tpu.dma_semaphore, #tpu.memory_space<semaphore_mem>>) src(%arg15 : memref<39x128xf32, #tpu.memory_space<vmem>>) dst(%dma_wait3A_168 : memref<39x128xf32, #tpu.memory_space<vmem_shared>>)
    %dma_wait3A_169 = arith.constant 0 : i32
    %dma_wait3A_170 = tpu.memref_slice %arg16[%add3A_75, %dma_wait3A_169] : memref<10000x128xf32, #tpu.memory_space<vmem_shared>> -> memref<39x128xf32, #tpu.memory_space<vmem_shared>>
    %dma_wait3A_171 = arith.constant 0 : i32
    %dma_wait3A_172 = tpu.memref_slice %arg16[%add3A_75, %dma_wait3A_171] : memref<10000x128xf32, #tpu.memory_space<vmem_shared>> -> memref<39x128xf32, #tpu.memory_space<vmem_shared>>
    tpu.wait_dma2 semaphore(%arg17 : memref<!tpu.dma_semaphore, #tpu.memory_space<semaphore_mem>>) src(%arg15 : memref<39x128xf32, #tpu.memory_space<vmem>>) dst(%dma_wait3A_172 : memref<39x128xf32, #tpu.memory_space<vmem_shared>>)
    %dma_wait3A_173 = arith.constant 0 : i32
    %dma_wait3A_174 = tpu.memref_slice %arg16[%add3A_83, %dma_wait3A_173] : memref<10000x128xf32, #tpu.memory_space<vmem_shared>> -> memref<39x128xf32, #tpu.memory_space<vmem_shared>>
    %dma_wait3A_175 = arith.constant 0 : i32
    %dma_wait3A_176 = tpu.memref_slice %arg16[%add3A_83, %dma_wait3A_175] : memref<10000x128xf32, #tpu.memory_space<vmem_shared>> -> memref<39x128xf32, #tpu.memory_space<vmem_shared>>
    tpu.wait_dma2 semaphore(%arg17 : memref<!tpu.dma_semaphore, #tpu.memory_space<semaphore_mem>>) src(%arg15 : memref<39x128xf32, #tpu.memory_space<vmem>>) dst(%dma_wait3A_176 : memref<39x128xf32, #tpu.memory_space<vmem_shared>>)
    %dma_wait3A_177 = arith.constant 0 : i32
    %dma_wait3A_178 = tpu.memref_slice %arg16[%add3A_91, %dma_wait3A_177] : memref<10000x128xf32, #tpu.memory_space<vmem_shared>> -> memref<39x128xf32, #tpu.memory_space<vmem_shared>>
    %dma_wait3A_179 = arith.constant 0 : i32
    %dma_wait3A_180 = tpu.memref_slice %arg16[%add3A_91, %dma_wait3A_179] : memref<10000x128xf32, #tpu.memory_space<vmem_shared>> -> memref<39x128xf32, #tpu.memory_space<vmem_shared>>
    tpu.wait_dma2 semaphore(%arg17 : memref<!tpu.dma_semaphore, #tpu.memory_space<semaphore_mem>>) src(%arg15 : memref<39x128xf32, #tpu.memory_space<vmem>>) dst(%dma_wait3A_180 : memref<39x128xf32, #tpu.memory_space<vmem_shared>>)
    %dma_wait3A_181 = arith.constant 0 : i32
    %dma_wait3A_182 = tpu.memref_slice %arg16[%add3A_99, %dma_wait3A_181] : memref<10000x128xf32, #tpu.memory_space<vmem_shared>> -> memref<39x128xf32, #tpu.memory_space<vmem_shared>>
    %dma_wait3A_183 = arith.constant 0 : i32
    %dma_wait3A_184 = tpu.memref_slice %arg16[%add3A_99, %dma_wait3A_183] : memref<10000x128xf32, #tpu.memory_space<vmem_shared>> -> memref<39x128xf32, #tpu.memory_space<vmem_shared>>
    tpu.wait_dma2 semaphore(%arg17 : memref<!tpu.dma_semaphore, #tpu.memory_space<semaphore_mem>>) src(%arg15 : memref<39x128xf32, #tpu.memory_space<vmem>>) dst(%dma_wait3A_184 : memref<39x128xf32, #tpu.memory_space<vmem_shared>>)
    %dma_wait3A_185 = arith.constant 0 : i32
    %dma_wait3A_186 = tpu.memref_slice %arg16[%add3A_107, %dma_wait3A_185] : memref<10000x128xf32, #tpu.memory_space<vmem_shared>> -> memref<39x128xf32, #tpu.memory_space<vmem_shared>>
    %dma_wait3A_187 = arith.constant 0 : i32
    %dma_wait3A_188 = tpu.memref_slice %arg16[%add3A_107, %dma_wait3A_187] : memref<10000x128xf32, #tpu.memory_space<vmem_shared>> -> memref<39x128xf32, #tpu.memory_space<vmem_shared>>
    tpu.wait_dma2 semaphore(%arg17 : memref<!tpu.dma_semaphore, #tpu.memory_space<semaphore_mem>>) src(%arg15 : memref<39x128xf32, #tpu.memory_space<vmem>>) dst(%dma_wait3A_188 : memref<39x128xf32, #tpu.memory_space<vmem_shared>>)
    %dma_wait3A_189 = arith.constant 0 : i32
    %dma_wait3A_190 = tpu.memref_slice %arg16[%add3A_115, %dma_wait3A_189] : memref<10000x128xf32, #tpu.memory_space<vmem_shared>> -> memref<39x128xf32, #tpu.memory_space<vmem_shared>>
    %dma_wait3A_191 = arith.constant 0 : i32
    %dma_wait3A_192 = tpu.memref_slice %arg16[%add3A_115, %dma_wait3A_191] : memref<10000x128xf32, #tpu.memory_space<vmem_shared>> -> memref<39x128xf32, #tpu.memory_space<vmem_shared>>
    tpu.wait_dma2 semaphore(%arg17 : memref<!tpu.dma_semaphore, #tpu.memory_space<semaphore_mem>>) src(%arg15 : memref<39x128xf32, #tpu.memory_space<vmem>>) dst(%dma_wait3A_192 : memref<39x128xf32, #tpu.memory_space<vmem_shared>>)
    %dma_wait3A_193 = arith.constant 0 : i32
    %dma_wait3A_194 = tpu.memref_slice %arg16[%add3A_123, %dma_wait3A_193] : memref<10000x128xf32, #tpu.memory_space<vmem_shared>> -> memref<39x128xf32, #tpu.memory_space<vmem_shared>>
    %dma_wait3A_195 = arith.constant 0 : i32
    %dma_wait3A_196 = tpu.memref_slice %arg16[%add3A_123, %dma_wait3A_195] : memref<10000x128xf32, #tpu.memory_space<vmem_shared>> -> memref<39x128xf32, #tpu.memory_space<vmem_shared>>
    tpu.wait_dma2 semaphore(%arg17 : memref<!tpu.dma_semaphore, #tpu.memory_space<semaphore_mem>>) src(%arg15 : memref<39x128xf32, #tpu.memory_space<vmem>>) dst(%dma_wait3A_196 : memref<39x128xf32, #tpu.memory_space<vmem_shared>>)
    %dma_wait3A_197 = arith.constant 0 : i32
    %dma_wait3A_198 = tpu.memref_slice %arg16[%add3A_131, %dma_wait3A_197] : memref<10000x128xf32, #tpu.memory_space<vmem_shared>> -> memref<39x128xf32, #tpu.memory_space<vmem_shared>>
    %dma_wait3A_199 = arith.constant 0 : i32
    %dma_wait3A_200 = tpu.memref_slice %arg16[%add3A_131, %dma_wait3A_199] : memref<10000x128xf32, #tpu.memory_space<vmem_shared>> -> memref<39x128xf32, #tpu.memory_space<vmem_shared>>
    tpu.wait_dma2 semaphore(%arg17 : memref<!tpu.dma_semaphore, #tpu.memory_space<semaphore_mem>>) src(%arg15 : memref<39x128xf32, #tpu.memory_space<vmem>>) dst(%dma_wait3A_200 : memref<39x128xf32, #tpu.memory_space<vmem_shared>>)
    %eq3A = arith.constant 15 : i32
    %eq3A_201 = arith.cmpi eq, %arg1, %eq3A : i32
    %convert_element_type3A = arith.extui %eq3A_201 : i1 to i32
    %cond3A = arith.constant 0 : i32
    %cond3A_202 = arith.cmpi ne, %convert_element_type3A, %cond3A : i32
    scf.if %cond3A_202 {
      "tpu.region"() ({
        %run_scoped3A = tpu.sem_alloc : memref<!tpu.dma_semaphore, #tpu.memory_space<semaphore_mem>>
        %dma_start3A_256 = arith.constant 0 : i32
        %dma_start3A_257 = arith.constant 0 : i32
        %dma_start3A_258 = tpu.memref_slice %arg15[%dma_start3A_256, %dma_start3A_257] : memref<39x128xf32, #tpu.memory_space<vmem>> -> memref<16x128xf32, #tpu.memory_space<vmem>>
        %dma_start3A_259 = arith.constant 9984 : i32
        %dma_start3A_260 = arith.constant 0 : i32
        %dma_start3A_261 = tpu.memref_slice %arg16[%dma_start3A_259, %dma_start3A_260] : memref<10000x128xf32, #tpu.memory_space<vmem_shared>> -> memref<16x128xf32, #tpu.memory_space<vmem_shared>>
        %dma_start3A_262 = arith.constant 9984 : i32
        %dma_start3A_263 = arith.constant 0 : i32
        %dma_start3A_264 = tpu.memref_slice %arg16[%dma_start3A_262, %dma_start3A_263] : memref<10000x128xf32, #tpu.memory_space<vmem_shared>> -> memref<16x128xf32, #tpu.memory_space<vmem_shared>>
        %dma_start3A_265 = arith.constant 0 : i32
        %dma_start3A_266 = arith.constant 0 : i32
        %dma_start3A_267 = tpu.memref_slice %arg15[%dma_start3A_265, %dma_start3A_266] : memref<39x128xf32, #tpu.memory_space<vmem>> -> memref<16x128xf32, #tpu.memory_space<vmem>>
        tpu.enqueue_dma source(%dma_start3A_267 : memref<16x128xf32, #tpu.memory_space<vmem>>) target(%dma_start3A_264 : memref<16x128xf32, #tpu.memory_space<vmem_shared>>) target_semaphore(%run_scoped3A : memref<!tpu.dma_semaphore, #tpu.memory_space<semaphore_mem>>)
        %dma_wait3A_268 = arith.constant 0 : i32
        %dma_wait3A_269 = arith.constant 0 : i32
        %dma_wait3A_270 = tpu.memref_slice %arg15[%dma_wait3A_268, %dma_wait3A_269] : memref<39x128xf32, #tpu.memory_space<vmem>> -> memref<16x128xf32, #tpu.memory_space<vmem>>
        %dma_wait3A_271 = arith.constant 9984 : i32
        %dma_wait3A_272 = arith.constant 0 : i32
        %dma_wait3A_273 = tpu.memref_slice %arg16[%dma_wait3A_271, %dma_wait3A_272] : memref<10000x128xf32, #tpu.memory_space<vmem_shared>> -> memref<16x128xf32, #tpu.memory_space<vmem_shared>>
        %dma_wait3A_274 = arith.constant 9984 : i32
        %dma_wait3A_275 = arith.constant 0 : i32
        %dma_wait3A_276 = tpu.memref_slice %arg16[%dma_wait3A_274, %dma_wait3A_275] : memref<10000x128xf32, #tpu.memory_space<vmem_shared>> -> memref<16x128xf32, #tpu.memory_space<vmem_shared>>
        %dma_wait3A_277 = arith.constant 0 : i32
        %dma_wait3A_278 = arith.constant 0 : i32
        %dma_wait3A_279 = tpu.memref_slice %arg15[%dma_wait3A_277, %dma_wait3A_278] : memref<39x128xf32, #tpu.memory_space<vmem>> -> memref<16x128xf32, #tpu.memory_space<vmem>>
        tpu.wait_dma2 semaphore(%run_scoped3A : memref<!tpu.dma_semaphore, #tpu.memory_space<semaphore_mem>>) src(%dma_wait3A_279 : memref<16x128xf32, #tpu.memory_space<vmem>>) dst(%dma_wait3A_276 : memref<16x128xf32, #tpu.memory_space<vmem_shared>>)
        tpu.yield
      }) : () -> ()
    } else {
    }
    %barrier3A = arith.constant 0 : index
    tpu.barrier barrier_id(%barrier3A)
    %scan3A_203 = arith.constant 0 : i32
    %scan3A_204 = arith.constant 0 : i32
    %scan3A_205 = arith.constant 41 : i32
    %scan3A_206 = arith.addi %scan3A_204, %scan3A_205 : i32
    %scan3A_207 = arith.constant 1 : i32
    scf.for %scan3A_256 = %scan3A_204 to %scan3A_206 step %scan3A_207  : i32 {
      %add3A_257 = arith.constant 1 : i32
      %add3A_258 = arith.addi %scan3A_256, %add3A_257 : i32
      %min3A = arith.constant 40 : i32
      %min3A_259 = arith.minsi %add3A_258, %min3A : i32
      %mul3A_260 = arith.constant 240 : i32
      %mul3A_261 = arith.muli %mul3A_260, %min3A_259 : i32
      %add3A_262 = arith.addi %mul3A_8, %mul3A_261 : i32
      %dma_start3A_263 = tpu.memref_slice %arg3[%add3A_262] : memref<640000xi32, #tpu.memory_space<hbm>> -> memref<240xi32, #tpu.memory_space<hbm>>
      %dma_start3A_264 = tpu.memref_slice %arg3[%add3A_262] : memref<640000xi32, #tpu.memory_space<hbm>> -> memref<240xi32, #tpu.memory_space<hbm>>
      tpu.enqueue_dma source(%dma_start3A_264 : memref<240xi32, #tpu.memory_space<hbm>>) target(%arg7 : memref<240xi32, #tpu.memory_space<vmem>>) target_semaphore(%arg23 : memref<!tpu.dma_semaphore, #tpu.memory_space<semaphore_mem>>)
      %add3A_265 = arith.constant 320000 : i32
      %add3A_266 = arith.addi %add3A_265, %add3A_262 : i32
      %dma_start3A_267 = tpu.memref_slice %arg3[%add3A_266] : memref<640000xi32, #tpu.memory_space<hbm>> -> memref<240xi32, #tpu.memory_space<hbm>>
      %dma_start3A_268 = tpu.memref_slice %arg3[%add3A_266] : memref<640000xi32, #tpu.memory_space<hbm>> -> memref<240xi32, #tpu.memory_space<hbm>>
      tpu.enqueue_dma source(%dma_start3A_268 : memref<240xi32, #tpu.memory_space<hbm>>) target(%arg8 : memref<240xi32, #tpu.memory_space<vmem>>) target_semaphore(%arg24 : memref<!tpu.dma_semaphore, #tpu.memory_space<semaphore_mem>>)
      %ne3A = arith.constant 0 : i32
      %ne3A_269 = arith.cmpi ne, %scan3A_256, %ne3A : i32
      %convert_element_type3A_270 = arith.extui %ne3A_269 : i1 to i32
      %cond3A_271 = arith.constant 0 : i32
      %cond3A_272 = arith.cmpi ne, %convert_element_type3A_270, %cond3A_271 : i32
      scf.if %cond3A_272 {
        %dma_wait3A_639 = arith.constant 0 : i32
        %dma_wait3A_640 = arith.constant 0 : i32
        %dma_wait3A_641 = tpu.memref_slice %arg16[%dma_wait3A_639, %dma_wait3A_640] : memref<10000x128xf32, #tpu.memory_space<vmem_shared>> -> memref<10000x128xf32, #tpu.memory_space<vmem_shared>>
        tpu.wait_indirect_dma semaphore(%arg20 : memref<!tpu.dma_semaphore, #tpu.memory_space<semaphore_mem>>) src(%arg12 : memref<80x128xf32, #tpu.memory_space<vmem>>) dst(%dma_wait3A_641 : memref<10000x128xf32, #tpu.memory_space<vmem_shared>>)
      } else {
      }
      %get3A = arith.constant 0 : index
      %get3A_273 = tpu.vector_load %arg6[%get3A] {strides = array<i32>} : memref<240xi32, #tpu.memory_space<vmem>>, vector<16xi32>,
      %get3A_274 = vector.shape_cast %get3A_273 : vector<16xi32> to vector<16xi32>
      %swap3A = arith.constant 0 : index
      %swap3A_275 = tpu.vector_load %arg9[%swap3A] {strides = array<i32>} : memref<80xi32, #tpu.memory_space<vmem>>, vector<16xi32>,
      %swap3A_276 = vector.shape_cast %swap3A_275 : vector<16xi32> to vector<16xi32>
      %swap3A_277 = vector.shape_cast %get3A_274 : vector<16xi32> to vector<16xi32>
      tpu.vector_store %arg9[%swap3A], %swap3A_277 {strides = array<i32>} : memref<80xi32, #tpu.memory_space<vmem>>, vector<16xi32>,
      %get3A_278 = arith.constant 16 : index
      %get3A_279 = tpu.vector_load %arg6[%get3A_278] {strides = array<i32>} : memref<240xi32, #tpu.memory_space<vmem>>, vector<16xi32>,
      %get3A_280 = vector.shape_cast %get3A_279 : vector<16xi32> to vector<16xi32>
      %swap3A_281 = arith.constant 16 : index
      %swap3A_282 = tpu.vector_load %arg9[%swap3A_281] {strides = array<i32>} : memref<80xi32, #tpu.memory_space<vmem>>, vector<16xi32>,
      %swap3A_283 = vector.shape_cast %swap3A_282 : vector<16xi32> to vector<16xi32>
      %swap3A_284 = vector.shape_cast %get3A_280 : vector<16xi32> to vector<16xi32>
      tpu.vector_store %arg9[%swap3A_281], %swap3A_284 {strides = array<i32>} : memref<80xi32, #tpu.memory_space<vmem>>, vector<16xi32>,
      %get3A_285 = arith.constant 32 : index
      %get3A_286 = tpu.vector_load %arg6[%get3A_285] {strides = array<i32>} : memref<240xi32, #tpu.memory_space<vmem>>, vector<16xi32>,
      %get3A_287 = vector.shape_cast %get3A_286 : vector<16xi32> to vector<16xi32>
      %swap3A_288 = arith.constant 32 : index
      %swap3A_289 = tpu.vector_load %arg9[%swap3A_288] {strides = array<i32>} : memref<80xi32, #tpu.memory_space<vmem>>, vector<16xi32>,
      %swap3A_290 = vector.shape_cast %swap3A_289 : vector<16xi32> to vector<16xi32>
      %swap3A_291 = vector.shape_cast %get3A_287 : vector<16xi32> to vector<16xi32>
      tpu.vector_store %arg9[%swap3A_288], %swap3A_291 {strides = array<i32>} : memref<80xi32, #tpu.memory_space<vmem>>, vector<16xi32>,
      %get3A_292 = arith.constant 48 : index
      %get3A_293 = tpu.vector_load %arg6[%get3A_292] {strides = array<i32>} : memref<240xi32, #tpu.memory_space<vmem>>, vector<16xi32>,
      %get3A_294 = vector.shape_cast %get3A_293 : vector<16xi32> to vector<16xi32>
      %swap3A_295 = arith.constant 48 : index
      %swap3A_296 = tpu.vector_load %arg9[%swap3A_295] {strides = array<i32>} : memref<80xi32, #tpu.memory_space<vmem>>, vector<16xi32>,
      %swap3A_297 = vector.shape_cast %swap3A_296 : vector<16xi32> to vector<16xi32>
      %swap3A_298 = vector.shape_cast %get3A_294 : vector<16xi32> to vector<16xi32>
      tpu.vector_store %arg9[%swap3A_295], %swap3A_298 {strides = array<i32>} : memref<80xi32, #tpu.memory_space<vmem>>, vector<16xi32>,
      %get3A_299 = arith.constant 64 : index
      %get3A_300 = tpu.vector_load %arg6[%get3A_299] {strides = array<i32>} : memref<240xi32, #tpu.memory_space<vmem>>, vector<16xi32>,
      %get3A_301 = vector.shape_cast %get3A_300 : vector<16xi32> to vector<16xi32>
      %swap3A_302 = arith.constant 64 : index
      %swap3A_303 = tpu.vector_load %arg9[%swap3A_302] {strides = array<i32>} : memref<80xi32, #tpu.memory_space<vmem>>, vector<16xi32>,
      %swap3A_304 = vector.shape_cast %swap3A_303 : vector<16xi32> to vector<16xi32>
      %swap3A_305 = vector.shape_cast %get3A_301 : vector<16xi32> to vector<16xi32>
      tpu.vector_store %arg9[%swap3A_302], %swap3A_305 {strides = array<i32>} : memref<80xi32, #tpu.memory_space<vmem>>, vector<16xi32>,
      %dma_start3A_306 = arith.constant 0 : i32
      %dma_start3A_307 = tpu.memref_slice %arg5[%dma_start3A_306] : memref<240xi32, #tpu.memory_space<vmem>> -> memref<80xi32, #tpu.memory_space<vmem>>
      %dma_start3A_308 = arith.constant 0 : i32
      %dma_start3A_309 = arith.constant 0 : i32
      %dma_start3A_310 = tpu.memref_slice %arg2[%dma_start3A_308, %dma_start3A_309] : memref<10000x128xf32, #tpu.memory_space<hbm>> -> memref<10000x128xf32, #tpu.memory_space<hbm>>
      tpu.enqueue_indirect_dma source(%dma_start3A_310 : memref<10000x128xf32, #tpu.memory_space<hbm>>) target(%arg12 : memref<80x128xf32, #tpu.memory_space<vmem>>) offsets(%dma_start3A_307 : memref<80xi32, #tpu.memory_space<vmem>>) semaphore(%arg17 : memref<!tpu.dma_semaphore, #tpu.memory_space<semaphore_mem>>)
      %ne3A_311 = arith.constant 0 : i32
      %ne3A_312 = arith.cmpi ne, %scan3A_256, %ne3A_311 : i32
      %convert_element_type3A_313 = arith.extui %ne3A_312 : i1 to i32
      %cond3A_314 = arith.constant 0 : i32
      %cond3A_315 = arith.cmpi ne, %convert_element_type3A_313, %cond3A_314 : i32
      scf.if %cond3A_315 {
        %dma_wait3A_639 = arith.constant 0 : i32
        %dma_wait3A_640 = arith.constant 0 : i32
        %dma_wait3A_641 = tpu.memref_slice %arg16[%dma_wait3A_639, %dma_wait3A_640] : memref<10000x128xf32, #tpu.memory_space<vmem_shared>> -> memref<10000x128xf32, #tpu.memory_space<vmem_shared>>
        tpu.wait_indirect_dma semaphore(%arg21 : memref<!tpu.dma_semaphore, #tpu.memory_space<semaphore_mem>>) src(%arg13 : memref<80x128xf32, #tpu.memory_space<vmem>>) dst(%dma_wait3A_641 : memref<10000x128xf32, #tpu.memory_space<vmem_shared>>)
      } else {
      }
      %get3A_316 = arith.constant 80 : index
      %get3A_317 = tpu.vector_load %arg6[%get3A_316] {strides = array<i32>} : memref<240xi32, #tpu.memory_space<vmem>>, vector<16xi32>,
      %get3A_318 = vector.shape_cast %get3A_317 : vector<16xi32> to vector<16xi32>
      %swap3A_319 = arith.constant 0 : index
      %swap3A_320 = tpu.vector_load %arg10[%swap3A_319] {strides = array<i32>} : memref<80xi32, #tpu.memory_space<vmem>>, vector<16xi32>,
      %swap3A_321 = vector.shape_cast %swap3A_320 : vector<16xi32> to vector<16xi32>
      %swap3A_322 = vector.shape_cast %get3A_318 : vector<16xi32> to vector<16xi32>
      tpu.vector_store %arg10[%swap3A_319], %swap3A_322 {strides = array<i32>} : memref<80xi32, #tpu.memory_space<vmem>>, vector<16xi32>,
      %get3A_323 = arith.constant 96 : index
      %get3A_324 = tpu.vector_load %arg6[%get3A_323] {strides = array<i32>} : memref<240xi32, #tpu.memory_space<vmem>>, vector<16xi32>,
      %get3A_325 = vector.shape_cast %get3A_324 : vector<16xi32> to vector<16xi32>
      %swap3A_326 = arith.constant 16 : index
      %swap3A_327 = tpu.vector_load %arg10[%swap3A_326] {strides = array<i32>} : memref<80xi32, #tpu.memory_space<vmem>>, vector<16xi32>,
      %swap3A_328 = vector.shape_cast %swap3A_327 : vector<16xi32> to vector<16xi32>
      %swap3A_329 = vector.shape_cast %get3A_325 : vector<16xi32> to vector<16xi32>
      tpu.vector_store %arg10[%swap3A_326], %swap3A_329 {strides = array<i32>} : memref<80xi32, #tpu.memory_space<vmem>>, vector<16xi32>,
      %get3A_330 = arith.constant 112 : index
      %get3A_331 = tpu.vector_load %arg6[%get3A_330] {strides = array<i32>} : memref<240xi32, #tpu.memory_space<vmem>>, vector<16xi32>,
      %get3A_332 = vector.shape_cast %get3A_331 : vector<16xi32> to vector<16xi32>
      %swap3A_333 = arith.constant 32 : index
      %swap3A_334 = tpu.vector_load %arg10[%swap3A_333] {strides = array<i32>} : memref<80xi32, #tpu.memory_space<vmem>>, vector<16xi32>,
      %swap3A_335 = vector.shape_cast %swap3A_334 : vector<16xi32> to vector<16xi32>
      %swap3A_336 = vector.shape_cast %get3A_332 : vector<16xi32> to vector<16xi32>
      tpu.vector_store %arg10[%swap3A_333], %swap3A_336 {strides = array<i32>} : memref<80xi32, #tpu.memory_space<vmem>>, vector<16xi32>,
      %get3A_337 = arith.constant 128 : index
      %get3A_338 = tpu.vector_load %arg6[%get3A_337] {strides = array<i32>} : memref<240xi32, #tpu.memory_space<vmem>>, vector<16xi32>,
      %get3A_339 = vector.shape_cast %get3A_338 : vector<16xi32> to vector<16xi32>
      %swap3A_340 = arith.constant 48 : index
      %swap3A_341 = tpu.vector_load %arg10[%swap3A_340] {strides = array<i32>} : memref<80xi32, #tpu.memory_space<vmem>>, vector<16xi32>,
      %swap3A_342 = vector.shape_cast %swap3A_341 : vector<16xi32> to vector<16xi32>
      %swap3A_343 = vector.shape_cast %get3A_339 : vector<16xi32> to vector<16xi32>
      tpu.vector_store %arg10[%swap3A_340], %swap3A_343 {strides = array<i32>} : memref<80xi32, #tpu.memory_space<vmem>>, vector<16xi32>,
      %get3A_344 = arith.constant 144 : index
      %get3A_345 = tpu.vector_load %arg6[%get3A_344] {strides = array<i32>} : memref<240xi32, #tpu.memory_space<vmem>>, vector<16xi32>,
      %get3A_346 = vector.shape_cast %get3A_345 : vector<16xi32> to vector<16xi32>
      %swap3A_347 = arith.constant 64 : index
      %swap3A_348 = tpu.vector_load %arg10[%swap3A_347] {strides = array<i32>} : memref<80xi32, #tpu.memory_space<vmem>>, vector<16xi32>,
      %swap3A_349 = vector.shape_cast %swap3A_348 : vector<16xi32> to vector<16xi32>
      %swap3A_350 = vector.shape_cast %get3A_346 : vector<16xi32> to vector<16xi32>
      tpu.vector_store %arg10[%swap3A_347], %swap3A_350 {strides = array<i32>} : memref<80xi32, #tpu.memory_space<vmem>>, vector<16xi32>,
      %dma_start3A_351 = arith.constant 80 : i32
      %dma_start3A_352 = tpu.memref_slice %arg5[%dma_start3A_351] : memref<240xi32, #tpu.memory_space<vmem>> -> memref<80xi32, #tpu.memory_space<vmem>>
      %dma_start3A_353 = arith.constant 0 : i32
      %dma_start3A_354 = arith.constant 0 : i32
      %dma_start3A_355 = tpu.memref_slice %arg2[%dma_start3A_353, %dma_start3A_354] : memref<10000x128xf32, #tpu.memory_space<hbm>> -> memref<10000x128xf32, #tpu.memory_space<hbm>>
      tpu.enqueue_indirect_dma source(%dma_start3A_355 : memref<10000x128xf32, #tpu.memory_space<hbm>>) target(%arg13 : memref<80x128xf32, #tpu.memory_space<vmem>>) offsets(%dma_start3A_352 : memref<80xi32, #tpu.memory_space<vmem>>) semaphore(%arg18 : memref<!tpu.dma_semaphore, #tpu.memory_space<semaphore_mem>>)
      %ne3A_356 = arith.constant 0 : i32
      %ne3A_357 = arith.cmpi ne, %scan3A_256, %ne3A_356 : i32
      %convert_element_type3A_358 = arith.extui %ne3A_357 : i1 to i32
      %cond3A_359 = arith.constant 0 : i32
      %cond3A_360 = arith.cmpi ne, %convert_element_type3A_358, %cond3A_359 : i32
      scf.if %cond3A_360 {
        %dma_wait3A_639 = arith.constant 0 : i32
        %dma_wait3A_640 = arith.constant 0 : i32
        %dma_wait3A_641 = tpu.memref_slice %arg16[%dma_wait3A_639, %dma_wait3A_640] : memref<10000x128xf32, #tpu.memory_space<vmem_shared>> -> memref<10000x128xf32, #tpu.memory_space<vmem_shared>>
        tpu.wait_indirect_dma semaphore(%arg22 : memref<!tpu.dma_semaphore, #tpu.memory_space<semaphore_mem>>) src(%arg14 : memref<80x128xf32, #tpu.memory_space<vmem>>) dst(%dma_wait3A_641 : memref<10000x128xf32, #tpu.memory_space<vmem_shared>>)
      } else {
      }
      %get3A_361 = arith.constant 160 : index
      %get3A_362 = tpu.vector_load %arg6[%get3A_361] {strides = array<i32>} : memref<240xi32, #tpu.memory_space<vmem>>, vector<16xi32>,
      %get3A_363 = vector.shape_cast %get3A_362 : vector<16xi32> to vector<16xi32>
      %swap3A_364 = arith.constant 0 : index
      %swap3A_365 = tpu.vector_load %arg11[%swap3A_364] {strides = array<i32>} : memref<80xi32, #tpu.memory_space<vmem>>, vector<16xi32>,
      %swap3A_366 = vector.shape_cast %swap3A_365 : vector<16xi32> to vector<16xi32>
      %swap3A_367 = vector.shape_cast %get3A_363 : vector<16xi32> to vector<16xi32>
      tpu.vector_store %arg11[%swap3A_364], %swap3A_367 {strides = array<i32>} : memref<80xi32, #tpu.memory_space<vmem>>, vector<16xi32>,
      %get3A_368 = arith.constant 176 : index
      %get3A_369 = tpu.vector_load %arg6[%get3A_368] {strides = array<i32>} : memref<240xi32, #tpu.memory_space<vmem>>, vector<16xi32>,
      %get3A_370 = vector.shape_cast %get3A_369 : vector<16xi32> to vector<16xi32>
      %swap3A_371 = arith.constant 16 : index
      %swap3A_372 = tpu.vector_load %arg11[%swap3A_371] {strides = array<i32>} : memref<80xi32, #tpu.memory_space<vmem>>, vector<16xi32>,
      %swap3A_373 = vector.shape_cast %swap3A_372 : vector<16xi32> to vector<16xi32>
      %swap3A_374 = vector.shape_cast %get3A_370 : vector<16xi32> to vector<16xi32>
      tpu.vector_store %arg11[%swap3A_371], %swap3A_374 {strides = array<i32>} : memref<80xi32, #tpu.memory_space<vmem>>, vector<16xi32>,
      %get3A_375 = arith.constant 192 : index
      %get3A_376 = tpu.vector_load %arg6[%get3A_375] {strides = array<i32>} : memref<240xi32, #tpu.memory_space<vmem>>, vector<16xi32>,
      %get3A_377 = vector.shape_cast %get3A_376 : vector<16xi32> to vector<16xi32>
      %swap3A_378 = arith.constant 32 : index
      %swap3A_379 = tpu.vector_load %arg11[%swap3A_378] {strides = array<i32>} : memref<80xi32, #tpu.memory_space<vmem>>, vector<16xi32>,
      %swap3A_380 = vector.shape_cast %swap3A_379 : vector<16xi32> to vector<16xi32>
      %swap3A_381 = vector.shape_cast %get3A_377 : vector<16xi32> to vector<16xi32>
      tpu.vector_store %arg11[%swap3A_378], %swap3A_381 {strides = array<i32>} : memref<80xi32, #tpu.memory_space<vmem>>, vector<16xi32>,
      %get3A_382 = arith.constant 208 : index
      %get3A_383 = tpu.vector_load %arg6[%get3A_382] {strides = array<i32>} : memref<240xi32, #tpu.memory_space<vmem>>, vector<16xi32>,
      %get3A_384 = vector.shape_cast %get3A_383 : vector<16xi32> to vector<16xi32>
      %swap3A_385 = arith.constant 48 : index
      %swap3A_386 = tpu.vector_load %arg11[%swap3A_385] {strides = array<i32>} : memref<80xi32, #tpu.memory_space<vmem>>, vector<16xi32>,
      %swap3A_387 = vector.shape_cast %swap3A_386 : vector<16xi32> to vector<16xi32>
      %swap3A_388 = vector.shape_cast %get3A_384 : vector<16xi32> to vector<16xi32>
      tpu.vector_store %arg11[%swap3A_385], %swap3A_388 {strides = array<i32>} : memref<80xi32, #tpu.memory_space<vmem>>, vector<16xi32>,
      %get3A_389 = arith.constant 224 : index
      %get3A_390 = tpu.vector_load %arg6[%get3A_389] {strides = array<i32>} : memref<240xi32, #tpu.memory_space<vmem>>, vector<16xi32>,
      %get3A_391 = vector.shape_cast %get3A_390 : vector<16xi32> to vector<16xi32>
      %swap3A_392 = arith.constant 64 : index
      %swap3A_393 = tpu.vector_load %arg11[%swap3A_392] {strides = array<i32>} : memref<80xi32, #tpu.memory_space<vmem>>, vector<16xi32>,
      %swap3A_394 = vector.shape_cast %swap3A_393 : vector<16xi32> to vector<16xi32>
      %swap3A_395 = vector.shape_cast %get3A_391 : vector<16xi32> to vector<16xi32>
      tpu.vector_store %arg11[%swap3A_392], %swap3A_395 {strides = array<i32>} : memref<80xi32, #tpu.memory_space<vmem>>, vector<16xi32>,
      %dma_start3A_396 = arith.constant 160 : i32
      %dma_start3A_397 = tpu.memref_slice %arg5[%dma_start3A_396] : memref<240xi32, #tpu.memory_space<vmem>> -> memref<80xi32, #tpu.memory_space<vmem>>
      %dma_start3A_398 = arith.constant 0 : i32
      %dma_start3A_399 = arith.constant 0 : i32
      %dma_start3A_400 = tpu.memref_slice %arg2[%dma_start3A_398, %dma_start3A_399] : memref<10000x128xf32, #tpu.memory_space<hbm>> -> memref<10000x128xf32, #tpu.memory_space<hbm>>
      tpu.enqueue_indirect_dma source(%dma_start3A_400 : memref<10000x128xf32, #tpu.memory_space<hbm>>) target(%arg14 : memref<80x128xf32, #tpu.memory_space<vmem>>) offsets(%dma_start3A_397 : memref<80xi32, #tpu.memory_space<vmem>>) semaphore(%arg19 : memref<!tpu.dma_semaphore, #tpu.memory_space<semaphore_mem>>)
      %dma_wait3A_401 = arith.constant 0 : i32
      %dma_wait3A_402 = tpu.memref_slice %arg5[%dma_wait3A_401] : memref<240xi32, #tpu.memory_space<vmem>> -> memref<80xi32, #tpu.memory_space<vmem>>
      %dma_wait3A_403 = arith.constant 0 : i32
      %dma_wait3A_404 = arith.constant 0 : i32
      %dma_wait3A_405 = tpu.memref_slice %arg2[%dma_wait3A_403, %dma_wait3A_404] : memref<10000x128xf32, #tpu.memory_space<hbm>> -> memref<10000x128xf32, #tpu.memory_space<hbm>>
      tpu.wait_indirect_dma semaphore(%arg17 : memref<!tpu.dma_semaphore, #tpu.memory_space<semaphore_mem>>) src(%dma_wait3A_405 : memref<10000x128xf32, #tpu.memory_space<hbm>>) dst(%arg12 : memref<80x128xf32, #tpu.memory_space<vmem>>)
      %dma_start3A_406 = arith.constant 0 : i32
      %dma_start3A_407 = arith.constant 0 : i32
      %dma_start3A_408 = tpu.memref_slice %arg16[%dma_start3A_406, %dma_start3A_407] : memref<10000x128xf32, #tpu.memory_space<vmem_shared>> -> memref<10000x128xf32, #tpu.memory_space<vmem_shared>>
      tpu.enqueue_indirect_dma source(%arg12 : memref<80x128xf32, #tpu.memory_space<vmem>>) target(%dma_start3A_408 : memref<10000x128xf32, #tpu.memory_space<vmem_shared>>) offsets(%arg9 : memref<80xi32, #tpu.memory_space<vmem>>) semaphore(%arg20 : memref<!tpu.dma_semaphore, #tpu.memory_space<semaphore_mem>>) {add = true}
      %dma_wait3A_409 = arith.constant 80 : i32
      %dma_wait3A_410 = tpu.memref_slice %arg5[%dma_wait3A_409] : memref<240xi32, #tpu.memory_space<vmem>> -> memref<80xi32, #tpu.memory_space<vmem>>
      %dma_wait3A_411 = arith.constant 0 : i32
      %dma_wait3A_412 = arith.constant 0 : i32
      %dma_wait3A_413 = tpu.memref_slice %arg2[%dma_wait3A_411, %dma_wait3A_412] : memref<10000x128xf32, #tpu.memory_space<hbm>> -> memref<10000x128xf32, #tpu.memory_space<hbm>>
      tpu.wait_indirect_dma semaphore(%arg18 : memref<!tpu.dma_semaphore, #tpu.memory_space<semaphore_mem>>) src(%dma_wait3A_413 : memref<10000x128xf32, #tpu.memory_space<hbm>>) dst(%arg13 : memref<80x128xf32, #tpu.memory_space<vmem>>)
      %dma_start3A_414 = arith.constant 0 : i32
      %dma_start3A_415 = arith.constant 0 : i32
      %dma_start3A_416 = tpu.memref_slice %arg16[%dma_start3A_414, %dma_start3A_415] : memref<10000x128xf32, #tpu.memory_space<vmem_shared>> -> memref<10000x128xf32, #tpu.memory_space<vmem_shared>>
      tpu.enqueue_indirect_dma source(%arg13 : memref<80x128xf32, #tpu.memory_space<vmem>>) target(%dma_start3A_416 : memref<10000x128xf32, #tpu.memory_space<vmem_shared>>) offsets(%arg10 : memref<80xi32, #tpu.memory_space<vmem>>) semaphore(%arg21 : memref<!tpu.dma_semaphore, #tpu.memory_space<semaphore_mem>>) {add = true}
      %dma_wait3A_417 = arith.constant 160 : i32
      %dma_wait3A_418 = tpu.memref_slice %arg5[%dma_wait3A_417] : memref<240xi32, #tpu.memory_space<vmem>> -> memref<80xi32, #tpu.memory_space<vmem>>
      %dma_wait3A_419 = arith.constant 0 : i32
      %dma_wait3A_420 = arith.constant 0 : i32
      %dma_wait3A_421 = tpu.memref_slice %arg2[%dma_wait3A_419, %dma_wait3A_420] : memref<10000x128xf32, #tpu.memory_space<hbm>> -> memref<10000x128xf32, #tpu.memory_space<hbm>>
      tpu.wait_indirect_dma semaphore(%arg19 : memref<!tpu.dma_semaphore, #tpu.memory_space<semaphore_mem>>) src(%dma_wait3A_421 : memref<10000x128xf32, #tpu.memory_space<hbm>>) dst(%arg14 : memref<80x128xf32, #tpu.memory_space<vmem>>)
      %dma_start3A_422 = arith.constant 0 : i32
      %dma_start3A_423 = arith.constant 0 : i32
      %dma_start3A_424 = tpu.memref_slice %arg16[%dma_start3A_422, %dma_start3A_423] : memref<10000x128xf32, #tpu.memory_space<vmem_shared>> -> memref<10000x128xf32, #tpu.memory_space<vmem_shared>>
      tpu.enqueue_indirect_dma source(%arg14 : memref<80x128xf32, #tpu.memory_space<vmem>>) target(%dma_start3A_424 : memref<10000x128xf32, #tpu.memory_space<vmem_shared>>) offsets(%arg11 : memref<80xi32, #tpu.memory_space<vmem>>) semaphore(%arg22 : memref<!tpu.dma_semaphore, #tpu.memory_space<semaphore_mem>>) {add = true}
      %dma_wait3A_425 = tpu.memref_slice %arg3[%add3A_262] : memref<640000xi32, #tpu.memory_space<hbm>> -> memref<240xi32, #tpu.memory_space<hbm>>
      %dma_wait3A_426 = tpu.memref_slice %arg3[%add3A_262] : memref<640000xi32, #tpu.memory_space<hbm>> -> memref<240xi32, #tpu.memory_space<hbm>>
      tpu.wait_dma2 semaphore(%arg23 : memref<!tpu.dma_semaphore, #tpu.memory_space<semaphore_mem>>) src(%dma_wait3A_426 : memref<240xi32, #tpu.memory_space<hbm>>) dst(%arg7 : memref<240xi32, #tpu.memory_space<vmem>>)
      %dma_wait3A_427 = tpu.memref_slice %arg3[%add3A_266] : memref<640000xi32, #tpu.memory_space<hbm>> -> memref<240xi32, #tpu.memory_space<hbm>>
      %dma_wait3A_428 = tpu.memref_slice %arg3[%add3A_266] : memref<640000xi32, #tpu.memory_space<hbm>> -> memref<240xi32, #tpu.memory_space<hbm>>
      tpu.wait_dma2 semaphore(%arg24 : memref<!tpu.dma_semaphore, #tpu.memory_space<semaphore_mem>>) src(%dma_wait3A_428 : memref<240xi32, #tpu.memory_space<hbm>>) dst(%arg8 : memref<240xi32, #tpu.memory_space<vmem>>)
      %get3A_429 = arith.constant 0 : index
      %get3A_430 = tpu.vector_load %arg7[%get3A_429] {strides = array<i32>} : memref<240xi32, #tpu.memory_space<vmem>>, vector<16xi32>,
      %get3A_431 = vector.shape_cast %get3A_430 : vector<16xi32> to vector<16xi32>
      %swap3A_432 = arith.constant 0 : index
      %swap3A_433 = tpu.vector_load %arg5[%swap3A_432] {strides = array<i32>} : memref<240xi32, #tpu.memory_space<vmem>>, vector<16xi32>,
      %swap3A_434 = vector.shape_cast %swap3A_433 : vector<16xi32> to vector<16xi32>
      %swap3A_435 = vector.shape_cast %get3A_431 : vector<16xi32> to vector<16xi32>
      tpu.vector_store %arg5[%swap3A_432], %swap3A_435 {strides = array<i32>} : memref<240xi32, #tpu.memory_space<vmem>>, vector<16xi32>,
      %get3A_436 = arith.constant 0 : index
      %get3A_437 = tpu.vector_load %arg8[%get3A_436] {strides = array<i32>} : memref<240xi32, #tpu.memory_space<vmem>>, vector<16xi32>,
      %get3A_438 = vector.shape_cast %get3A_437 : vector<16xi32> to vector<16xi32>
      %swap3A_439 = arith.constant 0 : index
      %swap3A_440 = tpu.vector_load %arg6[%swap3A_439] {strides = array<i32>} : memref<240xi32, #tpu.memory_space<vmem>>, vector<16xi32>,
      %swap3A_441 = vector.shape_cast %swap3A_440 : vector<16xi32> to vector<16xi32>
      %swap3A_442 = vector.shape_cast %get3A_438 : vector<16xi32> to vector<16xi32>
      tpu.vector_store %arg6[%swap3A_439], %swap3A_442 {strides = array<i32>} : memref<240xi32, #tpu.memory_space<vmem>>, vector<16xi32>,
      %get3A_443 = arith.constant 16 : index
      %get3A_444 = tpu.vector_load %arg7[%get3A_443] {strides = array<i32>} : memref<240xi32, #tpu.memory_space<vmem>>, vector<16xi32>,
      %get3A_445 = vector.shape_cast %get3A_444 : vector<16xi32> to vector<16xi32>
      %swap3A_446 = arith.constant 16 : index
      %swap3A_447 = tpu.vector_load %arg5[%swap3A_446] {strides = array<i32>} : memref<240xi32, #tpu.memory_space<vmem>>, vector<16xi32>,
      %swap3A_448 = vector.shape_cast %swap3A_447 : vector<16xi32> to vector<16xi32>
      %swap3A_449 = vector.shape_cast %get3A_445 : vector<16xi32> to vector<16xi32>
      tpu.vector_store %arg5[%swap3A_446], %swap3A_449 {strides = array<i32>} : memref<240xi32, #tpu.memory_space<vmem>>, vector<16xi32>,
      %get3A_450 = arith.constant 16 : index
      %get3A_451 = tpu.vector_load %arg8[%get3A_450] {strides = array<i32>} : memref<240xi32, #tpu.memory_space<vmem>>, vector<16xi32>,
      %get3A_452 = vector.shape_cast %get3A_451 : vector<16xi32> to vector<16xi32>
      %swap3A_453 = arith.constant 16 : index
      %swap3A_454 = tpu.vector_load %arg6[%swap3A_453] {strides = array<i32>} : memref<240xi32, #tpu.memory_space<vmem>>, vector<16xi32>,
      %swap3A_455 = vector.shape_cast %swap3A_454 : vector<16xi32> to vector<16xi32>
      %swap3A_456 = vector.shape_cast %get3A_452 : vector<16xi32> to vector<16xi32>
      tpu.vector_store %arg6[%swap3A_453], %swap3A_456 {strides = array<i32>} : memref<240xi32, #tpu.memory_space<vmem>>, vector<16xi32>,
      %get3A_457 = arith.constant 32 : index
      %get3A_458 = tpu.vector_load %arg7[%get3A_457] {strides = array<i32>} : memref<240xi32, #tpu.memory_space<vmem>>, vector<16xi32>,
      %get3A_459 = vector.shape_cast %get3A_458 : vector<16xi32> to vector<16xi32>
      %swap3A_460 = arith.constant 32 : index
      %swap3A_461 = tpu.vector_load %arg5[%swap3A_460] {strides = array<i32>} : memref<240xi32, #tpu.memory_space<vmem>>, vector<16xi32>,
      %swap3A_462 = vector.shape_cast %swap3A_461 : vector<16xi32> to vector<16xi32>
      %swap3A_463 = vector.shape_cast %get3A_459 : vector<16xi32> to vector<16xi32>
      tpu.vector_store %arg5[%swap3A_460], %swap3A_463 {strides = array<i32>} : memref<240xi32, #tpu.memory_space<vmem>>, vector<16xi32>,
      %get3A_464 = arith.constant 32 : index
      %get3A_465 = tpu.vector_load %arg8[%get3A_464] {strides = array<i32>} : memref<240xi32, #tpu.memory_space<vmem>>, vector<16xi32>,
      %get3A_466 = vector.shape_cast %get3A_465 : vector<16xi32> to vector<16xi32>
      %swap3A_467 = arith.constant 32 : index
      %swap3A_468 = tpu.vector_load %arg6[%swap3A_467] {strides = array<i32>} : memref<240xi32, #tpu.memory_space<vmem>>, vector<16xi32>,
      %swap3A_469 = vector.shape_cast %swap3A_468 : vector<16xi32> to vector<16xi32>
      %swap3A_470 = vector.shape_cast %get3A_466 : vector<16xi32> to vector<16xi32>
      tpu.vector_store %arg6[%swap3A_467], %swap3A_470 {strides = array<i32>} : memref<240xi32, #tpu.memory_space<vmem>>, vector<16xi32>,
      %get3A_471 = arith.constant 48 : index
      %get3A_472 = tpu.vector_load %arg7[%get3A_471] {strides = array<i32>} : memref<240xi32, #tpu.memory_space<vmem>>, vector<16xi32>,
      %get3A_473 = vector.shape_cast %get3A_472 : vector<16xi32> to vector<16xi32>
      %swap3A_474 = arith.constant 48 : index
      %swap3A_475 = tpu.vector_load %arg5[%swap3A_474] {strides = array<i32>} : memref<240xi32, #tpu.memory_space<vmem>>, vector<16xi32>,
      %swap3A_476 = vector.shape_cast %swap3A_475 : vector<16xi32> to vector<16xi32>
      %swap3A_477 = vector.shape_cast %get3A_473 : vector<16xi32> to vector<16xi32>
      tpu.vector_store %arg5[%swap3A_474], %swap3A_477 {strides = array<i32>} : memref<240xi32, #tpu.memory_space<vmem>>, vector<16xi32>,
      %get3A_478 = arith.constant 48 : index
      %get3A_479 = tpu.vector_load %arg8[%get3A_478] {strides = array<i32>} : memref<240xi32, #tpu.memory_space<vmem>>, vector<16xi32>,
      %get3A_480 = vector.shape_cast %get3A_479 : vector<16xi32> to vector<16xi32>
      %swap3A_481 = arith.constant 48 : index
      %swap3A_482 = tpu.vector_load %arg6[%swap3A_481] {strides = array<i32>} : memref<240xi32, #tpu.memory_space<vmem>>, vector<16xi32>,
      %swap3A_483 = vector.shape_cast %swap3A_482 : vector<16xi32> to vector<16xi32>
      %swap3A_484 = vector.shape_cast %get3A_480 : vector<16xi32> to vector<16xi32>
      tpu.vector_store %arg6[%swap3A_481], %swap3A_484 {strides = array<i32>} : memref<240xi32, #tpu.memory_space<vmem>>, vector<16xi32>,
      %get3A_485 = arith.constant 64 : index
      %get3A_486 = tpu.vector_load %arg7[%get3A_485] {strides = array<i32>} : memref<240xi32, #tpu.memory_space<vmem>>, vector<16xi32>,
      %get3A_487 = vector.shape_cast %get3A_486 : vector<16xi32> to vector<16xi32>
      %swap3A_488 = arith.constant 64 : index
      %swap3A_489 = tpu.vector_load %arg5[%swap3A_488] {strides = array<i32>} : memref<240xi32, #tpu.memory_space<vmem>>, vector<16xi32>,
      %swap3A_490 = vector.shape_cast %swap3A_489 : vector<16xi32> to vector<16xi32>
      %swap3A_491 = vector.shape_cast %get3A_487 : vector<16xi32> to vector<16xi32>
      tpu.vector_store %arg5[%swap3A_488], %swap3A_491 {strides = array<i32>} : memref<240xi32, #tpu.memory_space<vmem>>, vector<16xi32>,
      %get3A_492 = arith.constant 64 : index
      %get3A_493 = tpu.vector_load %arg8[%get3A_492] {strides = array<i32>} : memref<240xi32, #tpu.memory_space<vmem>>, vector<16xi32>,
      %get3A_494 = vector.shape_cast %get3A_493 : vector<16xi32> to vector<16xi32>
      %swap3A_495 = arith.constant 64 : index
      %swap3A_496 = tpu.vector_load %arg6[%swap3A_495] {strides = array<i32>} : memref<240xi32, #tpu.memory_space<vmem>>, vector<16xi32>,
      %swap3A_497 = vector.shape_cast %swap3A_496 : vector<16xi32> to vector<16xi32>
      %swap3A_498 = vector.shape_cast %get3A_494 : vector<16xi32> to vector<16xi32>
      tpu.vector_store %arg6[%swap3A_495], %swap3A_498 {strides = array<i32>} : memref<240xi32, #tpu.memory_space<vmem>>, vector<16xi32>,
      %get3A_499 = arith.constant 80 : index
      %get3A_500 = tpu.vector_load %arg7[%get3A_499] {strides = array<i32>} : memref<240xi32, #tpu.memory_space<vmem>>, vector<16xi32>,
      %get3A_501 = vector.shape_cast %get3A_500 : vector<16xi32> to vector<16xi32>
      %swap3A_502 = arith.constant 80 : index
      %swap3A_503 = tpu.vector_load %arg5[%swap3A_502] {strides = array<i32>} : memref<240xi32, #tpu.memory_space<vmem>>, vector<16xi32>,
      %swap3A_504 = vector.shape_cast %swap3A_503 : vector<16xi32> to vector<16xi32>
      %swap3A_505 = vector.shape_cast %get3A_501 : vector<16xi32> to vector<16xi32>
      tpu.vector_store %arg5[%swap3A_502], %swap3A_505 {strides = array<i32>} : memref<240xi32, #tpu.memory_space<vmem>>, vector<16xi32>,
      %get3A_506 = arith.constant 80 : index
      %get3A_507 = tpu.vector_load %arg8[%get3A_506] {strides = array<i32>} : memref<240xi32, #tpu.memory_space<vmem>>, vector<16xi32>,
      %get3A_508 = vector.shape_cast %get3A_507 : vector<16xi32> to vector<16xi32>
      %swap3A_509 = arith.constant 80 : index
      %swap3A_510 = tpu.vector_load %arg6[%swap3A_509] {strides = array<i32>} : memref<240xi32, #tpu.memory_space<vmem>>, vector<16xi32>,
      %swap3A_511 = vector.shape_cast %swap3A_510 : vector<16xi32> to vector<16xi32>
      %swap3A_512 = vector.shape_cast %get3A_508 : vector<16xi32> to vector<16xi32>
      tpu.vector_store %arg6[%swap3A_509], %swap3A_512 {strides = array<i32>} : memref<240xi32, #tpu.memory_space<vmem>>, vector<16xi32>,
      %get3A_513 = arith.constant 96 : index
      %get3A_514 = tpu.vector_load %arg7[%get3A_513] {strides = array<i32>} : memref<240xi32, #tpu.memory_space<vmem>>, vector<16xi32>,
      %get3A_515 = vector.shape_cast %get3A_514 : vector<16xi32> to vector<16xi32>
      %swap3A_516 = arith.constant 96 : index
      %swap3A_517 = tpu.vector_load %arg5[%swap3A_516] {strides = array<i32>} : memref<240xi32, #tpu.memory_space<vmem>>, vector<16xi32>,
      %swap3A_518 = vector.shape_cast %swap3A_517 : vector<16xi32> to vector<16xi32>
      %swap3A_519 = vector.shape_cast %get3A_515 : vector<16xi32> to vector<16xi32>
      tpu.vector_store %arg5[%swap3A_516], %swap3A_519 {strides = array<i32>} : memref<240xi32, #tpu.memory_space<vmem>>, vector<16xi32>,
      %get3A_520 = arith.constant 96 : index
      %get3A_521 = tpu.vector_load %arg8[%get3A_520] {strides = array<i32>} : memref<240xi32, #tpu.memory_space<vmem>>, vector<16xi32>,
      %get3A_522 = vector.shape_cast %get3A_521 : vector<16xi32> to vector<16xi32>
      %swap3A_523 = arith.constant 96 : index
      %swap3A_524 = tpu.vector_load %arg6[%swap3A_523] {strides = array<i32>} : memref<240xi32, #tpu.memory_space<vmem>>, vector<16xi32>,
      %swap3A_525 = vector.shape_cast %swap3A_524 : vector<16xi32> to vector<16xi32>
      %swap3A_526 = vector.shape_cast %get3A_522 : vector<16xi32> to vector<16xi32>
      tpu.vector_store %arg6[%swap3A_523], %swap3A_526 {strides = array<i32>} : memref<240xi32, #tpu.memory_space<vmem>>, vector<16xi32>,
      %get3A_527 = arith.constant 112 : index
      %get3A_528 = tpu.vector_load %arg7[%get3A_527] {strides = array<i32>} : memref<240xi32, #tpu.memory_space<vmem>>, vector<16xi32>,
      %get3A_529 = vector.shape_cast %get3A_528 : vector<16xi32> to vector<16xi32>
      %swap3A_530 = arith.constant 112 : index
      %swap3A_531 = tpu.vector_load %arg5[%swap3A_530] {strides = array<i32>} : memref<240xi32, #tpu.memory_space<vmem>>, vector<16xi32>,
      %swap3A_532 = vector.shape_cast %swap3A_531 : vector<16xi32> to vector<16xi32>
      %swap3A_533 = vector.shape_cast %get3A_529 : vector<16xi32> to vector<16xi32>
      tpu.vector_store %arg5[%swap3A_530], %swap3A_533 {strides = array<i32>} : memref<240xi32, #tpu.memory_space<vmem>>, vector<16xi32>,
      %get3A_534 = arith.constant 112 : index
      %get3A_535 = tpu.vector_load %arg8[%get3A_534] {strides = array<i32>} : memref<240xi32, #tpu.memory_space<vmem>>, vector<16xi32>,
      %get3A_536 = vector.shape_cast %get3A_535 : vector<16xi32> to vector<16xi32>
      %swap3A_537 = arith.constant 112 : index
      %swap3A_538 = tpu.vector_load %arg6[%swap3A_537] {strides = array<i32>} : memref<240xi32, #tpu.memory_space<vmem>>, vector<16xi32>,
      %swap3A_539 = vector.shape_cast %swap3A_538 : vector<16xi32> to vector<16xi32>
      %swap3A_540 = vector.shape_cast %get3A_536 : vector<16xi32> to vector<16xi32>
      tpu.vector_store %arg6[%swap3A_537], %swap3A_540 {strides = array<i32>} : memref<240xi32, #tpu.memory_space<vmem>>, vector<16xi32>,
      %get3A_541 = arith.constant 128 : index
      %get3A_542 = tpu.vector_load %arg7[%get3A_541] {strides = array<i32>} : memref<240xi32, #tpu.memory_space<vmem>>, vector<16xi32>,
      %get3A_543 = vector.shape_cast %get3A_542 : vector<16xi32> to vector<16xi32>
      %swap3A_544 = arith.constant 128 : index
      %swap3A_545 = tpu.vector_load %arg5[%swap3A_544] {strides = array<i32>} : memref<240xi32, #tpu.memory_space<vmem>>, vector<16xi32>,
      %swap3A_546 = vector.shape_cast %swap3A_545 : vector<16xi32> to vector<16xi32>
      %swap3A_547 = vector.shape_cast %get3A_543 : vector<16xi32> to vector<16xi32>
      tpu.vector_store %arg5[%swap3A_544], %swap3A_547 {strides = array<i32>} : memref<240xi32, #tpu.memory_space<vmem>>, vector<16xi32>,
      %get3A_548 = arith.constant 128 : index
      %get3A_549 = tpu.vector_load %arg8[%get3A_548] {strides = array<i32>} : memref<240xi32, #tpu.memory_space<vmem>>, vector<16xi32>,
      %get3A_550 = vector.shape_cast %get3A_549 : vector<16xi32> to vector<16xi32>
      %swap3A_551 = arith.constant 128 : index
      %swap3A_552 = tpu.vector_load %arg6[%swap3A_551] {strides = array<i32>} : memref<240xi32, #tpu.memory_space<vmem>>, vector<16xi32>,
      %swap3A_553 = vector.shape_cast %swap3A_552 : vector<16xi32> to vector<16xi32>
      %swap3A_554 = vector.shape_cast %get3A_550 : vector<16xi32> to vector<16xi32>
      tpu.vector_store %arg6[%swap3A_551], %swap3A_554 {strides = array<i32>} : memref<240xi32, #tpu.memory_space<vmem>>, vector<16xi32>,
      %get3A_555 = arith.constant 144 : index
      %get3A_556 = tpu.vector_load %arg7[%get3A_555] {strides = array<i32>} : memref<240xi32, #tpu.memory_space<vmem>>, vector<16xi32>,
      %get3A_557 = vector.shape_cast %get3A_556 : vector<16xi32> to vector<16xi32>
      %swap3A_558 = arith.constant 144 : index
      %swap3A_559 = tpu.vector_load %arg5[%swap3A_558] {strides = array<i32>} : memref<240xi32, #tpu.memory_space<vmem>>, vector<16xi32>,
      %swap3A_560 = vector.shape_cast %swap3A_559 : vector<16xi32> to vector<16xi32>
      %swap3A_561 = vector.shape_cast %get3A_557 : vector<16xi32> to vector<16xi32>
      tpu.vector_store %arg5[%swap3A_558], %swap3A_561 {strides = array<i32>} : memref<240xi32, #tpu.memory_space<vmem>>, vector<16xi32>,
      %get3A_562 = arith.constant 144 : index
      %get3A_563 = tpu.vector_load %arg8[%get3A_562] {strides = array<i32>} : memref<240xi32, #tpu.memory_space<vmem>>, vector<16xi32>,
      %get3A_564 = vector.shape_cast %get3A_563 : vector<16xi32> to vector<16xi32>
      %swap3A_565 = arith.constant 144 : index
      %swap3A_566 = tpu.vector_load %arg6[%swap3A_565] {strides = array<i32>} : memref<240xi32, #tpu.memory_space<vmem>>, vector<16xi32>,
      %swap3A_567 = vector.shape_cast %swap3A_566 : vector<16xi32> to vector<16xi32>
      %swap3A_568 = vector.shape_cast %get3A_564 : vector<16xi32> to vector<16xi32>
      tpu.vector_store %arg6[%swap3A_565], %swap3A_568 {strides = array<i32>} : memref<240xi32, #tpu.memory_space<vmem>>, vector<16xi32>,
      %get3A_569 = arith.constant 160 : index
      %get3A_570 = tpu.vector_load %arg7[%get3A_569] {strides = array<i32>} : memref<240xi32, #tpu.memory_space<vmem>>, vector<16xi32>,
      %get3A_571 = vector.shape_cast %get3A_570 : vector<16xi32> to vector<16xi32>
      %swap3A_572 = arith.constant 160 : index
      %swap3A_573 = tpu.vector_load %arg5[%swap3A_572] {strides = array<i32>} : memref<240xi32, #tpu.memory_space<vmem>>, vector<16xi32>,
      %swap3A_574 = vector.shape_cast %swap3A_573 : vector<16xi32> to vector<16xi32>
      %swap3A_575 = vector.shape_cast %get3A_571 : vector<16xi32> to vector<16xi32>
      tpu.vector_store %arg5[%swap3A_572], %swap3A_575 {strides = array<i32>} : memref<240xi32, #tpu.memory_space<vmem>>, vector<16xi32>,
      %get3A_576 = arith.constant 160 : index
      %get3A_577 = tpu.vector_load %arg8[%get3A_576] {strides = array<i32>} : memref<240xi32, #tpu.memory_space<vmem>>, vector<16xi32>,
      %get3A_578 = vector.shape_cast %get3A_577 : vector<16xi32> to vector<16xi32>
      %swap3A_579 = arith.constant 160 : index
      %swap3A_580 = tpu.vector_load %arg6[%swap3A_579] {strides = array<i32>} : memref<240xi32, #tpu.memory_space<vmem>>, vector<16xi32>,
      %swap3A_581 = vector.shape_cast %swap3A_580 : vector<16xi32> to vector<16xi32>
      %swap3A_582 = vector.shape_cast %get3A_578 : vector<16xi32> to vector<16xi32>
      tpu.vector_store %arg6[%swap3A_579], %swap3A_582 {strides = array<i32>} : memref<240xi32, #tpu.memory_space<vmem>>, vector<16xi32>,
      %get3A_583 = arith.constant 176 : index
      %get3A_584 = tpu.vector_load %arg7[%get3A_583] {strides = array<i32>} : memref<240xi32, #tpu.memory_space<vmem>>, vector<16xi32>,
      %get3A_585 = vector.shape_cast %get3A_584 : vector<16xi32> to vector<16xi32>
      %swap3A_586 = arith.constant 176 : index
      %swap3A_587 = tpu.vector_load %arg5[%swap3A_586] {strides = array<i32>} : memref<240xi32, #tpu.memory_space<vmem>>, vector<16xi32>,
      %swap3A_588 = vector.shape_cast %swap3A_587 : vector<16xi32> to vector<16xi32>
      %swap3A_589 = vector.shape_cast %get3A_585 : vector<16xi32> to vector<16xi32>
      tpu.vector_store %arg5[%swap3A_586], %swap3A_589 {strides = array<i32>} : memref<240xi32, #tpu.memory_space<vmem>>, vector<16xi32>,
      %get3A_590 = arith.constant 176 : index
      %get3A_591 = tpu.vector_load %arg8[%get3A_590] {strides = array<i32>} : memref<240xi32, #tpu.memory_space<vmem>>, vector<16xi32>,
      %get3A_592 = vector.shape_cast %get3A_591 : vector<16xi32> to vector<16xi32>
      %swap3A_593 = arith.constant 176 : index
      %swap3A_594 = tpu.vector_load %arg6[%swap3A_593] {strides = array<i32>} : memref<240xi32, #tpu.memory_space<vmem>>, vector<16xi32>,
      %swap3A_595 = vector.shape_cast %swap3A_594 : vector<16xi32> to vector<16xi32>
      %swap3A_596 = vector.shape_cast %get3A_592 : vector<16xi32> to vector<16xi32>
      tpu.vector_store %arg6[%swap3A_593], %swap3A_596 {strides = array<i32>} : memref<240xi32, #tpu.memory_space<vmem>>, vector<16xi32>,
      %get3A_597 = arith.constant 192 : index
      %get3A_598 = tpu.vector_load %arg7[%get3A_597] {strides = array<i32>} : memref<240xi32, #tpu.memory_space<vmem>>, vector<16xi32>,
      %get3A_599 = vector.shape_cast %get3A_598 : vector<16xi32> to vector<16xi32>
      %swap3A_600 = arith.constant 192 : index
      %swap3A_601 = tpu.vector_load %arg5[%swap3A_600] {strides = array<i32>} : memref<240xi32, #tpu.memory_space<vmem>>, vector<16xi32>,
      %swap3A_602 = vector.shape_cast %swap3A_601 : vector<16xi32> to vector<16xi32>
      %swap3A_603 = vector.shape_cast %get3A_599 : vector<16xi32> to vector<16xi32>
      tpu.vector_store %arg5[%swap3A_600], %swap3A_603 {strides = array<i32>} : memref<240xi32, #tpu.memory_space<vmem>>, vector<16xi32>,
      %get3A_604 = arith.constant 192 : index
      %get3A_605 = tpu.vector_load %arg8[%get3A_604] {strides = array<i32>} : memref<240xi32, #tpu.memory_space<vmem>>, vector<16xi32>,
      %get3A_606 = vector.shape_cast %get3A_605 : vector<16xi32> to vector<16xi32>
      %swap3A_607 = arith.constant 192 : index
      %swap3A_608 = tpu.vector_load %arg6[%swap3A_607] {strides = array<i32>} : memref<240xi32, #tpu.memory_space<vmem>>, vector<16xi32>,
      %swap3A_609 = vector.shape_cast %swap3A_608 : vector<16xi32> to vector<16xi32>
      %swap3A_610 = vector.shape_cast %get3A_606 : vector<16xi32> to vector<16xi32>
      tpu.vector_store %arg6[%swap3A_607], %swap3A_610 {strides = array<i32>} : memref<240xi32, #tpu.memory_space<vmem>>, vector<16xi32>,
      %get3A_611 = arith.constant 208 : index
      %get3A_612 = tpu.vector_load %arg7[%get3A_611] {strides = array<i32>} : memref<240xi32, #tpu.memory_space<vmem>>, vector<16xi32>,
      %get3A_613 = vector.shape_cast %get3A_612 : vector<16xi32> to vector<16xi32>
      %swap3A_614 = arith.constant 208 : index
      %swap3A_615 = tpu.vector_load %arg5[%swap3A_614] {strides = array<i32>} : memref<240xi32, #tpu.memory_space<vmem>>, vector<16xi32>,
      %swap3A_616 = vector.shape_cast %swap3A_615 : vector<16xi32> to vector<16xi32>
      %swap3A_617 = vector.shape_cast %get3A_613 : vector<16xi32> to vector<16xi32>
      tpu.vector_store %arg5[%swap3A_614], %swap3A_617 {strides = array<i32>} : memref<240xi32, #tpu.memory_space<vmem>>, vector<16xi32>,
      %get3A_618 = arith.constant 208 : index
      %get3A_619 = tpu.vector_load %arg8[%get3A_618] {strides = array<i32>} : memref<240xi32, #tpu.memory_space<vmem>>, vector<16xi32>,
      %get3A_620 = vector.shape_cast %get3A_619 : vector<16xi32> to vector<16xi32>
      %swap3A_621 = arith.constant 208 : index
      %swap3A_622 = tpu.vector_load %arg6[%swap3A_621] {strides = array<i32>} : memref<240xi32, #tpu.memory_space<vmem>>, vector<16xi32>,
      %swap3A_623 = vector.shape_cast %swap3A_622 : vector<16xi32> to vector<16xi32>
      %swap3A_624 = vector.shape_cast %get3A_620 : vector<16xi32> to vector<16xi32>
      tpu.vector_store %arg6[%swap3A_621], %swap3A_624 {strides = array<i32>} : memref<240xi32, #tpu.memory_space<vmem>>, vector<16xi32>,
      %get3A_625 = arith.constant 224 : index
      %get3A_626 = tpu.vector_load %arg7[%get3A_625] {strides = array<i32>} : memref<240xi32, #tpu.memory_space<vmem>>, vector<16xi32>,
      %get3A_627 = vector.shape_cast %get3A_626 : vector<16xi32> to vector<16xi32>
      %swap3A_628 = arith.constant 224 : index
      %swap3A_629 = tpu.vector_load %arg5[%swap3A_628] {strides = array<i32>} : memref<240xi32, #tpu.memory_space<vmem>>, vector<16xi32>,
      %swap3A_630 = vector.shape_cast %swap3A_629 : vector<16xi32> to vector<16xi32>
      %swap3A_631 = vector.shape_cast %get3A_627 : vector<16xi32> to vector<16xi32>
      tpu.vector_store %arg5[%swap3A_628], %swap3A_631 {strides = array<i32>} : memref<240xi32, #tpu.memory_space<vmem>>, vector<16xi32>,
      %get3A_632 = arith.constant 224 : index
      %get3A_633 = tpu.vector_load %arg8[%get3A_632] {strides = array<i32>} : memref<240xi32, #tpu.memory_space<vmem>>, vector<16xi32>,
      %get3A_634 = vector.shape_cast %get3A_633 : vector<16xi32> to vector<16xi32>
      %swap3A_635 = arith.constant 224 : index
      %swap3A_636 = tpu.vector_load %arg6[%swap3A_635] {strides = array<i32>} : memref<240xi32, #tpu.memory_space<vmem>>, vector<16xi32>,
      %swap3A_637 = vector.shape_cast %swap3A_636 : vector<16xi32> to vector<16xi32>
      %swap3A_638 = vector.shape_cast %get3A_634 : vector<16xi32> to vector<16xi32>
      tpu.vector_store %arg6[%swap3A_635], %swap3A_638 {strides = array<i32>} : memref<240xi32, #tpu.memory_space<vmem>>, vector<16xi32>,
    }
    %scan3A_208 = arith.constant 41 : i32
    %dma_wait3A_209 = arith.constant 0 : i32
    %dma_wait3A_210 = arith.constant 0 : i32
    %dma_wait3A_211 = tpu.memref_slice %arg16[%dma_wait3A_209, %dma_wait3A_210] : memref<10000x128xf32, #tpu.memory_space<vmem_shared>> -> memref<10000x128xf32, #tpu.memory_space<vmem_shared>>
    tpu.wait_indirect_dma semaphore(%arg20 : memref<!tpu.dma_semaphore, #tpu.memory_space<semaphore_mem>>) src(%arg12 : memref<80x128xf32, #tpu.memory_space<vmem>>) dst(%dma_wait3A_211 : memref<10000x128xf32, #tpu.memory_space<vmem_shared>>)
    %dma_wait3A_212 = arith.constant 0 : i32
    %dma_wait3A_213 = arith.constant 0 : i32
    %dma_wait3A_214 = tpu.memref_slice %arg16[%dma_wait3A_212, %dma_wait3A_213] : memref<10000x128xf32, #tpu.memory_space<vmem_shared>> -> memref<10000x128xf32, #tpu.memory_space<vmem_shared>>
    tpu.wait_indirect_dma semaphore(%arg21 : memref<!tpu.dma_semaphore, #tpu.memory_space<semaphore_mem>>) src(%arg13 : memref<80x128xf32, #tpu.memory_space<vmem>>) dst(%dma_wait3A_214 : memref<10000x128xf32, #tpu.memory_space<vmem_shared>>)
    %dma_wait3A_215 = arith.constant 0 : i32
    %dma_wait3A_216 = arith.constant 0 : i32
    %dma_wait3A_217 = tpu.memref_slice %arg16[%dma_wait3A_215, %dma_wait3A_216] : memref<10000x128xf32, #tpu.memory_space<vmem_shared>> -> memref<10000x128xf32, #tpu.memory_space<vmem_shared>>
    tpu.wait_indirect_dma semaphore(%arg22 : memref<!tpu.dma_semaphore, #tpu.memory_space<semaphore_mem>>) src(%arg14 : memref<80x128xf32, #tpu.memory_space<vmem>>) dst(%dma_wait3A_217 : memref<10000x128xf32, #tpu.memory_space<vmem_shared>>)
    %add3A_218 = arith.constant 9840 : i32
    %add3A_219 = arith.addi %mul3A_8, %add3A_218 : i32
    "tpu.region"() ({
      %run_scoped3A = tpu.sem_alloc : memref<!tpu.dma_semaphore, #tpu.memory_space<semaphore_mem>>
      %dma_start3A_256 = arith.constant 0 : i32
      %dma_start3A_257 = tpu.memref_slice %arg5[%dma_start3A_256] : memref<240xi32, #tpu.memory_space<vmem>> -> memref<80xi32, #tpu.memory_space<vmem>>
      %dma_start3A_258 = tpu.memref_slice %arg3[%add3A_219] : memref<640000xi32, #tpu.memory_space<hbm>> -> memref<80xi32, #tpu.memory_space<hbm>>
      %dma_start3A_259 = arith.constant 0 : i32
      %dma_start3A_260 = tpu.memref_slice %arg5[%dma_start3A_259] : memref<240xi32, #tpu.memory_space<vmem>> -> memref<80xi32, #tpu.memory_space<vmem>>
      %dma_start3A_261 = tpu.memref_slice %arg3[%add3A_219] : memref<640000xi32, #tpu.memory_space<hbm>> -> memref<80xi32, #tpu.memory_space<hbm>>
      tpu.enqueue_dma source(%dma_start3A_261 : memref<80xi32, #tpu.memory_space<hbm>>) target(%dma_start3A_260 : memref<80xi32, #tpu.memory_space<vmem>>) target_semaphore(%run_scoped3A : memref<!tpu.dma_semaphore, #tpu.memory_space<semaphore_mem>>)
      %dma_wait3A_262 = arith.constant 0 : i32
      %dma_wait3A_263 = tpu.memref_slice %arg5[%dma_wait3A_262] : memref<240xi32, #tpu.memory_space<vmem>> -> memref<80xi32, #tpu.memory_space<vmem>>
      %dma_wait3A_264 = tpu.memref_slice %arg3[%add3A_219] : memref<640000xi32, #tpu.memory_space<hbm>> -> memref<80xi32, #tpu.memory_space<hbm>>
      %dma_wait3A_265 = arith.constant 0 : i32
      %dma_wait3A_266 = tpu.memref_slice %arg5[%dma_wait3A_265] : memref<240xi32, #tpu.memory_space<vmem>> -> memref<80xi32, #tpu.memory_space<vmem>>
      %dma_wait3A_267 = tpu.memref_slice %arg3[%add3A_219] : memref<640000xi32, #tpu.memory_space<hbm>> -> memref<80xi32, #tpu.memory_space<hbm>>
      tpu.wait_dma2 semaphore(%run_scoped3A : memref<!tpu.dma_semaphore, #tpu.memory_space<semaphore_mem>>) src(%dma_wait3A_267 : memref<80xi32, #tpu.memory_space<hbm>>) dst(%dma_wait3A_266 : memref<80xi32, #tpu.memory_space<vmem>>)
      tpu.yield
    }) : () -> ()
    %add3A_220 = arith.constant 320000 : i32
    %add3A_221 = arith.addi %add3A_220, %add3A_219 : i32
    "tpu.region"() ({
      %run_scoped3A = tpu.sem_alloc : memref<!tpu.dma_semaphore, #tpu.memory_space<semaphore_mem>>
      %dma_start3A_256 = tpu.memref_slice %arg3[%add3A_221] : memref<640000xi32, #tpu.memory_space<hbm>> -> memref<80xi32, #tpu.memory_space<hbm>>
      %dma_start3A_257 = tpu.memref_slice %arg3[%add3A_221] : memref<640000xi32, #tpu.memory_space<hbm>> -> memref<80xi32, #tpu.memory_space<hbm>>
      tpu.enqueue_dma source(%dma_start3A_257 : memref<80xi32, #tpu.memory_space<hbm>>) target(%arg9 : memref<80xi32, #tpu.memory_space<vmem>>) target_semaphore(%run_scoped3A : memref<!tpu.dma_semaphore, #tpu.memory_space<semaphore_mem>>)
      %dma_wait3A_258 = tpu.memref_slice %arg3[%add3A_221] : memref<640000xi32, #tpu.memory_space<hbm>> -> memref<80xi32, #tpu.memory_space<hbm>>
      %dma_wait3A_259 = tpu.memref_slice %arg3[%add3A_221] : memref<640000xi32, #tpu.memory_space<hbm>> -> memref<80xi32, #tpu.memory_space<hbm>>
      tpu.wait_dma2 semaphore(%run_scoped3A : memref<!tpu.dma_semaphore, #tpu.memory_space<semaphore_mem>>) src(%dma_wait3A_259 : memref<80xi32, #tpu.memory_space<hbm>>) dst(%arg9 : memref<80xi32, #tpu.memory_space<vmem>>)
      tpu.yield
    }) : () -> ()
    %dma_start3A_222 = arith.constant 0 : i32
    %dma_start3A_223 = tpu.memref_slice %arg5[%dma_start3A_222] : memref<240xi32, #tpu.memory_space<vmem>> -> memref<80xi32, #tpu.memory_space<vmem>>
    %dma_start3A_224 = arith.constant 0 : i32
    %dma_start3A_225 = arith.constant 0 : i32
    %dma_start3A_226 = tpu.memref_slice %arg2[%dma_start3A_224, %dma_start3A_225] : memref<10000x128xf32, #tpu.memory_space<hbm>> -> memref<10000x128xf32, #tpu.memory_space<hbm>>
    tpu.enqueue_indirect_dma source(%dma_start3A_226 : memref<10000x128xf32, #tpu.memory_space<hbm>>) target(%arg12 : memref<80x128xf32, #tpu.memory_space<vmem>>) offsets(%dma_start3A_223 : memref<80xi32, #tpu.memory_space<vmem>>) semaphore(%arg17 : memref<!tpu.dma_semaphore, #tpu.memory_space<semaphore_mem>>)
    %dma_wait3A_227 = arith.constant 0 : i32
    %dma_wait3A_228 = tpu.memref_slice %arg5[%dma_wait3A_227] : memref<240xi32, #tpu.memory_space<vmem>> -> memref<80xi32, #tpu.memory_space<vmem>>
    %dma_wait3A_229 = arith.constant 0 : i32
    %dma_wait3A_230 = arith.constant 0 : i32
    %dma_wait3A_231 = tpu.memref_slice %arg2[%dma_wait3A_229, %dma_wait3A_230] : memref<10000x128xf32, #tpu.memory_space<hbm>> -> memref<10000x128xf32, #tpu.memory_space<hbm>>
    tpu.wait_indirect_dma semaphore(%arg17 : memref<!tpu.dma_semaphore, #tpu.memory_space<semaphore_mem>>) src(%dma_wait3A_231 : memref<10000x128xf32, #tpu.memory_space<hbm>>) dst(%arg12 : memref<80x128xf32, #tpu.memory_space<vmem>>)
    "tpu.region"() ({
      %run_scoped3A = tpu.sem_alloc : memref<!tpu.dma_semaphore, #tpu.memory_space<semaphore_mem>>
      %dma_start3A_256 = arith.constant 0 : i32
      %dma_start3A_257 = arith.constant 0 : i32
      %dma_start3A_258 = tpu.memref_slice %arg16[%dma_start3A_256, %dma_start3A_257] : memref<10000x128xf32, #tpu.memory_space<vmem_shared>> -> memref<10000x128xf32, #tpu.memory_space<vmem_shared>>
      tpu.enqueue_indirect_dma source(%arg12 : memref<80x128xf32, #tpu.memory_space<vmem>>) target(%dma_start3A_258 : memref<10000x128xf32, #tpu.memory_space<vmem_shared>>) offsets(%arg9 : memref<80xi32, #tpu.memory_space<vmem>>) semaphore(%run_scoped3A : memref<!tpu.dma_semaphore, #tpu.memory_space<semaphore_mem>>) {add = true}
      %dma_wait3A_259 = arith.constant 0 : i32
      %dma_wait3A_260 = arith.constant 0 : i32
      %dma_wait3A_261 = tpu.memref_slice %arg16[%dma_wait3A_259, %dma_wait3A_260] : memref<10000x128xf32, #tpu.memory_space<vmem_shared>> -> memref<10000x128xf32, #tpu.memory_space<vmem_shared>>
      tpu.wait_indirect_dma semaphore(%run_scoped3A : memref<!tpu.dma_semaphore, #tpu.memory_space<semaphore_mem>>) src(%arg12 : memref<80x128xf32, #tpu.memory_space<vmem>>) dst(%dma_wait3A_261 : memref<10000x128xf32, #tpu.memory_space<vmem_shared>>)
      tpu.yield
    }) : () -> ()
    %add3A_232 = arith.constant 9920 : i32
    %add3A_233 = arith.addi %mul3A_8, %add3A_232 : i32
    "tpu.region"() ({
      %run_scoped3A = tpu.sem_alloc : memref<!tpu.dma_semaphore, #tpu.memory_space<semaphore_mem>>
      %dma_start3A_256 = arith.constant 0 : i32
      %dma_start3A_257 = tpu.memref_slice %arg5[%dma_start3A_256] : memref<240xi32, #tpu.memory_space<vmem>> -> memref<80xi32, #tpu.memory_space<vmem>>
      %dma_start3A_258 = tpu.memref_slice %arg3[%add3A_233] : memref<640000xi32, #tpu.memory_space<hbm>> -> memref<80xi32, #tpu.memory_space<hbm>>
      %dma_start3A_259 = arith.constant 0 : i32
      %dma_start3A_260 = tpu.memref_slice %arg5[%dma_start3A_259] : memref<240xi32, #tpu.memory_space<vmem>> -> memref<80xi32, #tpu.memory_space<vmem>>
      %dma_start3A_261 = tpu.memref_slice %arg3[%add3A_233] : memref<640000xi32, #tpu.memory_space<hbm>> -> memref<80xi32, #tpu.memory_space<hbm>>
      tpu.enqueue_dma source(%dma_start3A_261 : memref<80xi32, #tpu.memory_space<hbm>>) target(%dma_start3A_260 : memref<80xi32, #tpu.memory_space<vmem>>) target_semaphore(%run_scoped3A : memref<!tpu.dma_semaphore, #tpu.memory_space<semaphore_mem>>)
      %dma_wait3A_262 = arith.constant 0 : i32
      %dma_wait3A_263 = tpu.memref_slice %arg5[%dma_wait3A_262] : memref<240xi32, #tpu.memory_space<vmem>> -> memref<80xi32, #tpu.memory_space<vmem>>
      %dma_wait3A_264 = tpu.memref_slice %arg3[%add3A_233] : memref<640000xi32, #tpu.memory_space<hbm>> -> memref<80xi32, #tpu.memory_space<hbm>>
      %dma_wait3A_265 = arith.constant 0 : i32
      %dma_wait3A_266 = tpu.memref_slice %arg5[%dma_wait3A_265] : memref<240xi32, #tpu.memory_space<vmem>> -> memref<80xi32, #tpu.memory_space<vmem>>
      %dma_wait3A_267 = tpu.memref_slice %arg3[%add3A_233] : memref<640000xi32, #tpu.memory_space<hbm>> -> memref<80xi32, #tpu.memory_space<hbm>>
      tpu.wait_dma2 semaphore(%run_scoped3A : memref<!tpu.dma_semaphore, #tpu.memory_space<semaphore_mem>>) src(%dma_wait3A_267 : memref<80xi32, #tpu.memory_space<hbm>>) dst(%dma_wait3A_266 : memref<80xi32, #tpu.memory_space<vmem>>)
      tpu.yield
    }) : () -> ()
    %add3A_234 = arith.constant 320000 : i32
    %add3A_235 = arith.addi %add3A_234, %add3A_233 : i32
    "tpu.region"() ({
      %run_scoped3A = tpu.sem_alloc : memref<!tpu.dma_semaphore, #tpu.memory_space<semaphore_mem>>
      %dma_start3A_256 = tpu.memref_slice %arg3[%add3A_235] : memref<640000xi32, #tpu.memory_space<hbm>> -> memref<80xi32, #tpu.memory_space<hbm>>
      %dma_start3A_257 = tpu.memref_slice %arg3[%add3A_235] : memref<640000xi32, #tpu.memory_space<hbm>> -> memref<80xi32, #tpu.memory_space<hbm>>
      tpu.enqueue_dma source(%dma_start3A_257 : memref<80xi32, #tpu.memory_space<hbm>>) target(%arg9 : memref<80xi32, #tpu.memory_space<vmem>>) target_semaphore(%run_scoped3A : memref<!tpu.dma_semaphore, #tpu.memory_space<semaphore_mem>>)
      %dma_wait3A_258 = tpu.memref_slice %arg3[%add3A_235] : memref<640000xi32, #tpu.memory_space<hbm>> -> memref<80xi32, #tpu.memory_space<hbm>>
      %dma_wait3A_259 = tpu.memref_slice %arg3[%add3A_235] : memref<640000xi32, #tpu.memory_space<hbm>> -> memref<80xi32, #tpu.memory_space<hbm>>
      tpu.wait_dma2 semaphore(%run_scoped3A : memref<!tpu.dma_semaphore, #tpu.memory_space<semaphore_mem>>) src(%dma_wait3A_259 : memref<80xi32, #tpu.memory_space<hbm>>) dst(%arg9 : memref<80xi32, #tpu.memory_space<vmem>>)
      tpu.yield
    }) : () -> ()
    %dma_start3A_236 = arith.constant 0 : i32
    %dma_start3A_237 = tpu.memref_slice %arg5[%dma_start3A_236] : memref<240xi32, #tpu.memory_space<vmem>> -> memref<80xi32, #tpu.memory_space<vmem>>
    %dma_start3A_238 = arith.constant 0 : i32
    %dma_start3A_239 = arith.constant 0 : i32
    %dma_start3A_240 = tpu.memref_slice %arg2[%dma_start3A_238, %dma_start3A_239] : memref<10000x128xf32, #tpu.memory_space<hbm>> -> memref<10000x128xf32, #tpu.memory_space<hbm>>
    tpu.enqueue_indirect_dma source(%dma_start3A_240 : memref<10000x128xf32, #tpu.memory_space<hbm>>) target(%arg12 : memref<80x128xf32, #tpu.memory_space<vmem>>) offsets(%dma_start3A_237 : memref<80xi32, #tpu.memory_space<vmem>>) semaphore(%arg17 : memref<!tpu.dma_semaphore, #tpu.memory_space<semaphore_mem>>)
    %dma_wait3A_241 = arith.constant 0 : i32
    %dma_wait3A_242 = tpu.memref_slice %arg5[%dma_wait3A_241] : memref<240xi32, #tpu.memory_space<vmem>> -> memref<80xi32, #tpu.memory_space<vmem>>
    %dma_wait3A_243 = arith.constant 0 : i32
    %dma_wait3A_244 = arith.constant 0 : i32
    %dma_wait3A_245 = tpu.memref_slice %arg2[%dma_wait3A_243, %dma_wait3A_244] : memref<10000x128xf32, #tpu.memory_space<hbm>> -> memref<10000x128xf32, #tpu.memory_space<hbm>>
    tpu.wait_indirect_dma semaphore(%arg17 : memref<!tpu.dma_semaphore, #tpu.memory_space<semaphore_mem>>) src(%dma_wait3A_245 : memref<10000x128xf32, #tpu.memory_space<hbm>>) dst(%arg12 : memref<80x128xf32, #tpu.memory_space<vmem>>)
    "tpu.region"() ({
      %run_scoped3A = tpu.sem_alloc : memref<!tpu.dma_semaphore, #tpu.memory_space<semaphore_mem>>
      %dma_start3A_256 = arith.constant 0 : i32
      %dma_start3A_257 = arith.constant 0 : i32
      %dma_start3A_258 = tpu.memref_slice %arg16[%dma_start3A_256, %dma_start3A_257] : memref<10000x128xf32, #tpu.memory_space<vmem_shared>> -> memref<10000x128xf32, #tpu.memory_space<vmem_shared>>
      tpu.enqueue_indirect_dma source(%arg12 : memref<80x128xf32, #tpu.memory_space<vmem>>) target(%dma_start3A_258 : memref<10000x128xf32, #tpu.memory_space<vmem_shared>>) offsets(%arg9 : memref<80xi32, #tpu.memory_space<vmem>>) semaphore(%run_scoped3A : memref<!tpu.dma_semaphore, #tpu.memory_space<semaphore_mem>>) {add = true}
      %dma_wait3A_259 = arith.constant 0 : i32
      %dma_wait3A_260 = arith.constant 0 : i32
      %dma_wait3A_261 = tpu.memref_slice %arg16[%dma_wait3A_259, %dma_wait3A_260] : memref<10000x128xf32, #tpu.memory_space<vmem_shared>> -> memref<10000x128xf32, #tpu.memory_space<vmem_shared>>
      tpu.wait_indirect_dma semaphore(%run_scoped3A : memref<!tpu.dma_semaphore, #tpu.memory_space<semaphore_mem>>) src(%arg12 : memref<80x128xf32, #tpu.memory_space<vmem>>) dst(%dma_wait3A_261 : memref<10000x128xf32, #tpu.memory_space<vmem_shared>>)
      tpu.yield
    }) : () -> ()
    %barrier3A_246 = arith.constant 0 : index
    tpu.barrier barrier_id(%barrier3A_246)
    %mul3A_247 = arith.constant 624 : i32
    %mul3A_248 = arith.muli %arg1, %mul3A_247 : i32
    %mul3A_249 = arith.constant 624 : i32
    %mul3A_250 = arith.muli %arg1, %mul3A_249 : i32
    "tpu.region"() ({
      %run_scoped3A = tpu.sem_alloc : memref<!tpu.dma_semaphore, #tpu.memory_space<semaphore_mem>>
      %dma_start3A_256 = arith.constant 0 : i32
      %dma_start3A_257 = tpu.memref_slice %arg4[%arg0, %mul3A_250, %dma_start3A_256] : memref<2x10000x128xf32, #tpu.memory_space<hbm>> -> memref<1x624x128xf32, #tpu.memory_space<hbm>>
      %dma_start3A_258 = tpu.memref_squeeze %dma_start3A_257 : memref<1x624x128xf32, #tpu.memory_space<hbm>> -> memref<624x128xf32, #tpu.memory_space<hbm>>
      %dma_start3A_259 = arith.constant 0 : i32
      %dma_start3A_260 = tpu.memref_slice %arg16[%mul3A_248, %dma_start3A_259] : memref<10000x128xf32, #tpu.memory_space<vmem_shared>> -> memref<624x128xf32, #tpu.memory_space<vmem_shared>>
      tpu.enqueue_dma source(%dma_start3A_260 : memref<624x128xf32, #tpu.memory_space<vmem_shared>>) target(%dma_start3A_258 : memref<624x128xf32, #tpu.memory_space<hbm>>) target_semaphore(%run_scoped3A : memref<!tpu.dma_semaphore, #tpu.memory_space<semaphore_mem>>)
      %dma_wait3A_261 = arith.constant 0 : i32
      %dma_wait3A_262 = tpu.memref_slice %arg4[%arg0, %mul3A_250, %dma_wait3A_261] : memref<2x10000x128xf32, #tpu.memory_space<hbm>> -> memref<1x624x128xf32, #tpu.memory_space<hbm>>
      %dma_wait3A_263 = tpu.memref_squeeze %dma_wait3A_262 : memref<1x624x128xf32, #tpu.memory_space<hbm>> -> memref<624x128xf32, #tpu.memory_space<hbm>>
      %dma_wait3A_264 = arith.constant 0 : i32
      %dma_wait3A_265 = tpu.memref_slice %arg16[%mul3A_248, %dma_wait3A_264] : memref<10000x128xf32, #tpu.memory_space<vmem_shared>> -> memref<624x128xf32, #tpu.memory_space<vmem_shared>>
      tpu.wait_dma2 semaphore(%run_scoped3A : memref<!tpu.dma_semaphore, #tpu.memory_space<semaphore_mem>>) src(%dma_wait3A_265 : memref<624x128xf32, #tpu.memory_space<vmem_shared>>) dst(%dma_wait3A_263 : memref<624x128xf32, #tpu.memory_space<hbm>>)
      tpu.yield
    }) : () -> ()
    %eq3A_251 = arith.constant 15 : i32
    %eq3A_252 = arith.cmpi eq, %arg1, %eq3A_251 : i32
    %convert_element_type3A_253 = arith.extui %eq3A_252 : i1 to i32
    %cond3A_254 = arith.constant 0 : i32
    %cond3A_255 = arith.cmpi ne, %convert_element_type3A_253, %cond3A_254 : i32
    scf.if %cond3A_255 {
      "tpu.region"() ({
        %run_scoped3A = tpu.sem_alloc : memref<!tpu.dma_semaphore, #tpu.memory_space<semaphore_mem>>
        %dma_start3A_256 = arith.constant 9984 : i32
        %dma_start3A_257 = arith.constant 0 : i32
        %dma_start3A_258 = tpu.memref_slice %arg4[%arg0, %dma_start3A_256, %dma_start3A_257] : memref<2x10000x128xf32, #tpu.memory_space<hbm>> -> memref<1x16x128xf32, #tpu.memory_space<hbm>>
        %dma_start3A_259 = tpu.memref_squeeze %dma_start3A_258 : memref<1x16x128xf32, #tpu.memory_space<hbm>> -> memref<16x128xf32, #tpu.memory_space<hbm>>
        %dma_start3A_260 = arith.constant 9984 : i32
        %dma_start3A_261 = arith.constant 0 : i32
        %dma_start3A_262 = tpu.memref_slice %arg16[%dma_start3A_260, %dma_start3A_261] : memref<10000x128xf32, #tpu.memory_space<vmem_shared>> -> memref<16x128xf32, #tpu.memory_space<vmem_shared>>
        tpu.enqueue_dma source(%dma_start3A_262 : memref<16x128xf32, #tpu.memory_space<vmem_shared>>) target(%dma_start3A_259 : memref<16x128xf32, #tpu.memory_space<hbm>>) target_semaphore(%run_scoped3A : memref<!tpu.dma_semaphore, #tpu.memory_space<semaphore_mem>>)
        %dma_wait3A_263 = arith.constant 9984 : i32
        %dma_wait3A_264 = arith.constant 0 : i32
        %dma_wait3A_265 = tpu.memref_slice %arg4[%arg0, %dma_wait3A_263, %dma_wait3A_264] : memref<2x10000x128xf32, #tpu.memory_space<hbm>> -> memref<1x16x128xf32, #tpu.memory_space<hbm>>
        %dma_wait3A_266 = tpu.memref_squeeze %dma_wait3A_265 : memref<1x16x128xf32, #tpu.memory_space<hbm>> -> memref<16x128xf32, #tpu.memory_space<hbm>>
        %dma_wait3A_267 = arith.constant 9984 : i32
        %dma_wait3A_268 = arith.constant 0 : i32
        %dma_wait3A_269 = tpu.memref_slice %arg16[%dma_wait3A_267, %dma_wait3A_268] : memref<10000x128xf32, #tpu.memory_space<vmem_shared>> -> memref<16x128xf32, #tpu.memory_space<vmem_shared>>
        tpu.wait_dma2 semaphore(%run_scoped3A : memref<!tpu.dma_semaphore, #tpu.memory_space<semaphore_mem>>) src(%dma_wait3A_269 : memref<16x128xf32, #tpu.memory_space<vmem_shared>>) dst(%dma_wait3A_266 : memref<16x128xf32, #tpu.memory_space<hbm>>)
        tpu.yield
      }) : () -> ()
    } else {
    }
    return
  }
}

module attributes {stable_mosaic.version = 14 : i64} {
  func.func @body(%arg0: i32, %arg1: memref<1000x128xf32, #tpu.memory_space<vmem>>, %arg2: memref<1x1000x128xf32, #tpu.memory_space<vmem>>, %arg3: memref<1x1000x128xf32, #tpu.memory_space<vmem>>, %arg4: memref<128x128xf32, #tpu.memory_space<vmem>>, %arg5: memref<1x128xf32, #tpu.memory_space<vmem>>, %arg6: memref<1x1x1000xi32, #tpu.memory_space<vmem>>, %arg7: memref<128x128xf32, #tpu.memory_space<vmem>>, %arg8: memref<1x128xf32, #tpu.memory_space<vmem>>, %arg9: memref<128x128xf32, #tpu.memory_space<vmem>>, %arg10: memref<1x128xf32, #tpu.memory_space<vmem>>, %arg11: memref<128x128xf32, #tpu.memory_space<vmem>>, %arg12: memref<128x128xf32, #tpu.memory_space<vmem>>, %arg13: memref<128x128xf32, #tpu.memory_space<vmem>>) attributes {dimension_semantics = [#tpu.dimension_semantics<arbitrary>], iteration_bounds = array<i64: 10>, scalar_prefetch = 0 : i64, scratch_operands = 2 : i64, tpu.core_type = #tpu.core_type<tc>, window_params = [{transform_indices = @transform_0, window_bounds = array<i64: 1000, 128>}, {transform_indices = @transform_1, window_bounds = array<i64: 1, 1000, 128>}, {transform_indices = @transform_2, window_bounds = array<i64: 1, 1000, 128>}, {pipeline_mode = #tpu.pipeline_mode<synchronous>, transform_indices = @transform_3, window_bounds = array<i64: 128, 128>}, {pipeline_mode = #tpu.pipeline_mode<synchronous>, transform_indices = @transform_4, window_bounds = array<i64: 1, 128>}, {transform_indices = @transform_5, window_bounds = array<i64: 1, 1, 1000>}, {pipeline_mode = #tpu.pipeline_mode<synchronous>, transform_indices = @transform_6, window_bounds = array<i64: 128, 128>}, {pipeline_mode = #tpu.pipeline_mode<synchronous>, transform_indices = @transform_7, window_bounds = array<i64: 1, 128>}, {pipeline_mode = #tpu.pipeline_mode<synchronous>, transform_indices = @transform_8, window_bounds = array<i64: 128, 128>}, {pipeline_mode = #tpu.pipeline_mode<synchronous>, transform_indices = @transform_9, window_bounds = array<i64: 1, 128>}, {pipeline_mode = #tpu.pipeline_mode<synchronous>, transform_indices = @transform_10, window_bounds = array<i64: 128, 128>}]} {
    %get3A = arith.constant 0 : index
    %get3A_0 = arith.constant 0 : index
    %get3A_1 = vector.load %arg1[%get3A, %get3A_0] : memref<1000x128xf32, #tpu.memory_space<vmem>>, vector<1000x128xf32>
    %get3A_2 = arith.constant 0 : index
    %get3A_3 = arith.constant 0 : index
    %get3A_4 = arith.constant 0 : index
    %get3A_5 = vector.load %arg2[%get3A_2, %get3A_3, %get3A_4] : memref<1x1000x128xf32, #tpu.memory_space<vmem>>, vector<1x1000x128xf32>
    %get3A_6 = vector.shape_cast %get3A_5 : vector<1x1000x128xf32> to vector<1000x128xf32>
    %add3A = arith.addf %get3A_1, %get3A_6 : vector<1000x128xf32>
    %get3A_7 = arith.constant 0 : index
    %get3A_8 = arith.constant 0 : index
    %get3A_9 = arith.constant 0 : index
    %get3A_10 = vector.load %arg3[%get3A_7, %get3A_8, %get3A_9] : memref<1x1000x128xf32, #tpu.memory_space<vmem>>, vector<1x1000x128xf32>
    %get3A_11 = vector.shape_cast %get3A_10 : vector<1x1000x128xf32> to vector<1000x128xf32>
    %add3A_12 = arith.addf %add3A, %get3A_11 : vector<1000x128xf32>
    %get3A_13 = arith.constant 0 : index
    %get3A_14 = arith.constant 0 : index
    %get3A_15 = vector.load %arg4[%get3A_13, %get3A_14] : memref<128x128xf32, #tpu.memory_space<vmem>>, vector<128x128xf32>
    %dot_general3A = arith.constant dense<0.000000e+00> : vector<1000x128xf32>
    %dot_general3A_16 = tpu.matmul %add3A_12, %get3A_15, %dot_general3A {dimension_numbers = #tpu.dot_dimension_numbers<[1], [0], [0], [1], [0, 0, 1, 1], [], []>, transpose_lhs_hint = false} : vector<1000x128xf32>, vector<128x128xf32>, vector<1000x128xf32> -> vector<1000x128xf32>
    %get3A_17 = arith.constant 0 : index
    %get3A_18 = arith.constant 0 : index
    %get3A_19 = vector.load %arg5[%get3A_17, %get3A_18] : memref<1x128xf32, #tpu.memory_space<vmem>>, vector<1x128xf32>
    %add3A_20 = vector.broadcast %get3A_19 : vector<1x128xf32> to vector<1000x128xf32>
    %add3A_21 = arith.addf %dot_general3A_16, %add3A_20 : vector<1000x128xf32>
    %max3A = arith.constant 0.000000e+00 : f32
    %max3A_22 = vector.broadcast %max3A : f32 to vector<1000x128xf32>
    %max3A_23 = arith.maximumf %add3A_21, %max3A_22 : vector<1000x128xf32>
    %get3A_24 = arith.constant 0 : index
    %get3A_25 = arith.constant 0 : index
    %get3A_26 = arith.constant 0 : index
    %get3A_27 = vector.load %arg6[%get3A_24, %get3A_25, %get3A_26] : memref<1x1x1000xi32, #tpu.memory_space<vmem>>, vector<1x1x1000xi32>
    %get3A_28 = vector.shape_cast %get3A_27 : vector<1x1x1000xi32> to vector<1000xi32>
    %iota3A = tpu.iota {dimensions = array<i32: 0>} : vector<128x1000xi32>
    %broadcast_in_dim3A = vector.shape_cast %get3A_28 : vector<1000xi32> to vector<1x1000xi32>
    %eq3A = vector.broadcast %broadcast_in_dim3A : vector<1x1000xi32> to vector<128x1000xi32>
    %eq3A_29 = arith.cmpi eq, %iota3A, %eq3A : vector<128x1000xi32>
    %convert_element_type3A = arith.extui %eq3A_29 : vector<128x1000xi1> to vector<128x1000xi32>
    %convert_element_type3A_30 = arith.sitofp %convert_element_type3A : vector<128x1000xi32> to vector<128x1000xf32>
    %eq3A_31 = arith.constant 0 : i32
    %eq3A_32 = arith.cmpi eq, %arg0, %eq3A_31 : i32
    %convert_element_type3A_33 = arith.extui %eq3A_32 : i1 to i32
    %cond3A = arith.constant 0 : i32
    %cond3A_34 = arith.cmpi ne, %convert_element_type3A_33, %cond3A : i32
    scf.if %cond3A_34 {
      %broadcast_in_dim3A_59 = arith.constant 0.000000e+00 : f32
      %broadcast_in_dim3A_60 = vector.broadcast %broadcast_in_dim3A_59 : f32 to vector<128x128xf32>
      %swap3A_61 = arith.constant 0 : index
      %swap3A_62 = arith.constant 0 : index
      %swap3A_63 = vector.load %arg12[%swap3A_61, %swap3A_62] : memref<128x128xf32, #tpu.memory_space<vmem>>, vector<128x128xf32>
      tpu.vector_store %arg12[%swap3A_61, %swap3A_62], %broadcast_in_dim3A_60 {strides = array<i32>} : memref<128x128xf32, #tpu.memory_space<vmem>>, vector<128x128xf32>,
      %broadcast_in_dim3A_64 = arith.constant 0.000000e+00 : f32
      %broadcast_in_dim3A_65 = vector.broadcast %broadcast_in_dim3A_64 : f32 to vector<128x128xf32>
      %swap3A_66 = arith.constant 0 : index
      %swap3A_67 = arith.constant 0 : index
      %swap3A_68 = vector.load %arg13[%swap3A_66, %swap3A_67] : memref<128x128xf32, #tpu.memory_space<vmem>>, vector<128x128xf32>
      tpu.vector_store %arg13[%swap3A_66, %swap3A_67], %broadcast_in_dim3A_65 {strides = array<i32>} : memref<128x128xf32, #tpu.memory_space<vmem>>, vector<128x128xf32>,
    } else {
    }
    %get3A_35 = arith.constant 0 : index
    %get3A_36 = arith.constant 0 : index
    %get3A_37 = vector.load %arg12[%get3A_35, %get3A_36] : memref<128x128xf32, #tpu.memory_space<vmem>>, vector<128x128xf32>
    %dot_general3A_38 = arith.constant dense<0.000000e+00> : vector<128x128xf32>
    %dot_general3A_39 = tpu.matmul %convert_element_type3A_30, %max3A_23, %dot_general3A_38 {dimension_numbers = #tpu.dot_dimension_numbers<[1], [0], [0], [1], [0, 0, 1, 1], [], []>, transpose_lhs_hint = false} : vector<128x1000xf32>, vector<1000x128xf32>, vector<128x128xf32> -> vector<128x128xf32>
    %add3A_40 = arith.addf %get3A_37, %dot_general3A_39 : vector<128x128xf32>
    %swap3A = arith.constant 0 : index
    %swap3A_41 = arith.constant 0 : index
    %swap3A_42 = vector.load %arg12[%swap3A, %swap3A_41] : memref<128x128xf32, #tpu.memory_space<vmem>>, vector<128x128xf32>
    tpu.vector_store %arg12[%swap3A, %swap3A_41], %add3A_40 {strides = array<i32>} : memref<128x128xf32, #tpu.memory_space<vmem>>, vector<128x128xf32>,
    %get3A_43 = arith.constant 0 : index
    %get3A_44 = arith.constant 0 : index
    %get3A_45 = vector.load %arg13[%get3A_43, %get3A_44] : memref<128x128xf32, #tpu.memory_space<vmem>>, vector<128x128xf32>
    %broadcast_in_dim3A_46 = arith.constant 1.000000e+00 : f32
    %broadcast_in_dim3A_47 = vector.broadcast %broadcast_in_dim3A_46 : f32 to vector<1000x128xf32>
    %dot_general3A_48 = arith.constant dense<0.000000e+00> : vector<128x128xf32>
    %dot_general3A_49 = tpu.matmul %convert_element_type3A_30, %broadcast_in_dim3A_47, %dot_general3A_48 {dimension_numbers = #tpu.dot_dimension_numbers<[1], [0], [0], [1], [0, 0, 1, 1], [], []>, transpose_lhs_hint = false} : vector<128x1000xf32>, vector<1000x128xf32>, vector<128x128xf32> -> vector<128x128xf32>
    %add3A_50 = arith.addf %get3A_45, %dot_general3A_49 : vector<128x128xf32>
    %swap3A_51 = arith.constant 0 : index
    %swap3A_52 = arith.constant 0 : index
    %swap3A_53 = vector.load %arg13[%swap3A_51, %swap3A_52] : memref<128x128xf32, #tpu.memory_space<vmem>>, vector<128x128xf32>
    tpu.vector_store %arg13[%swap3A_51, %swap3A_52], %add3A_50 {strides = array<i32>} : memref<128x128xf32, #tpu.memory_space<vmem>>, vector<128x128xf32>,
    %eq3A_54 = arith.constant 9 : i32
    %eq3A_55 = arith.cmpi eq, %arg0, %eq3A_54 : i32
    %convert_element_type3A_56 = arith.extui %eq3A_55 : i1 to i32
    %cond3A_57 = arith.constant 0 : i32
    %cond3A_58 = arith.cmpi ne, %convert_element_type3A_56, %cond3A_57 : i32
    scf.if %cond3A_58 {
      %get3A_59 = arith.constant 0 : index
      %get3A_60 = arith.constant 0 : index
      %get3A_61 = vector.load %arg12[%get3A_59, %get3A_60] : memref<128x128xf32, #tpu.memory_space<vmem>>, vector<128x128xf32>
      %get3A_62 = arith.constant 0 : index
      %get3A_63 = arith.constant 0 : index
      %get3A_64 = vector.load %arg13[%get3A_62, %get3A_63] : memref<128x128xf32, #tpu.memory_space<vmem>>, vector<128x128xf32>
      %max3A_65 = arith.constant 1.000000e+00 : f32
      %max3A_66 = vector.broadcast %max3A_65 : f32 to vector<128x128xf32>
      %max3A_67 = arith.maximumf %get3A_64, %max3A_66 : vector<128x128xf32>
      %div3A = arith.divf %get3A_61, %max3A_67 : vector<128x128xf32>
      %get3A_68 = arith.constant 0 : index
      %get3A_69 = arith.constant 0 : index
      %get3A_70 = vector.load %arg7[%get3A_68, %get3A_69] : memref<128x128xf32, #tpu.memory_space<vmem>>, vector<128x128xf32>
      %dot_general3A_71 = arith.constant dense<0.000000e+00> : vector<128x128xf32>
      %dot_general3A_72 = tpu.matmul %div3A, %get3A_70, %dot_general3A_71 {dimension_numbers = #tpu.dot_dimension_numbers<[1], [0], [0], [1], [0, 0, 1, 1], [], []>, transpose_lhs_hint = false} : vector<128x128xf32>, vector<128x128xf32>, vector<128x128xf32> -> vector<128x128xf32>
      %get3A_73 = arith.constant 0 : index
      %get3A_74 = arith.constant 0 : index
      %get3A_75 = vector.load %arg8[%get3A_73, %get3A_74] : memref<1x128xf32, #tpu.memory_space<vmem>>, vector<1x128xf32>
      %add3A_76 = vector.broadcast %get3A_75 : vector<1x128xf32> to vector<128x128xf32>
      %add3A_77 = arith.addf %dot_general3A_72, %add3A_76 : vector<128x128xf32>
      %max3A_78 = arith.constant 0.000000e+00 : f32
      %max3A_79 = vector.broadcast %max3A_78 : f32 to vector<128x128xf32>
      %max3A_80 = arith.maximumf %add3A_77, %max3A_79 : vector<128x128xf32>
      %get3A_81 = arith.constant 0 : index
      %get3A_82 = arith.constant 0 : index
      %get3A_83 = vector.load %arg9[%get3A_81, %get3A_82] : memref<128x128xf32, #tpu.memory_space<vmem>>, vector<128x128xf32>
      %dot_general3A_84 = arith.constant dense<0.000000e+00> : vector<128x128xf32>
      %dot_general3A_85 = tpu.matmul %max3A_80, %get3A_83, %dot_general3A_84 {dimension_numbers = #tpu.dot_dimension_numbers<[1], [0], [0], [1], [0, 0, 1, 1], [], []>, transpose_lhs_hint = false} : vector<128x128xf32>, vector<128x128xf32>, vector<128x128xf32> -> vector<128x128xf32>
      %get3A_86 = arith.constant 0 : index
      %get3A_87 = arith.constant 0 : index
      %get3A_88 = vector.load %arg10[%get3A_86, %get3A_87] : memref<1x128xf32, #tpu.memory_space<vmem>>, vector<1x128xf32>
      %add3A_89 = vector.broadcast %get3A_88 : vector<1x128xf32> to vector<128x128xf32>
      %add3A_90 = arith.addf %dot_general3A_85, %add3A_89 : vector<128x128xf32>
      %swap3A_91 = arith.constant 0 : index
      %swap3A_92 = arith.constant 0 : index
      %swap3A_93 = vector.load %arg11[%swap3A_91, %swap3A_92] : memref<128x128xf32, #tpu.memory_space<vmem>>, vector<128x128xf32>
      tpu.vector_store %arg11[%swap3A_91, %swap3A_92], %add3A_90 {strides = array<i32>} : memref<128x128xf32, #tpu.memory_space<vmem>>, vector<128x128xf32>,
    } else {
    }
    return
  }
  func.func @transform_0(%arg0: i32) -> (i32, i32) {
    %c0_i32 = arith.constant 0 : i32
    %c0_i32_0 = arith.constant 0 : i32
    return %arg0, %c0_i32 : i32, i32
  }
  func.func @transform_1(%arg0: i32) -> (i32, i32, i32) {
    %c0_i32 = arith.constant 0 : i32
    %c0_i32_0 = arith.constant 0 : i32
    %c0_i32_1 = arith.constant 0 : i32
    return %c0_i32, %arg0, %c0_i32_0 : i32, i32, i32
  }
  func.func @transform_2(%arg0: i32) -> (i32, i32, i32) {
    %c1_i32 = arith.constant 1 : i32
    %c0_i32 = arith.constant 0 : i32
    %c0_i32_0 = arith.constant 0 : i32
    return %c1_i32, %arg0, %c0_i32 : i32, i32, i32
  }
  func.func @transform_3(%arg0: i32) -> (i32, i32) {
    %c0_i32 = arith.constant 0 : i32
    %c0_i32_0 = arith.constant 0 : i32
    %c0_i32_1 = arith.constant 0 : i32
    return %c0_i32, %c0_i32_0 : i32, i32
  }
  func.func @transform_4(%arg0: i32) -> (i32, i32) {
    %c0_i32 = arith.constant 0 : i32
    %c0_i32_0 = arith.constant 0 : i32
    %c0_i32_1 = arith.constant 0 : i32
    return %c0_i32, %c0_i32_0 : i32, i32
  }
  func.func @transform_5(%arg0: i32) -> (i32, i32, i32) {
    %c0_i32 = arith.constant 0 : i32
    %c0_i32_0 = arith.constant 0 : i32
    %c0_i32_1 = arith.constant 0 : i32
    return %arg0, %c0_i32, %c0_i32_0 : i32, i32, i32
  }
  func.func @transform_6(%arg0: i32) -> (i32, i32) {
    %c0_i32 = arith.constant 0 : i32
    %c0_i32_0 = arith.constant 0 : i32
    %c0_i32_1 = arith.constant 0 : i32
    return %c0_i32, %c0_i32_0 : i32, i32
  }
  func.func @transform_7(%arg0: i32) -> (i32, i32) {
    %c0_i32 = arith.constant 0 : i32
    %c0_i32_0 = arith.constant 0 : i32
    %c0_i32_1 = arith.constant 0 : i32
    return %c0_i32, %c0_i32_0 : i32, i32
  }
  func.func @transform_8(%arg0: i32) -> (i32, i32) {
    %c0_i32 = arith.constant 0 : i32
    %c0_i32_0 = arith.constant 0 : i32
    %c0_i32_1 = arith.constant 0 : i32
    return %c0_i32, %c0_i32_0 : i32, i32
  }
  func.func @transform_9(%arg0: i32) -> (i32, i32) {
    %c0_i32 = arith.constant 0 : i32
    %c0_i32_0 = arith.constant 0 : i32
    %c0_i32_1 = arith.constant 0 : i32
    return %c0_i32, %c0_i32_0 : i32, i32
  }
  func.func @transform_10(%arg0: i32) -> (i32, i32) {
    %c0_i32 = arith.constant 0 : i32
    %c0_i32_0 = arith.constant 0 : i32
    %c0_i32_1 = arith.constant 0 : i32
    return %c0_i32, %c0_i32_0 : i32, i32
  }
}

module attributes {stable_mosaic.version = 14 : i64} {
  func.func @body(%arg0: i32, %arg1: memref<1000x128xf32, #tpu.memory_space<vmem>>, %arg2: memref<1x1000x128xf32, #tpu.memory_space<vmem>>, %arg3: memref<1x1000x128xf32, #tpu.memory_space<vmem>>, %arg4: memref<128x128xf32, #tpu.memory_space<vmem>>, %arg5: memref<1x128xf32, #tpu.memory_space<vmem>>, %arg6: memref<1000x128xf32, #tpu.memory_space<vmem>>) attributes {dimension_semantics = [#tpu.dimension_semantics<arbitrary>], iteration_bounds = array<i64: 10>, scalar_prefetch = 0 : i64, scratch_operands = 0 : i64, tpu.core_type = #tpu.core_type<tc>, window_params = [{transform_indices = @transform_0, window_bounds = array<i64: 1000, 128>}, {transform_indices = @transform_1, window_bounds = array<i64: 1, 1000, 128>}, {transform_indices = @transform_2, window_bounds = array<i64: 1, 1000, 128>}, {pipeline_mode = #tpu.pipeline_mode<synchronous>, transform_indices = @transform_3, window_bounds = array<i64: 128, 128>}, {pipeline_mode = #tpu.pipeline_mode<synchronous>, transform_indices = @transform_4, window_bounds = array<i64: 1, 128>}, {transform_indices = @transform_5, window_bounds = array<i64: 1000, 128>}]} {
    %get3A = arith.constant 0 : index
    %get3A_0 = arith.constant 0 : index
    %get3A_1 = vector.load %arg1[%get3A, %get3A_0] : memref<1000x128xf32, #tpu.memory_space<vmem>>, vector<1000x128xf32>
    %get3A_2 = arith.constant 0 : index
    %get3A_3 = arith.constant 0 : index
    %get3A_4 = arith.constant 0 : index
    %get3A_5 = vector.load %arg2[%get3A_2, %get3A_3, %get3A_4] : memref<1x1000x128xf32, #tpu.memory_space<vmem>>, vector<1x1000x128xf32>
    %get3A_6 = vector.shape_cast %get3A_5 : vector<1x1000x128xf32> to vector<1000x128xf32>
    %add3A = arith.addf %get3A_1, %get3A_6 : vector<1000x128xf32>
    %get3A_7 = arith.constant 0 : index
    %get3A_8 = arith.constant 0 : index
    %get3A_9 = arith.constant 0 : index
    %get3A_10 = vector.load %arg3[%get3A_7, %get3A_8, %get3A_9] : memref<1x1000x128xf32, #tpu.memory_space<vmem>>, vector<1x1000x128xf32>
    %get3A_11 = vector.shape_cast %get3A_10 : vector<1x1000x128xf32> to vector<1000x128xf32>
    %add3A_12 = arith.addf %add3A, %get3A_11 : vector<1000x128xf32>
    %get3A_13 = arith.constant 0 : index
    %get3A_14 = arith.constant 0 : index
    %get3A_15 = vector.load %arg4[%get3A_13, %get3A_14] : memref<128x128xf32, #tpu.memory_space<vmem>>, vector<128x128xf32>
    %dot_general3A = arith.constant dense<0.000000e+00> : vector<1000x128xf32>
    %dot_general3A_16 = tpu.matmul %add3A_12, %get3A_15, %dot_general3A {dimension_numbers = #tpu.dot_dimension_numbers<[1], [0], [0], [1], [0, 0, 1, 1], [], []>, transpose_lhs_hint = false} : vector<1000x128xf32>, vector<128x128xf32>, vector<1000x128xf32> -> vector<1000x128xf32>
    %get3A_17 = arith.constant 0 : index
    %get3A_18 = arith.constant 0 : index
    %get3A_19 = vector.load %arg5[%get3A_17, %get3A_18] : memref<1x128xf32, #tpu.memory_space<vmem>>, vector<1x128xf32>
    %add3A_20 = vector.broadcast %get3A_19 : vector<1x128xf32> to vector<1000x128xf32>
    %add3A_21 = arith.addf %dot_general3A_16, %add3A_20 : vector<1000x128xf32>
    %max3A = arith.constant 0.000000e+00 : f32
    %max3A_22 = vector.broadcast %max3A : f32 to vector<1000x128xf32>
    %max3A_23 = arith.maximumf %add3A_21, %max3A_22 : vector<1000x128xf32>
    %swap3A = arith.constant 0 : index
    %swap3A_24 = arith.constant 0 : index
    %swap3A_25 = vector.load %arg6[%swap3A, %swap3A_24] : memref<1000x128xf32, #tpu.memory_space<vmem>>, vector<1000x128xf32>
    tpu.vector_store %arg6[%swap3A, %swap3A_24], %max3A_23 {strides = array<i32>} : memref<1000x128xf32, #tpu.memory_space<vmem>>, vector<1000x128xf32>,
    return
  }
  func.func @transform_0(%arg0: i32) -> (i32, i32) {
    %c0_i32 = arith.constant 0 : i32
    %c0_i32_0 = arith.constant 0 : i32
    return %arg0, %c0_i32 : i32, i32
  }
  func.func @transform_1(%arg0: i32) -> (i32, i32, i32) {
    %c0_i32 = arith.constant 0 : i32
    %c0_i32_0 = arith.constant 0 : i32
    %c0_i32_1 = arith.constant 0 : i32
    return %c0_i32, %arg0, %c0_i32_0 : i32, i32, i32
  }
  func.func @transform_2(%arg0: i32) -> (i32, i32, i32) {
    %c1_i32 = arith.constant 1 : i32
    %c0_i32 = arith.constant 0 : i32
    %c0_i32_0 = arith.constant 0 : i32
    return %c1_i32, %arg0, %c0_i32 : i32, i32, i32
  }
  func.func @transform_3(%arg0: i32) -> (i32, i32) {
    %c0_i32 = arith.constant 0 : i32
    %c0_i32_0 = arith.constant 0 : i32
    %c0_i32_1 = arith.constant 0 : i32
    return %c0_i32, %c0_i32_0 : i32, i32
  }
  func.func @transform_4(%arg0: i32) -> (i32, i32) {
    %c0_i32 = arith.constant 0 : i32
    %c0_i32_0 = arith.constant 0 : i32
    %c0_i32_1 = arith.constant 0 : i32
    return %c0_i32, %c0_i32_0 : i32, i32
  }
  func.func @transform_5(%arg0: i32) -> (i32, i32) {
    %c0_i32 = arith.constant 0 : i32
    %c0_i32_0 = arith.constant 0 : i32
    return %arg0, %c0_i32 : i32, i32
  }
}

</mosaic_0001>

<sc_bundles>
// kernel: kernel.6.cloned.1.call-start
scs
__scs_entry_jumppad:
0x0: {  	(pc) =	sbr.rel $0x88, $3  }
0x1: {  	(tag) =	ssettag $0x0;
	lr =	simm.s32 $0x1  }
0x2: {  	[smem:$0x3F96] =	sst lr;
	_ =	strace $0xD0000000  }
0x3: {  	_ = 	snop  }
0x4: {  	_ = 	snop  }
0x5: {  	_ = 	snop  }
0x6: {  	_ = 	snop  }
0x7: {  	_ = 	snop  }
__scs_overlays_trampoline_lowered:
0x8: {  	[smem:$0x3FA5] =	sst s0  }
0x9: {  	[smem:$0x3FA6] =	sst s1  }
0xa: {  	[smem:$0x3FA7] =	sst s2  }
0xb: {  	[smem:$0x3FA8] =	sst s3  }
0xc: {  	[smem:$0x3FA9] =	sst s4  }
0xd: {  	[smem:$0x3FAA] =	sst s5  }
0xe: {  	[smem:$0x3FAB] =	sst s6  }
0xf: {  	[smem:$0x3FAC] =	sst s7  }
0x10: {  	[smem:$0x3FAD] =	sst s8  }
0x11: {  	[smem:$0x3FAE] =	sst s9;
	s0 =	simm.s32 @!p0 $0x0  }
0x12: {  	s1 =	sld [smem:$0x3F94];
	s0 =	simm.s32 @p0 $0x1  }
0x13: {  	[smem:$0x3FAF] =	sst s0;
	s0 =	simm.s32 @!p1 $0x0  }
0x14: {  	s2 =	sld [smem:$0x3F93];
	s0 =	simm.s32 @p1 $0x1  }
0x15: {  	[smem:$0x3FB0] =	sst s0;
	s0 =	simm.s32 @!p2 $0x0  }
0x16: {  	s3 =	sld [smem:$0x3FDB];
	s0 =	simm.s32 @p2 $0x1  }
0x17: {  	s4 =	simm.s32 $0x1BF5;
	[smem:$0x3FB2] =	sst s0  }
0x18: {  	s0 =	sld [smem:$0x3F95];
	_ =	swait.ge [sflag:s4], $0x0  }
0x19: {  	s7 =	sld [smem:$0x3F96]  }
0x1a: {  	s8 =	sadd.s32 $0xFFFFE003, lr  }
0x1b: {  	s9 =	sadd.s32 $0xFFFFFEF7, lr;
	s5 =	simm.s32 $0xFFFFFFFF;
	p2 =	slt.u32 s8, $0xFFFFF086  }
0x1c: {  	p1 =	slt.u32 s9, $0xF7A;
	s5 =	simm.s32 @!p2 $0x0  }
0x1d: {  	s5 =	simm.s32 @p1 $0x1;
	p0 =	seq.s32 s7, s2  }
0x1e: {  	s7 =	smul.u32 @!p0 $0xF7A, s2;
	p2 =	seq.s32 @!p0 s5, $0x0  }
0x1f: {  	s9 =	smul.u32 $0xF7A, s1;
	s8 =	simm.s32 @!p0 $0x1BF5;
	p2 =	por !p2, p0  }
0x20: {  	[sflag:s8] =	ssyncset.s32 @!p0 $0xFFFFF086;
	s6 =	sadd.s32 @!p0 s3, s7;
	s7 =	simm.s32 @!p0 $0x108  }
0x21: {  	s3 =	sadd.s32 s3, s9;
	s6 =	sadd.s32 @!p0 $0x88, s6;
	s7 =	simm.s32 @p2 $0x1082  }
0x22: {  	[simem:s7], [sflag:s8] =	dma.local @!p0 [hbm:s6], $0xF7A  }
0x23: {  	s9 =	sor.u32 $0xD0000000, s2;
	s6 =	simm.s32 $0x108;
	_ =	swait.ge @!p0 [sflag:s8], $0x0  }
0x24: {  	s3 =	sadd.s32 $0x88, s3;
	s6 =	simm.s32 @!p1 $0x1082;
	[sflag:s4] =	ssyncset.s32 $0xFFFFF086  }
0x25: {  	[simem:s6], [sflag:s4] =	dma.local [hbm:s3], $0xF7A  }
0x26: {  	[smem:$0x3F96] =	sst s1;
	(tag) =	ssettag s2;
	_ =	strace s9  }
0x27: {  	s1 =	sld [smem:$0x3FA6]  }
0x28: {  	s2 =	sld [smem:$0x3FA7]  }
0x29: {  	s4 =	sld [smem:$0x3FA9]  }
0x2a: {  	p0 =	seq.s32 s5, $0x0;
	s5 =	sld [smem:$0x3FAA]  }
0x2b: {  	s6 =	sld [smem:$0x3FAB]  }
0x2c: {  	s7 =	sld [smem:$0x3FAC]  }
0x2d: {  	s3 =	simm.s32 $0x108;
	s8 =	sld [smem:$0x3FAD]  }
0x2e: {  	s3 =	simm.s32 @!p0 $0x1082;
	s9 =	sld [smem:$0x3FAE]  }
0x2f: {  	lr =	sadd.s32 s0, s3;
	s0 =	sld [smem:$0x3FA5]  }
0x30: {  	s3 =	sld [smem:$0x3FA8]  }
0x31: {  	[smem:$0x3FB1] =	sst s10  }
0x32: {  	s10 =	sld [smem:$0x3FAF];
	_ =	sdelay $0x3  }
0x33: {  	p0 =	seq.s32 s10, $0x1;
	s10 =	sld [smem:$0x3FB1];
	_ =	sdelay $0x3  }
0x34: {  	[smem:$0x3FB1] =	sst s10  }
0x35: {  	s10 =	sld [smem:$0x3FB0];
	_ =	sdelay $0x3  }
0x36: {  	p1 =	seq.s32 s10, $0x1;
	s10 =	sld [smem:$0x3FB1];
	_ =	sdelay $0x3  }
0x37: {  	[smem:$0x3FB1] =	sst s10  }
0x38: {  	s10 =	sld [smem:$0x3FB2]  }
0x39: {  	_ = 	snop;
	(pc) =	sbr.ind lr, $3  }
0x3a: {  	_ = 	snop  }
0x3b: {  	_ = 	snop  }
0x3c: {  	p2 =	seq.s32 s10, $0x1;
	s10 =	sld [smem:$0x3FB1]  }
0x3d: {  	_ =	shalt  }
0x3e: {  	_ =	shalt  }
0x3f: {  	_ =	shalt  }
0x40: {  	_ =	shalt  }
0x41: {  	_ =	shalt  }
0x42: {  	_ =	shalt  }
0x43: {  	_ =	shalt  }
0x44: {  	_ =	shalt  }
0x45: {  	_ =	shalt  }
0x46: {  	_ =	shalt  }
0x47: {  	_ =	shalt  }
0x48: {  	_ =	shalt  }
0x49: {  	_ =	shalt  }
0x4a: {  	_ =	shalt  }
0x4b: {  	_ =	shalt  }
0x4c: {  	_ =	shalt  }
0x4d: {  	_ =	shalt  }
0x4e: {  	_ =	shalt  }
0x4f: {  	_ =	shalt  }
0x50: {  	_ =	shalt  }
0x51: {  	_ =	shalt  }
0x52: {  	_ =	shalt  }
0x53: {  	_ =	shalt  }
0x54: {  	_ =	shalt  }
0x55: {  	_ =	shalt  }
0x56: {  	_ =	shalt  }
0x57: {  	_ =	shalt  }
0x58: {  	_ =	shalt  }
0x59: {  	_ =	shalt  }
0x5a: {  	_ =	shalt  }
0x5b: {  	_ =	shalt  }
0x5c: {  	_ =	shalt  }
0x5d: {  	_ =	shalt  }
0x5e: {  	_ =	shalt  }
0x5f: {  	_ =	shalt  }
0x60: {  	_ =	shalt  }
0x61: {  	_ =	shalt  }
0x62: {  	_ =	shalt  }
0x63: {  	_ =	shalt  }
0x64: {  	_ =	shalt  }
0x65: {  	_ =	shalt  }
0x66: {  	_ =	shalt  }
0x67: {  	_ =	shalt  }
0x68: {  	_ =	shalt  }
0x69: {  	_ =	shalt  }
0x6a: {  	_ =	shalt  }
0x6b: {  	_ =	shalt  }
0x6c: {  	_ =	shalt  }
0x6d: {  	_ =	shalt  }
0x6e: {  	_ =	shalt  }
0x6f: {  	_ =	shalt  }
0x70: {  	_ =	shalt  }
0x71: {  	_ =	shalt  }
0x72: {  	_ =	shalt  }
0x73: {  	_ =	shalt  }
0x74: {  	_ =	shalt  }
0x75: {  	_ =	shalt  }
0x76: {  	_ =	shalt  }
0x77: {  	_ =	shalt  }
0x78: {  	_ =	shalt  }
0x79: {  	_ =	shalt  }
0x7a: {  	_ =	shalt  }
0x7b: {  	_ =	shalt  }
0x7c: {  	_ =	shalt  }
0x7d: {  	_ =	shalt  }
0x7e: {  	_ =	shalt  }
0x7f: {  	_ =	shalt  }
0x80: {  	_ =	shalt  }
0x81: {  	_ =	shalt  }
0x82: {  	_ =	shalt  }
0x83: {  	_ =	shalt  }
0x84: {  	_ =	shalt  }
0x85: {  	_ =	shalt  }
0x86: {  	_ =	shalt  }
0x87: {  	_ =	shalt  }
.Lfunc_end0:
.L_simem_size_0:
called_computation_lowered:
.L_overlay_start_0:
0x88: {  	s2 =	sld [smem:$0x3FD9]  }
0x89: {  	s3 =	sld [smem:$0x3FFE];
	_ =	sdelay $0x1  }
0x8a: {  	s1 =	srdreg.scid  }
0x8b: {  	s0 =	sand.u32 $0x1, s1  }
0x8c: {  	s17 =	sshll.u32 s0, $0xA;
	s2 =	sadd.s32 s3, s2  }
0x8d: {  	s2 =	sadd.s32 s2, s17  }
0x8e: {  	[smem:$0x3FBD] =	sst s2  }
0x8f: {  	_ = 	snop  }
0x90: {  	s2 =	sld [smem:$0x3FC9];
	(tm) =	ssettm $0x1  }
0x91: {  	s18 =	sld [smem:$0x3FFB];
	_ =	sdelay $0x3  }
0x92: {  	_ =	strace s18  }
0x93: {  	s3 =	sld [smem:$0x3FFC];
	_ =	sdelay $0x3  }
0x94: {  	_ =	strace s3  }
0x95: {  	s3 =	sld [smem:$0x3FFD];
	_ =	sdelay $0x3  }
0x96: {  	_ =	strace s3  }
0x97: {  	_ =	strace $0x8FFFFFFF  }
0x98: {  	s19 =	sld [smem:$0x3FDB];
	_ =	sdelay $0x1  }
0x99: {  	s4 =	simm.s32 $_scs_section_size  }
0x9a: {  	s5 =	simm.s32 $_size__tile_overlayer_lowered;
	s6 =	simm.s32 $_tile_overlayer_lowered  }
0x9b: {  	s22 =	simm.s32 $0x1BFF;
	s21 =	sshll.u32 s6, $0x1;
	s3 =	sadd.s32 s4, s19  }
0x9c: {  	s7 =	simm.s32 $0x0;
	s20 =	sshll.u32 s5, $0x1;
	s5 =	sadd.s32 s21, s3  }
0x9d: {  	[timem:s7], [sflag:s22] =	dma.local [hbm:s5], s20  }
0x9e: {  	_ =	swait.ge [sflag:s22], s20  }
0x9f: {  	s4 =	ssub.s32 $0x0, s20;
	[sflag:s22] =	ssyncset.done $0x0  }
0xa0: {  	[sflag:s22] =	ssyncadd.s32 s4;
	_ =	sdelay $0x1  }
0xa1: {  	s23 =	simm.s32 $0x1B8B  }
0xa2: {  	_ =	swait.ge [sflag:s23], $0x1  }
0xa3: {  	[sflag:s23] =	ssyncset.done $0x0  }
0xa4: {  	s25 =	simm.s32 $0x1B8E;
	s24 =	sld [smem:$0x3FFE];
	[sflag:s23] =	ssyncadd.s32 $0xFFFFFFFF  }
0xa5: {  	s26 =	simm.s32 $execute0_lowered;
	[smem:$0x3FD2] =	sst s25  }
0xa6: {  	s5 =	sshll.u32 s26, $0x1;
	_ =	strace $0x80000046;
	[dreg:$0x1] =	wrdreg $0xFFFFFFFF  }
0xa7: {  	s28 =	simm.s32 $_size_execute0_lowered;
	s3 =	sadd.s32 s3, s5;
	[dreg:$0x0] =	wrdreg $0x0  }
0xa8: {  	s5 =	sshll.u32 s28, $0x1;
	[dreg:$0x2] =	wrdreg s3  }
0xa9: {  	[dreg:$0x3] =	wrdreg s5  }
0xaa: {  	[dreg:$0x4] =	wrdreg $0xC0  }
0xab: {  	_ =	task [dreg:s7], $0x5FFFF  }
0xac: {  	[dreg:$0x1] =	wrdreg $0xFFFFFFFF  }
0xad: {  	[dreg:$0x0] =	wrdreg $0x60  }
0xae: {  	[dreg:$0x2] =	wrdreg s2  }
0xaf: {  	[dreg:$0x3] =	wrdreg s24  }
0xb0: {  	[dreg:$0x4] =	wrdreg $0x91800  }
0xb1: {  	[dreg:$0x5] =	wrdreg $0x9  }
0xb2: {  	_ =	task.clear_ibuf [dreg:s7], $0x6FFFF;
	_ =	strace $0x90000046  }
0xb3: {  	s29 =	simm.s32 $0x9;
	_ =	strace $0x80000048  }
0xb4: {  	_ =	swait.ge [sflag:s29], $0x1  }
0xb5: {  	[sflag:s29] =	ssyncadd.s32 $0xFFFFFFFF  }
0xb6: {  	_ =	strace $0x90000048  }
0xb7: {  	_ =	sfence  }
0xb8: {  	s30 =	sld [smem:$0x0];
	_ =	sdelay $0x2  }
0xb9: {  	s31 =	sshll.u32 s1, $0xD;
	s1 =	sshrl.u32 s1, $0x2  }
0xba: {  	s3 =	sand.u32 $0x4000, s31;
	s1 =	sadd.s32 s1, s30  }
0xbb: {  	s0 =	sor.u32 s3, s0;
	s1 =	sshll.u32 s1, $0x11  }
0xbc: {  	s0 =	sor.u32 s1, s0  }
0xbd: {  	s0 =	sadd.s32 $0x8F2B, s0  }
0xbe: {  	[sflag:s0] =	ssyncadd.remote.s32 $0x1  }
0xbf: {  	_ =	sfence.sel $0xFFFF  }
0xc0: {  	[dreg:$0x0] =	wrdreg $0xFFFFFFFF;
	(pc) =	sbr.abs _section_cstart, $3  }
0xc1: {  	[dreg:$0x1] =	wrdreg $0xFFFFFFFF  }
0xc2: {  	_ =	task.clear_ibuf [dreg:s7], $0x2FFFF;
	_ =	strace $0x9FFFFFFF  }
0xc3: {  	(tm) =	ssettm $0x7FFFFFFF  }
tec
execute0_lowered:
.L_overlay_start_1:
0x0: {  	(tag) =	ssettag $0x1  }
0x1: {  	s1 =	rddreg [dreg:$0x0]  }
0x2: {  	s0 =	rddreg [dreg:$0x1]  }
0x3: {  	s3 =	rddreg [dreg:$0x2];
	s4 =	simm.s32 $0x0;
	s10 =	stileid.u32  }
0x4: {  	s2 =	srdreg.scid;
	s28 =	simm.s32 $0x5;
	s30 =	simm.s32 $0x6  }
0x5: {  	s31 =	simm.s32 $0x0;
	[smem:$0x7FF] =	sst s4;
	s6 =	smul.u32 $0x4E000, s10  }
0x6: {  	s5 =	sadd.s32 $0x2A00, s0;
	s0 =	sadd.s32 $0x16400, s0;
	s2 =	sand.u32 $0x1, s2  }
0x7: {  	s8 =	sshll.u32 s10, $0x1;
	s13 =	smul.u32 $0x13800, s10;
	s6 =	sshrl.u32 s6, $0x2  }
0x8: {  	p0 =	sne.s32 s10, $0xF;
	s29 =	sadd.s32 $0x138000, s3;
	s6 =	sadd.s32 s6, s3  }
0x9: {  	s10 =	simm.s32 $0x1;
	_ =	strace $0x80000047;
	s21 =	sadd.s32 $0x1380, s6  }
0xa: {  	s7 =	ssub.s32 $0x2, s2;
	s22 =	sadd.s32 $0x2700, s6;
	[dreg:$0x4] =	wrdreg s21  }
0xb: {  	s8 =	sor.u32 s2, s8;
	s23 =	sadd.s32 $0x3A80, s6;
	[dreg:$0x5] =	wrdreg s22  }
0xc: {  	s2 =	smul.u32 $0x138800, s2;
	s24 =	sadd.s32 $0x4E00, s6;
	[dreg:$0x6] =	wrdreg s23  }
0xd: {  	s9 =	sshrl.u32 s7, $0x1;
	s25 =	sadd.s32 $0x6180, s6;
	[dreg:$0x7] =	wrdreg s24  }
0xe: {  	s9 =	ssub.s32 s7, s9;
	s26 =	sadd.s32 $0x7500, s6;
	[dreg:$0x8] =	wrdreg s25  }
0xf: {  	s7 =	smul.u32 $0x2710, s8;
	s11 =	sadd.s32 $0x8880, s6;
	[dreg:$0x9] =	wrdreg s26  }
0x10: {  	s8 =	sadd.s32 s13, s2;
	s12 =	sadd.s32 $0x9C00, s6;
	[dreg:$0xa] =	wrdreg s11  }
0x11: {  	s2 =	sshrl.u32 s2, $0x3;
	s14 =	sadd.s32 $0xC300, s6;
	[dreg:$0xb] =	wrdreg s12  }
0x12: {  	s13 =	simm.s32 $0x50;
	s15 =	sadd.s32 $0xD680, s6;
	[dreg:$0xd] =	wrdreg s14  }
0x13: {  	s16 =	sadd.s32 $0xEA00, s6;
	s17 =	sadd.s32 $0xFD80, s6;
	[dreg:$0xe] =	wrdreg s15  }
0x14: {  	s18 =	sadd.s32 $0x11100, s6;
	s8 =	sshrl.u32 s8, $0x3;
	[dreg:$0xf] =	wrdreg s16  }
0x15: {  	s20 =	smax.u32 s9, $0x1;
	s9 =	simm.s32 $0x9;
	[dreg:$0x10] =	wrdreg s17  }
0x16: {  	s11 =	sadd.s32 $0xAF80, s6;
	[dreg:$0x11] =	wrdreg s18;
	s8 =	sadd.s32 s0, s8  }
0x17: {  	s0 =	sadd.s32 s0, s2;
	s19 =	sshrl.u32 s7, $0x3;
	[dreg:$0x15] =	wrdreg s20  }
0x18: {  	s21 =	sadd.s32 $0x12480, s6;
	s12 =	simm.s32 $0x300;
	[dreg:$0xc] =	wrdreg s11  }
0x19: {  	s14 =	simm.s32 $0x580;
	s15 =	simm.s32 $0x2D80;
	[dreg:$0x12] =	wrdreg s8  }
0x1a: {  	s16 =	simm.s32 $0xA0;
	s0 =	sadd.s32 $0x27000, s0;
	[dreg:$0x16] =	wrdreg s21  }
0x1b: {  	s17 =	simm.s32 $0x5580;
	s2 =	sadd.s32 s5, s19;
	[dreg:$0x14] =	wrdreg s0  }
0x1c: {  	s18 =	simm.s32 $0x400;
	s22 =	sadd.s32 $0x9C40, s2;
	[dreg:$0x13] =	wrdreg s2  }
0x1d: {  	s20 =	simm.s32 $0x480;
	s23 =	sadd.s32 $0x4CE, s2;
	[dreg:$0x17] =	wrdreg s22  }
0x1e: {  	s8 =	simm.s32 $0x7D80;
	s24 =	sadd.s32 $0xA10E, s2;
	[dreg:$0x18] =	wrdreg s23  }
0x1f: {  	s11 =	simm.s32 $0x200;
	s25 =	sadd.s32 $0x4D8, s2;
	[dreg:$0x19] =	wrdreg s24  }
0x20: {  	s19 =	simm.s32 $0x2;
	s26 =	sadd.s32 $0xA118, s2;
	[dreg:$0x1a] =	wrdreg s25  }
0x21: {  	s21 =	simm.s32 $0x3;
	[dreg:$0x1b] =	wrdreg s26;
	s22 =	simm.s32 $0x500  }
0x22: {  	v0 =	vimm.f32 $0.0e+00;
	s24 =	simm.s32 $0x7;
	s25 =	simm.s32 $0x8;
	s26 =	simm.s32 $0x4  }
.LBB2_1:
0x23: {  	s0 =	simm.s32 $0x0;
	s2 =	simm.s32 $0x200  }
.LBB2_2:
0x24: {  	p1 =	sne.s32 s2, $0x4C00;
	[tilespmem:s0+$0x7DF0] =	vst v0  }
0x25: {  	[tilespmem:s0+$0x7D80] =	vst v0  }
0x26: {  	[tilespmem:s0+$0x7D90] =	vst v0  }
.Ltmp0:
0x27: {  	[tilespmem:s0+$0x7DA0] =	vst v0;
	(pc) =	sbr.rel @p1 .LBB2_2-.Ltmp0, $4  }
0x28: {  	[tilespmem:s0+$0x7DB0] =	vst v0  }
0x29: {  	[tilespmem:s0+$0x7DC0] =	vst v0  }
0x2a: {  	[tilespmem:s0+$0x7DD0] =	vst v0  }
0x2b: {  	[tilespmem:s0+$0x7DE0] =	vst v0;
	s0 =	sshra.s32 s2, $0x2;
	s2 =	sadd.s32 $0x200, s2  }
0x2c: {  	[tilespmem:s0+$0x7DF0] =	vst v0  }
0x2d: {  	[tilespmem:s0+$0x7D80] =	vst v0  }
0x2e: {  	[tilespmem:s0+$0x7D90] =	vst v0  }
0x2f: {  	[tilespmem:s0+$0x7DA0] =	vst v0  }
0x30: {  	[tilespmem:s0+$0x7DB0] =	vst v0  }
0x31: {  	[tilespmem:s0+$0x7DC0] =	vst v0  }
0x32: {  	[tilespmem:s0+$0x7DD0] =	vst v0  }
0x33: {  	[tilespmem:s0+$0x7DE0] =	vst v0  }
0x34: {  	[spmem:s6] =	stream.linear.scatter [tilespmem:s8], [sflag:$0x1], $0x1380, $0x38;
	[tilespmem:$0x1CA00] =	vst v63  }
0x35: {  	s23 =	rddreg [dreg:$0x4]  }
0x36: {  	[spmem:s23] =	stream.linear.scatter [tilespmem:s8], [sflag:$0x1], $0x1380, $0x38;
	[tilespmem:$0x1CA00] =	vst v63  }
0x37: {  	s2 =	rddreg [dreg:$0x5]  }
0x38: {  	[spmem:s2] =	stream.linear.scatter [tilespmem:s8], [sflag:$0x1], $0x1380, $0x38;
	[tilespmem:$0x1CA00] =	vst v63  }
0x39: {  	s23 =	rddreg [dreg:$0x6]  }
0x3a: {  	[spmem:s23] =	stream.linear.scatter [tilespmem:s8], [sflag:$0x1], $0x1380, $0x38;
	[tilespmem:$0x1CA00] =	vst v63  }
0x3b: {  	s2 =	rddreg [dreg:$0x7]  }
0x3c: {  	[spmem:s2] =	stream.linear.scatter [tilespmem:s8], [sflag:$0x1], $0x1380, $0x38;
	[tilespmem:$0x1CA00] =	vst v63  }
0x3d: {  	s23 =	rddreg [dreg:$0x8]  }
0x3e: {  	[spmem:s23] =	stream.linear.scatter [tilespmem:s8], [sflag:$0x1], $0x1380, $0x38;
	[tilespmem:$0x1CA00] =	vst v63  }
0x3f: {  	s2 =	rddreg [dreg:$0x9]  }
0x40: {  	[spmem:s2] =	stream.linear.scatter [tilespmem:s8], [sflag:$0x1], $0x1380, $0x38;
	[tilespmem:$0x1CA00] =	vst v63  }
0x41: {  	s23 =	rddreg [dreg:$0xa]  }
0x42: {  	[spmem:s23] =	stream.linear.scatter [tilespmem:s8], [sflag:$0x1], $0x1380, $0x38;
	[tilespmem:$0x1CA00] =	vst v63  }
0x43: {  	s2 =	rddreg [dreg:$0xb]  }
0x44: {  	[spmem:s2] =	stream.linear.scatter [tilespmem:s8], [sflag:$0x1], $0x1380, $0x38;
	[tilespmem:$0x1CA00] =	vst v63  }
0x45: {  	s23 =	rddreg [dreg:$0xc]  }
0x46: {  	[spmem:s23] =	stream.linear.scatter [tilespmem:s8], [sflag:$0x1], $0x1380, $0x38;
	[tilespmem:$0x1CA00] =	vst v63  }
0x47: {  	s2 =	rddreg [dreg:$0xd]  }
0x48: {  	[spmem:s2] =	stream.linear.scatter [tilespmem:s8], [sflag:$0x1], $0x1380, $0x38;
	[tilespmem:$0x1CA00] =	vst v63  }
0x49: {  	s23 =	rddreg [dreg:$0xe]  }
0x4a: {  	[spmem:s23] =	stream.linear.scatter [tilespmem:s8], [sflag:$0x1], $0x1380, $0x38;
	[tilespmem:$0x1CA00] =	vst v63  }
0x4b: {  	s2 =	rddreg [dreg:$0xf]  }
0x4c: {  	[spmem:s2] =	stream.linear.scatter [tilespmem:s8], [sflag:$0x1], $0x1380, $0x38;
	[tilespmem:$0x1CA00] =	vst v63  }
0x4d: {  	s23 =	rddreg [dreg:$0x10]  }
0x4e: {  	[spmem:s23] =	stream.linear.scatter [tilespmem:s8], [sflag:$0x1], $0x1380, $0x38;
	[tilespmem:$0x1CA00] =	vst v63  }
0x4f: {  	s2 =	rddreg [dreg:$0x11]  }
0x50: {  	[spmem:s2] =	stream.linear.scatter [tilespmem:s8], [sflag:$0x1], $0x1380, $0x38;
	[tilespmem:$0x1CA00] =	vst v63  }
0x51: {  	s23 =	rddreg [dreg:$0x16]  }
0x52: {  	[spmem:s23] =	stream.linear.scatter [tilespmem:s8], [sflag:$0x1], $0x1380, $0x38;
	[tilespmem:$0x1CA00] =	vst v63  }
0x53: {  	s2 =	rddreg [dreg:$0x13]  }
0x54: {  	[tilespmem:s4], [sflag:$0x9] =	stream.linear.gather [hbm4b:s2+s4], $0xF0, $0x38;
	[tilespmem:$0x1CA00] =	vst v63  }
0x55: {  	_ =	swait.ge [sflag:s9], $0xF0  }
0x56: {  	[sflag:s9] =	ssyncset.done $0x0  }
0x57: {  	s2 =	simm.s32 $0x100;
	s23 =	rddreg [dreg:$0x17];
	[sflag:s9] =	ssyncadd.s32 $0xFFFFFF10  }
0x58: {  	[tilespmem:s2], [sflag:$0x9] =	stream.linear.gather [hbm4b:s23+s4], $0xF0, $0x38;
	[tilespmem:$0x1CA00] =	vst v63  }
0x59: {  	_ =	swait.ge [sflag:s9], $0xF0  }
0x5a: {  	[sflag:s9] =	ssyncset.done $0x0  }
0x5b: {  	[sflag:s9] =	ssyncadd.s32 $0xFFFFFF10  }
0x5c: {  	_ =	swait.ge [sflag:s10], $0x1380  }
0x5d: {  	[sflag:s10] =	ssyncset.done $0x0  }
0x5e: {  	[sflag:s10] =	ssyncadd.s32 $0xFFFFEC80  }
0x5f: {  	_ =	swait.ge [sflag:s10], $0x1380  }
0x60: {  	[sflag:s10] =	ssyncset.done $0x0  }
0x61: {  	[sflag:s10] =	ssyncadd.s32 $0xFFFFEC80  }
0x62: {  	_ =	swait.ge [sflag:s10], $0x1380  }
0x63: {  	[sflag:s10] =	ssyncset.done $0x0  }
0x64: {  	[sflag:s10] =	ssyncadd.s32 $0xFFFFEC80  }
0x65: {  	_ =	swait.ge [sflag:s10], $0x1380  }
0x66: {  	[sflag:s10] =	ssyncset.done $0x0  }
0x67: {  	[sflag:s10] =	ssyncadd.s32 $0xFFFFEC80  }
0x68: {  	_ =	swait.ge [sflag:s10], $0x1380  }
0x69: {  	[sflag:s10] =	ssyncset.done $0x0  }
0x6a: {  	[sflag:s10] =	ssyncadd.s32 $0xFFFFEC80  }
0x6b: {  	_ =	swait.ge [sflag:s10], $0x1380  }
0x6c: {  	[sflag:s10] =	ssyncset.done $0x0  }
0x6d: {  	[sflag:s10] =	ssyncadd.s32 $0xFFFFEC80  }
0x6e: {  	_ =	swait.ge [sflag:s10], $0x1380  }
0x6f: {  	[sflag:s10] =	ssyncset.done $0x0  }
0x70: {  	[sflag:s10] =	ssyncadd.s32 $0xFFFFEC80  }
0x71: {  	_ =	swait.ge [sflag:s10], $0x1380  }
0x72: {  	[sflag:s10] =	ssyncset.done $0x0  }
0x73: {  	[sflag:s10] =	ssyncadd.s32 $0xFFFFEC80  }
0x74: {  	_ =	swait.ge [sflag:s10], $0x1380  }
0x75: {  	[sflag:s10] =	ssyncset.done $0x0  }
0x76: {  	[sflag:s10] =	ssyncadd.s32 $0xFFFFEC80  }
0x77: {  	_ =	swait.ge [sflag:s10], $0x1380  }
0x78: {  	[sflag:s10] =	ssyncset.done $0x0  }
0x79: {  	[sflag:s10] =	ssyncadd.s32 $0xFFFFEC80  }
0x7a: {  	_ =	swait.ge [sflag:s10], $0x1380  }
0x7b: {  	[sflag:s10] =	ssyncset.done $0x0  }
0x7c: {  	[sflag:s10] =	ssyncadd.s32 $0xFFFFEC80  }
0x7d: {  	_ =	swait.ge [sflag:s10], $0x1380  }
0x7e: {  	[sflag:s10] =	ssyncset.done $0x0  }
0x7f: {  	[sflag:s10] =	ssyncadd.s32 $0xFFFFEC80  }
0x80: {  	_ =	swait.ge [sflag:s10], $0x1380  }
0x81: {  	[sflag:s10] =	ssyncset.done $0x0  }
0x82: {  	[sflag:s10] =	ssyncadd.s32 $0xFFFFEC80  }
0x83: {  	_ =	swait.ge [sflag:s10], $0x1380  }
0x84: {  	[sflag:s10] =	ssyncset.done $0x0  }
0x85: {  	[sflag:s10] =	ssyncadd.s32 $0xFFFFEC80  }
0x86: {  	_ =	swait.ge [sflag:s10], $0x1380  }
0x87: {  	[sflag:s10] =	ssyncset.done $0x0  }
0x88: {  	[sflag:s10] =	ssyncadd.s32 $0xFFFFEC80  }
0x89: {  	_ =	swait.ge [sflag:s10], $0x1380  }
0x8a: {  	[sflag:s10] =	ssyncset.done $0x0  }
0x8b: {  	s0 =	simm.s32 @!p0 $0x7D80;
	[sflag:s10] =	ssyncadd.s32 $0xFFFFEC80  }
0x8c: {  	[spmem:s29] =	stream.linear.scatter @!p0 [tilespmem:s0], [sflag:$0x9], $0x800, $0x38;
	[tilespmem:$0x1CA00] =	vst v63  }
0x8d: {  	s0 =	simm.s32 @!p0 $0x9  }
0x8e: {  	_ =	swait.ge @!p0 [sflag:s0], $0x800  }
0x8f: {  	[sflag:s0] =	ssyncset.done @!p0 $0x0  }
0x90: {  	[sflag:s0] =	ssyncadd.s32 @!p0 $0xFFFFF800  }
0x91: {  	s0 =	simm.s32 $0x1;
	[bflag:$0x0] =	sbarrier.arrive $0xFFFF  }
.LBB2_4:
0x92: {  	s2 =	smin.u32 s0, $0x28  }
0x93: {  	s2 =	smul.u32 $0xF0, s2;
	_ =	sdelay $0x1  }
0x94: {  	s2 =	sadd.s32 s7, s2  }
0x95: {  	s2 =	sshrl.u32 s2, $0x3  }
0x96: {  	s2 =	sadd.s32 s5, s2  }
0x97: {  	[tilespmem:s11], [sflag:$0x7] =	stream.linear.gather [hbm4b:s2+s4], $0xF0, $0x38;
	[tilespmem:$0x1CA00] =	vst v63  }
0x98: {  	p1 =	seq.s32 s0, $0x1;
	s2 =	sadd.s32 $0x9C40, s2  }
0x99: {  	[tilespmem:s12], [sflag:$0x8] =	stream.linear.gather [hbm4b:s2+s4], $0xF0, $0x38;
	[tilespmem:$0x1CA00] =	vst v63  }
0x9a: {  	s2 =	simm.s32 @!p1 $0x4  }
0x9b: {  	_ =	swait.ge @!p1 [sflag:s2], $0x2800  }
0x9c: {  	[sflag:s2] =	ssyncset.done @!p1 $0x0  }
0x9d: {  	[sflag:s2] =	ssyncadd.s32 @!p1 $0xFFFFD800  }
0x9e: {  	v1 =	vld [tilespmem:$0x100]  }
0x9f: {  	v2 =	vld [tilespmem:$0x110]  }
0xa0: {  	v3 =	vld [tilespmem:$0x120]  }
0xa1: {  	v4 =	vld [tilespmem:$0x130]  }
0xa2: {  	v5 =	vld [tilespmem:$0x140]  }
0xa3: {  	[tilespmem:$0x400] =	vst v1  }
0xa4: {  	[tilespmem:$0x410] =	vst v2  }
0xa5: {  	[tilespmem:$0x420] =	vst v3  }
0xa6: {  	[tilespmem:$0x430] =	vst v4  }
0xa7: {  	s2 =	simm.s32 @!p1 $0x5;
	[tilespmem:$0x440] =	vst v5  }
0xa8: {  	[tilespmem:s14], [sflag:$0x1] =	stream.indirect.gather [hbm4b:s1+s13], $0x80, s4, s13, $0xb8;
	[tilespmem:$0x1CA00] =	vst v63  }
0xa9: {  	_ =	swait.ge @!p1 [sflag:s2], $0x2800  }
0xaa: {  	[sflag:s2] =	ssyncset.done @!p1 $0x0  }
0xab: {  	[sflag:s2] =	ssyncadd.s32 @!p1 $0xFFFFD800  }
0xac: {  	v1 =	vld [tilespmem:$0x150]  }
0xad: {  	v2 =	vld [tilespmem:$0x160]  }
0xae: {  	v3 =	vld [tilespmem:$0x170]  }
0xaf: {  	v48 =	vld [tilespmem:$0x180]  }
0xb0: {  	v49 =	vld [tilespmem:$0x190]  }
0xb1: {  	[tilespmem:$0x480] =	vst v1  }
0xb2: {  	[tilespmem:$0x490] =	vst v2  }
0xb3: {  	[tilespmem:$0x4A0] =	vst v3  }
0xb4: {  	[tilespmem:$0x4B0] =	vst v48  }
0xb5: {  	s2 =	simm.s32 @!p1 $0x6;
	[tilespmem:$0x4C0] =	vst v49  }
0xb6: {  	[tilespmem:s15], [sflag:$0x2] =	stream.indirect.gather [hbm4b:s1+s13], $0x80, s13, s13, $0xb8;
	[tilespmem:$0x1CA00] =	vst v63  }
0xb7: {  	_ =	swait.ge @!p1 [sflag:s2], $0x2800  }
0xb8: {  	[sflag:s2] =	ssyncset.done @!p1 $0x0  }
0xb9: {  	[sflag:s2] =	ssyncadd.s32 @!p1 $0xFFFFD800  }
0xba: {  	v1 =	vld [tilespmem:$0x1A0]  }
0xbb: {  	v2 =	vld [tilespmem:$0x1B0]  }
0xbc: {  	v3 =	vld [tilespmem:$0x1C0]  }
0xbd: {  	v50 =	vld [tilespmem:$0x1D0]  }
0xbe: {  	v51 =	vld [tilespmem:$0x1E0]  }
0xbf: {  	[tilespmem:$0x500] =	vst v1  }
0xc0: {  	[tilespmem:$0x510] =	vst v2  }
0xc1: {  	[tilespmem:$0x520] =	vst v3  }
0xc2: {  	[tilespmem:$0x530] =	vst v50  }
0xc3: {  	[tilespmem:$0x540] =	vst v51  }
0xc4: {  	[tilespmem:s17], [sflag:$0x3] =	stream.indirect.gather [hbm4b:s1+s13], $0x80, s16, s13, $0xb8;
	[tilespmem:$0x1CA00] =	vst v63  }
0xc5: {  	_ =	swait.ge [sflag:s10], $0x2800  }
0xc6: {  	[sflag:s10] =	ssyncset.done $0x0  }
0xc7: {  	[sflag:s10] =	ssyncadd.s32 $0xFFFFD800  }
0xc8: {  	[spmem:s3] =	stream.indirect.scatter.add.f32 [tilespmem:s14], [sflag:$0x4], $0x80, s18, s13, $0xb8;
	[tilespmem:$0x1CA00] =	vst v63  }
0xc9: {  	_ =	swait.ge [sflag:s19], $0x2800  }
0xca: {  	[sflag:s19] =	ssyncset.done $0x0  }
0xcb: {  	[sflag:s19] =	ssyncadd.s32 $0xFFFFD800  }
0xcc: {  	[spmem:s3] =	stream.indirect.scatter.add.f32 [tilespmem:s15], [sflag:$0x5], $0x80, s20, s13, $0xb8;
	[tilespmem:$0x1CA00] =	vst v63  }
0xcd: {  	_ =	swait.ge [sflag:s21], $0x2800  }
0xce: {  	[sflag:s21] =	ssyncset.done $0x0  }
0xcf: {  	[sflag:s21] =	ssyncadd.s32 $0xFFFFD800  }
0xd0: {  	[spmem:s3] =	stream.indirect.scatter.add.f32 [tilespmem:s17], [sflag:$0x6], $0x80, s22, s13, $0xb8;
	[tilespmem:$0x1CA00] =	vst v63  }
0xd1: {  	_ =	swait.ge [sflag:s24], $0xF0  }
0xd2: {  	[sflag:s24] =	ssyncset.done $0x0  }
0xd3: {  	[sflag:s24] =	ssyncadd.s32 $0xFFFFFF10  }
0xd4: {  	_ =	swait.ge [sflag:s25], $0xF0  }
0xd5: {  	[sflag:s25] =	ssyncset.done $0x0  }
0xd6: {  	[sflag:s25] =	ssyncadd.s32 $0xFFFFFF10  }
0xd7: {  	v1 =	vld [tilespmem:$0x200]  }
0xd8: {  	v2 =	vld [tilespmem:$0x300]  }
0xd9: {  	v3 =	vld [tilespmem:$0x210]  }
0xda: {  	v52 =	vld [tilespmem:$0x310]  }
0xdb: {  	v53 =	vld [tilespmem:$0x220]  }
0xdc: {  	v54 =	vld [tilespmem:$0x240];
	[tilespmem:$0x0] =	vst v1  }
0xdd: {  	v55 =	vld [tilespmem:$0x340];
	[tilespmem:$0x100] =	vst v2  }
0xde: {  	v1 =	vld [tilespmem:$0x320];
	[tilespmem:$0x10] =	vst v3  }
0xdf: {  	v2 =	vld [tilespmem:$0x230];
	[tilespmem:$0x110] =	vst v52  }
0xe0: {  	v3 =	vld [tilespmem:$0x330];
	[tilespmem:$0x20] =	vst v53  }
0xe1: {  	v56 =	vld [tilespmem:$0x360];
	[tilespmem:$0x40] =	vst v54  }
0xe2: {  	v57 =	vld [tilespmem:$0x270];
	[tilespmem:$0x140] =	vst v55  }
0xe3: {  	[tilespmem:$0x120] =	vst v1;
	v1 =	vld [tilespmem:$0x250]  }
0xe4: {  	[tilespmem:$0x30] =	vst v2;
	v2 =	vld [tilespmem:$0x350]  }
0xe5: {  	[tilespmem:$0x130] =	vst v3;
	v3 =	vld [tilespmem:$0x260]  }
0xe6: {  	v58 =	vld [tilespmem:$0x290];
	[tilespmem:$0x160] =	vst v56  }
0xe7: {  	v59 =	vld [tilespmem:$0x390];
	[tilespmem:$0x70] =	vst v57  }
0xe8: {  	[tilespmem:$0x50] =	vst v1;
	v1 =	vld [tilespmem:$0x370]  }
0xe9: {  	[tilespmem:$0x150] =	vst v2;
	v2 =	vld [tilespmem:$0x280]  }
0xea: {  	[tilespmem:$0x60] =	vst v3;
	v3 =	vld [tilespmem:$0x380]  }
0xeb: {  	v60 =	vld [tilespmem:$0x3B0];
	[tilespmem:$0x90] =	vst v58  }
0xec: {  	v61 =	vld [tilespmem:$0x2C0];
	[tilespmem:$0x190] =	vst v59  }
0xed: {  	[tilespmem:$0x170] =	vst v1;
	v1 =	vld [tilespmem:$0x2A0]  }
0xee: {  	[tilespmem:$0x80] =	vst v2;
	v2 =	vld [tilespmem:$0x3A0]  }
0xef: {  	[tilespmem:$0x180] =	vst v3;
	v3 =	vld [tilespmem:$0x2B0]  }
0xf0: {  	v62 =	vld [tilespmem:$0x2E0];
	[tilespmem:$0x1B0] =	vst v60  }
0xf1: {  	v63 =	vld [tilespmem:$0x3E0];
	[tilespmem:$0xC0] =	vst v61  }
0xf2: {  	[tilespmem:$0xA0] =	vst v1;
	v1 =	vld [tilespmem:$0x3C0]  }
0xf3: {  	s0 =	sadd.s32 $0x1, s0;
	[tilespmem:$0x1A0] =	vst v2;
	v2 =	vld [tilespmem:$0x2D0]  }
0xf4: {  	p1 =	sne.s32 s0, $0x2A;
	[tilespmem:$0xB0] =	vst v3;
	v3 =	vld [tilespmem:$0x3D0]  }
.Ltmp1:
0xf5: {  	[tilespmem:$0xE0] =	vst v62;
	(pc) =	sbr.rel @p1 .LBB2_4-.Ltmp1, $4  }
0xf6: {  	[tilespmem:$0x1E0] =	vst v63  }
0xf7: {  	[tilespmem:$0x1C0] =	vst v1  }
0xf8: {  	[tilespmem:$0xD0] =	vst v2  }
0xf9: {  	[tilespmem:$0x1D0] =	vst v3  }
0xfa: {  	_ =	swait.ge [sflag:s26], $0x2800  }
0xfb: {  	[sflag:s26] =	ssyncset.done $0x0  }
0xfc: {  	[sflag:s26] =	ssyncadd.s32 $0xFFFFD800  }
0xfd: {  	_ =	swait.ge [sflag:s28], $0x2800  }
0xfe: {  	[sflag:s28] =	ssyncset.done $0x0  }
0xff: {  	[sflag:s28] =	ssyncadd.s32 $0xFFFFD800  }
0x100: {  	_ =	swait.ge [sflag:s30], $0x2800  }
0x101: {  	[sflag:s30] =	ssyncset.done $0x0  }
0x102: {  	s0 =	rddreg [dreg:$0x18];
	[sflag:s30] =	ssyncadd.s32 $0xFFFFD800  }
0x103: {  	[tilespmem:s4], [sflag:$0x9] =	stream.linear.gather [hbm4b:s0+s4], $0x50, $0x38;
	[tilespmem:$0x1CA00] =	vst v63  }
0x104: {  	_ =	swait.ge [sflag:s9], $0x50  }
0x105: {  	[sflag:s9] =	ssyncset.done $0x0  }
0x106: {  	s23 =	rddreg [dreg:$0x19];
	[sflag:s9] =	ssyncadd.s32 $0xFFFFFFB0  }
0x107: {  	[tilespmem:s18], [sflag:$0x9] =	stream.linear.gather [hbm4b:s23+s4], $0x50, $0x38;
	[tilespmem:$0x1CA00] =	vst v63  }
0x108: {  	_ =	swait.ge [sflag:s9], $0x50  }
0x109: {  	[sflag:s9] =	ssyncset.done $0x0  }
0x10a: {  	[sflag:s9] =	ssyncadd.s32 $0xFFFFFFB0  }
0x10b: {  	[tilespmem:s14], [sflag:$0x1] =	stream.indirect.gather [hbm4b:s1+s13], $0x80, s4, s13, $0xb8;
	[tilespmem:$0x1CA00] =	vst v63  }
0x10c: {  	_ =	swait.ge [sflag:s10], $0x2800  }
0x10d: {  	[sflag:s10] =	ssyncset.done $0x0  }
0x10e: {  	[sflag:s10] =	ssyncadd.s32 $0xFFFFD800  }
0x10f: {  	[spmem:s3] =	stream.indirect.scatter.add.f32 [tilespmem:s14], [sflag:$0x9], $0x80, s18, s13, $0xb8;
	[tilespmem:$0x1CA00] =	vst v63  }
0x110: {  	_ =	swait.ge [sflag:s9], $0x2800  }
0x111: {  	[sflag:s9] =	ssyncset.done $0x0  }
0x112: {  	s2 =	rddreg [dreg:$0x1a];
	[sflag:s9] =	ssyncadd.s32 $0xFFFFD800  }
0x113: {  	[tilespmem:s4], [sflag:$0x9] =	stream.linear.gather [hbm4b:s2+s4], $0x50, $0x38;
	[tilespmem:$0x1CA00] =	vst v63  }
0x114: {  	_ =	swait.ge [sflag:s9], $0x50  }
0x115: {  	[sflag:s9] =	ssyncset.done $0x0  }
0x116: {  	s23 =	rddreg [dreg:$0x1b];
	[sflag:s9] =	ssyncadd.s32 $0xFFFFFFB0  }
0x117: {  	[tilespmem:s18], [sflag:$0x9] =	stream.linear.gather [hbm4b:s23+s4], $0x50, $0x38;
	[tilespmem:$0x1CA00] =	vst v63  }
0x118: {  	_ =	swait.ge [sflag:s9], $0x50  }
0x119: {  	[sflag:s9] =	ssyncset.done $0x0  }
0x11a: {  	[sflag:s9] =	ssyncadd.s32 $0xFFFFFFB0  }
0x11b: {  	[tilespmem:s14], [sflag:$0x1] =	stream.indirect.gather [hbm4b:s1+s13], $0x80, s4, s13, $0xb8;
	[tilespmem:$0x1CA00] =	vst v63  }
0x11c: {  	_ =	swait.ge [sflag:s10], $0x2800  }
0x11d: {  	[sflag:s10] =	ssyncset.done $0x0  }
0x11e: {  	[sflag:s10] =	ssyncadd.s32 $0xFFFFD800  }
0x11f: {  	[spmem:s3] =	stream.indirect.scatter.add.f32 [tilespmem:s14], [sflag:$0x9], $0x80, s18, s13, $0xb8;
	[tilespmem:$0x1CA00] =	vst v63  }
0x120: {  	_ =	swait.ge [sflag:s9], $0x2800  }
0x121: {  	[sflag:s9] =	ssyncset.done $0x0  }
0x122: {  	s2 =	stileid.u32;
	[sflag:s9] =	ssyncadd.s32 $0xFFFFD800  }
0x123: {  	s0 =	sshll.u32 s2, $0x6;
	[bflag:$0x0] =	sbarrier.arrive $0xFFFF  }
0x124: {  	s2 =	sshrl.u32 s6, $0x3;
	s0 =	sor.u32 $0x1C09, s0;
	s23 =	rddreg [dreg:$0x12]  }
0x125: {  	[hbm:s23], [sflag:s0] =	dma.local [spmem:s2], $0x2700  }
0x126: {  	_ =	swait.ge [sflag:s9], $0x2700  }
0x127: {  	[sflag:s9] =	ssyncset.done $0x0  }
0x128: {  	s2 =	sshrl.u32 @!p0 s29, $0x3;
	s23 =	rddreg [dreg:$0x14];
	[sflag:s9] =	ssyncadd.s32 $0xFFFFD900  }
0x129: {  	[hbm:s23], [sflag:s0] =	dma.local @!p0 [spmem:s2], $0x100  }
0x12a: {  	s0 =	simm.s32 @!p0 $0x9  }
0x12b: {  	_ =	swait.ge @!p0 [sflag:s0], $0x100  }
0x12c: {  	s31 =	sadd.s32 $0x1, s31;
	s23 =	rddreg [dreg:$0x15]  }
0x12d: {  	p1 =	sne.s32 s31, s23  }
.Ltmp2:
0x12e: {  	_ = 	snop;
	(pc) =	sbr.rel @p1 .LBB2_1-.Ltmp2, $3  }
0x12f: {  	_ =	sdelay $0x1  }
0x130: {  	[sflag:s0] =	ssyncset.done @!p0 $0x0  }
0x131: {  	[sflag:s0] =	ssyncadd.s32 @!p0 $0xFFFFFF00  }
0x132: {  	_ =	sfence.sel $0x180000  }
0x133: {  	[bflag:$0x0] =	sbarrier.arrive $0xFFFF  }
0x134: {  	_ =	strace $0x90000047  }
0x135: {  	s0 =	stileid.u32;
	[bflag:$0x2] =	sbarrier.arrive $0xFFFF  }
0x136: {  	p0 =	sne.s32 s0, $0x0;
	s0 =	rddreg [dreg:$0x3]  }
0x137: {  	s0 =	sadd.s32 @!p0 $0x100000, s0  }
0x138: {  	[sflag:s0] =	ssyncadd.tile.s32 @!p0 $0x1;
	_ =	shalt  }
.Lfunc_end2:
_tile_overlayer_lowered:
.L_overlay_start_2:
0x139: {  	(tag) =	ssettag $0x2  }
0x13a: {  	s0 =	rddreg [dreg:$0x0];
	s2 =	stileid.u32  }
0x13b: {  	s1 =	rddreg [dreg:$0x1];
	p0 =	sne.s32 s2, $0x0  }
0x13c: {  	s3 =	rddreg [dreg:$0x2];
	[bflag:$0x3] =	sbarrier.arrive $0xFFFF;
	s2 =	simm.s32 @!p0 $0x1C09  }
0x13d: {  	[timem:s3], [sflag:s2] =	dma.local @!p0 [hbm:s0], s1  }
0x13e: {  	s0 =	simm.s32 @!p0 $0x9  }
0x13f: {  	_ =	swait.ge @!p0 [sflag:s0], s1  }
0x140: {  	s1 =	ssub.s32 @!p0 $0x0, s1;
	[sflag:s0] =	ssyncset.done @!p0 $0x0  }
0x141: {  	[sflag:s0] =	ssyncadd.s32 @!p0 s1  }
0x142: {  	[bflag:$0x3] =	sbarrier.arrive $0xFFFF  }
0x143: {  	_ =	shalt  }

// kernel: kernel.9.cloned.1.call-start
scs
__scs_entry_jumppad:
0x0: {  	(pc) =	sbr.rel $0x88, $3  }
0x1: {  	(tag) =	ssettag $0x0;
	lr =	simm.s32 $0x1  }
0x2: {  	[smem:$0x3F96] =	sst lr;
	_ =	strace $0xD0000000  }
0x3: {  	_ = 	snop  }
0x4: {  	_ = 	snop  }
0x5: {  	_ = 	snop  }
0x6: {  	_ = 	snop  }
0x7: {  	_ = 	snop  }
__scs_overlays_trampoline_lowered:
0x8: {  	[smem:$0x3FA5] =	sst s0  }
0x9: {  	[smem:$0x3FA6] =	sst s1  }
0xa: {  	[smem:$0x3FA7] =	sst s2  }
0xb: {  	[smem:$0x3FA8] =	sst s3  }
0xc: {  	[smem:$0x3FA9] =	sst s4  }
0xd: {  	[smem:$0x3FAA] =	sst s5  }
0xe: {  	[smem:$0x3FAB] =	sst s6  }
0xf: {  	[smem:$0x3FAC] =	sst s7  }
0x10: {  	[smem:$0x3FAD] =	sst s8  }
0x11: {  	[smem:$0x3FAE] =	sst s9;
	s0 =	simm.s32 @!p0 $0x0  }
0x12: {  	s1 =	sld [smem:$0x3F94];
	s0 =	simm.s32 @p0 $0x1  }
0x13: {  	[smem:$0x3FAF] =	sst s0;
	s0 =	simm.s32 @!p1 $0x0  }
0x14: {  	s2 =	sld [smem:$0x3F93];
	s0 =	simm.s32 @p1 $0x1  }
0x15: {  	[smem:$0x3FB0] =	sst s0;
	s0 =	simm.s32 @!p2 $0x0  }
0x16: {  	s3 =	sld [smem:$0x3FDB];
	s0 =	simm.s32 @p2 $0x1  }
0x17: {  	s4 =	simm.s32 $0x1BF5;
	[smem:$0x3FB2] =	sst s0  }
0x18: {  	s0 =	sld [smem:$0x3F95];
	_ =	swait.ge [sflag:s4], $0x0  }
0x19: {  	s7 =	sld [smem:$0x3F96]  }
0x1a: {  	s8 =	sadd.s32 $0xFFFFE003, lr  }
0x1b: {  	s9 =	sadd.s32 $0xFFFFFEF7, lr;
	s5 =	simm.s32 $0xFFFFFFFF;
	p2 =	slt.u32 s8, $0xFFFFF086  }
0x1c: {  	p1 =	slt.u32 s9, $0xF7A;
	s5 =	simm.s32 @!p2 $0x0  }
0x1d: {  	s5 =	simm.s32 @p1 $0x1;
	p0 =	seq.s32 s7, s2  }
0x1e: {  	s7 =	smul.u32 @!p0 $0xF7A, s2;
	p2 =	seq.s32 @!p0 s5, $0x0  }
0x1f: {  	s9 =	smul.u32 $0xF7A, s1;
	s8 =	simm.s32 @!p0 $0x1BF5;
	p2 =	por !p2, p0  }
0x20: {  	[sflag:s8] =	ssyncset.s32 @!p0 $0xFFFFF086;
	s6 =	sadd.s32 @!p0 s3, s7;
	s7 =	simm.s32 @!p0 $0x108  }
0x21: {  	s3 =	sadd.s32 s3, s9;
	s6 =	sadd.s32 @!p0 $0x88, s6;
	s7 =	simm.s32 @p2 $0x1082  }
0x22: {  	[simem:s7], [sflag:s8] =	dma.local @!p0 [hbm:s6], $0xF7A  }
0x23: {  	s9 =	sor.u32 $0xD0000000, s2;
	s6 =	simm.s32 $0x108;
	_ =	swait.ge @!p0 [sflag:s8], $0x0  }
0x24: {  	s3 =	sadd.s32 $0x88, s3;
	s6 =	simm.s32 @!p1 $0x1082;
	[sflag:s4] =	ssyncset.s32 $0xFFFFF086  }
0x25: {  	[simem:s6], [sflag:s4] =	dma.local [hbm:s3], $0xF7A  }
0x26: {  	[smem:$0x3F96] =	sst s1;
	(tag) =	ssettag s2;
	_ =	strace s9  }
0x27: {  	s1 =	sld [smem:$0x3FA6]  }
0x28: {  	s2 =	sld [smem:$0x3FA7]  }
0x29: {  	s4 =	sld [smem:$0x3FA9]  }
0x2a: {  	p0 =	seq.s32 s5, $0x0;
	s5 =	sld [smem:$0x3FAA]  }
0x2b: {  	s6 =	sld [smem:$0x3FAB]  }
0x2c: {  	s7 =	sld [smem:$0x3FAC]  }
0x2d: {  	s3 =	simm.s32 $0x108;
	s8 =	sld [smem:$0x3FAD]  }
0x2e: {  	s3 =	simm.s32 @!p0 $0x1082;
	s9 =	sld [smem:$0x3FAE]  }
0x2f: {  	lr =	sadd.s32 s0, s3;
	s0 =	sld [smem:$0x3FA5]  }
0x30: {  	s3 =	sld [smem:$0x3FA8]  }
0x31: {  	[smem:$0x3FB1] =	sst s10  }
0x32: {  	s10 =	sld [smem:$0x3FAF];
	_ =	sdelay $0x3  }
0x33: {  	p0 =	seq.s32 s10, $0x1;
	s10 =	sld [smem:$0x3FB1];
	_ =	sdelay $0x3  }
0x34: {  	[smem:$0x3FB1] =	sst s10  }
0x35: {  	s10 =	sld [smem:$0x3FB0];
	_ =	sdelay $0x3  }
0x36: {  	p1 =	seq.s32 s10, $0x1;
	s10 =	sld [smem:$0x3FB1];
	_ =	sdelay $0x3  }
0x37: {  	[smem:$0x3FB1] =	sst s10  }
0x38: {  	s10 =	sld [smem:$0x3FB2]  }
0x39: {  	_ = 	snop;
	(pc) =	sbr.ind lr, $3  }
0x3a: {  	_ = 	snop  }
0x3b: {  	_ = 	snop  }
0x3c: {  	p2 =	seq.s32 s10, $0x1;
	s10 =	sld [smem:$0x3FB1]  }
0x3d: {  	_ =	shalt  }
0x3e: {  	_ =	shalt  }
0x3f: {  	_ =	shalt  }
0x40: {  	_ =	shalt  }
0x41: {  	_ =	shalt  }
0x42: {  	_ =	shalt  }
0x43: {  	_ =	shalt  }
0x44: {  	_ =	shalt  }
0x45: {  	_ =	shalt  }
0x46: {  	_ =	shalt  }
0x47: {  	_ =	shalt  }
0x48: {  	_ =	shalt  }
0x49: {  	_ =	shalt  }
0x4a: {  	_ =	shalt  }
0x4b: {  	_ =	shalt  }
0x4c: {  	_ =	shalt  }
0x4d: {  	_ =	shalt  }
0x4e: {  	_ =	shalt  }
0x4f: {  	_ =	shalt  }
0x50: {  	_ =	shalt  }
0x51: {  	_ =	shalt  }
0x52: {  	_ =	shalt  }
0x53: {  	_ =	shalt  }
0x54: {  	_ =	shalt  }
0x55: {  	_ =	shalt  }
0x56: {  	_ =	shalt  }
0x57: {  	_ =	shalt  }
0x58: {  	_ =	shalt  }
0x59: {  	_ =	shalt  }
0x5a: {  	_ =	shalt  }
0x5b: {  	_ =	shalt  }
0x5c: {  	_ =	shalt  }
0x5d: {  	_ =	shalt  }
0x5e: {  	_ =	shalt  }
0x5f: {  	_ =	shalt  }
0x60: {  	_ =	shalt  }
0x61: {  	_ =	shalt  }
0x62: {  	_ =	shalt  }
0x63: {  	_ =	shalt  }
0x64: {  	_ =	shalt  }
0x65: {  	_ =	shalt  }
0x66: {  	_ =	shalt  }
0x67: {  	_ =	shalt  }
0x68: {  	_ =	shalt  }
0x69: {  	_ =	shalt  }
0x6a: {  	_ =	shalt  }
0x6b: {  	_ =	shalt  }
0x6c: {  	_ =	shalt  }
0x6d: {  	_ =	shalt  }
0x6e: {  	_ =	shalt  }
0x6f: {  	_ =	shalt  }
0x70: {  	_ =	shalt  }
0x71: {  	_ =	shalt  }
0x72: {  	_ =	shalt  }
0x73: {  	_ =	shalt  }
0x74: {  	_ =	shalt  }
0x75: {  	_ =	shalt  }
0x76: {  	_ =	shalt  }
0x77: {  	_ =	shalt  }
0x78: {  	_ =	shalt  }
0x79: {  	_ =	shalt  }
0x7a: {  	_ =	shalt  }
0x7b: {  	_ =	shalt  }
0x7c: {  	_ =	shalt  }
0x7d: {  	_ =	shalt  }
0x7e: {  	_ =	shalt  }
0x7f: {  	_ =	shalt  }
0x80: {  	_ =	shalt  }
0x81: {  	_ =	shalt  }
0x82: {  	_ =	shalt  }
0x83: {  	_ =	shalt  }
0x84: {  	_ =	shalt  }
0x85: {  	_ =	shalt  }
0x86: {  	_ =	shalt  }
0x87: {  	_ =	shalt  }
.Lfunc_end0:
.L_simem_size_0:
called_computation.1_lowered:
.L_overlay_start_0:
0x88: {  	s2 =	sld [smem:$0x3FD9]  }
0x89: {  	s3 =	sld [smem:$0x3FFE];
	_ =	sdelay $0x1  }
0x8a: {  	s1 =	srdreg.scid  }
0x8b: {  	s0 =	sand.u32 $0x1, s1  }
0x8c: {  	s16 =	sshll.u32 s0, $0xA;
	s2 =	sadd.s32 s3, s2  }
0x8d: {  	s2 =	sadd.s32 s2, s16  }
0x8e: {  	[smem:$0x3FBD] =	sst s2  }
0x8f: {  	_ = 	snop  }
0x90: {  	(tm) =	ssettm $0x1  }
0x91: {  	s17 =	sld [smem:$0x3FFB];
	_ =	sdelay $0x3  }
0x92: {  	_ =	strace s17  }
0x93: {  	s2 =	sld [smem:$0x3FFC];
	_ =	sdelay $0x3  }
0x94: {  	_ =	strace s2  }
0x95: {  	s2 =	sld [smem:$0x3FFD];
	_ =	sdelay $0x3  }
0x96: {  	_ =	strace s2  }
0x97: {  	_ =	strace $0x8FFFFFFF  }
0x98: {  	s18 =	sld [smem:$0x3FDB];
	_ =	sdelay $0x1  }
0x99: {  	s19 =	simm.s32 $_scs_section_size  }
0x9a: {  	s4 =	simm.s32 $_size__tile_overlayer_lowered;
	s5 =	simm.s32 $_tile_overlayer_lowered  }
0x9b: {  	s22 =	simm.s32 $0x1BFF;
	s21 =	sshll.u32 s5, $0x1;
	s2 =	sadd.s32 s19, s18  }
0x9c: {  	s6 =	simm.s32 $0x0;
	s20 =	sshll.u32 s4, $0x1;
	s4 =	sadd.s32 s21, s2  }
0x9d: {  	[timem:s6], [sflag:s22] =	dma.local [hbm:s4], s20  }
0x9e: {  	_ =	swait.ge [sflag:s22], s20  }
0x9f: {  	s3 =	ssub.s32 $0x0, s20;
	[sflag:s22] =	ssyncset.done $0x0  }
0xa0: {  	[sflag:s22] =	ssyncadd.s32 s3;
	_ =	sdelay $0x1  }
0xa1: {  	s23 =	simm.s32 $0x1B8B  }
0xa2: {  	_ =	swait.ge [sflag:s23], $0x1  }
0xa3: {  	[sflag:s23] =	ssyncset.done $0x0  }
0xa4: {  	s25 =	simm.s32 $0x1B8E;
	s24 =	sld [smem:$0x3FFE];
	[sflag:s23] =	ssyncadd.s32 $0xFFFFFFFF  }
0xa5: {  	s26 =	simm.s32 $execute0_lowered;
	[smem:$0x3FD2] =	sst s25  }
0xa6: {  	s4 =	sshll.u32 s26, $0x1;
	_ =	strace $0x80000049;
	[dreg:$0x1] =	wrdreg $0xFFFFFFFF  }
0xa7: {  	s28 =	simm.s32 $_size_execute0_lowered;
	s2 =	sadd.s32 s2, s4;
	[dreg:$0x0] =	wrdreg $0x0  }
0xa8: {  	s4 =	sshll.u32 s28, $0x1;
	[dreg:$0x2] =	wrdreg s2  }
0xa9: {  	[dreg:$0x3] =	wrdreg s4  }
0xaa: {  	[dreg:$0x4] =	wrdreg $0xC0  }
0xab: {  	_ =	task [dreg:s6], $0x5FFFF  }
0xac: {  	[dreg:$0x1] =	wrdreg $0xFFFFFFFF  }
0xad: {  	[dreg:$0x0] =	wrdreg $0x60  }
0xae: {  	[dreg:$0x2] =	wrdreg s24  }
0xaf: {  	[dreg:$0x3] =	wrdreg $0x91800  }
0xb0: {  	[dreg:$0x4] =	wrdreg $0x9  }
0xb1: {  	_ =	task.clear_ibuf [dreg:s6], $0x5FFFF;
	_ =	strace $0x90000049  }
0xb2: {  	s29 =	simm.s32 $0x9;
	_ =	strace $0x8000004B  }
0xb3: {  	_ =	swait.ge [sflag:s29], $0x1  }
0xb4: {  	[sflag:s29] =	ssyncadd.s32 $0xFFFFFFFF  }
0xb5: {  	_ =	strace $0x9000004B  }
0xb6: {  	_ =	sfence  }
0xb7: {  	s30 =	sld [smem:$0x0];
	_ =	sdelay $0x2  }
0xb8: {  	s31 =	sshll.u32 s1, $0xD;
	s1 =	sshrl.u32 s1, $0x2  }
0xb9: {  	s3 =	sand.u32 $0x4000, s31;
	s1 =	sadd.s32 s1, s30  }
0xba: {  	s0 =	sor.u32 s3, s0;
	s1 =	sshll.u32 s1, $0x11  }
0xbb: {  	s0 =	sor.u32 s1, s0  }
0xbc: {  	s0 =	sadd.s32 $0x8F2B, s0  }
0xbd: {  	[sflag:s0] =	ssyncadd.remote.s32 $0x1  }
0xbe: {  	_ =	sfence.sel $0xFFFF  }
0xbf: {  	[dreg:$0x0] =	wrdreg $0xFFFFFFFF;
	(pc) =	sbr.abs _section_cstart, $3  }
0xc0: {  	[dreg:$0x1] =	wrdreg $0xFFFFFFFF  }
0xc1: {  	_ =	task.clear_ibuf [dreg:s6], $0x2FFFF;
	_ =	strace $0x9FFFFFFF  }
0xc2: {  	(tm) =	ssettm $0x7FFFFFFF  }
0xc3: {  	_ =	shalt  }
tec
execute0_lowered:
.L_overlay_start_1:
0x0: {  	(tag) =	ssettag $0x1  }
0x1: {  	s0 =	rddreg [dreg:$0x0]  }
0x2: {  	s1 =	rddreg [dreg:$0x1]  }
0x3: {  	s3 =	simm.s32 $0x0;
	s10 =	stileid.u32;
	s2 =	srdreg.scid  }
0x4: {  	s28 =	simm.s32 $0x5;
	s30 =	simm.s32 $0x6;
	s31 =	simm.s32 $0x0  }
0x5: {  	[smem:$0x7FF] =	sst s3;
	s4 =	sadd.s32 $0x16400, s0;
	s6 =	smul.u32 $0x4E000, s10  }
0x6: {  	s5 =	sadd.s32 $0x2A00, s0;
	s0 =	sadd.s32 $0x3D600, s0;
	s2 =	sand.u32 $0x1, s2  }
0x7: {  	s8 =	sshll.u32 s10, $0x1;
	s13 =	smul.u32 $0x13800, s10;
	s6 =	sshrl.u32 s6, $0x2  }
0x8: {  	p0 =	sne.s32 s10, $0xF;
	s29 =	sadd.s32 $0x138000, s1;
	s6 =	sadd.s32 s6, s1  }
0x9: {  	s10 =	simm.s32 $0x1;
	_ =	strace $0x8000004A;
	s21 =	sadd.s32 $0x1380, s6  }
0xa: {  	s7 =	ssub.s32 $0x2, s2;
	s22 =	sadd.s32 $0x2700, s6;
	[dreg:$0x3] =	wrdreg s21  }
0xb: {  	s8 =	sor.u32 s2, s8;
	s23 =	sadd.s32 $0x3A80, s6;
	[dreg:$0x4] =	wrdreg s22  }
0xc: {  	s2 =	smul.u32 $0x138800, s2;
	s24 =	sadd.s32 $0x4E00, s6;
	[dreg:$0x5] =	wrdreg s23  }
0xd: {  	s9 =	sshrl.u32 s7, $0x1;
	s25 =	sadd.s32 $0x6180, s6;
	[dreg:$0x6] =	wrdreg s24  }
0xe: {  	s9 =	ssub.s32 s7, s9;
	s26 =	sadd.s32 $0x7500, s6;
	[dreg:$0x7] =	wrdreg s25  }
0xf: {  	s7 =	smul.u32 $0x2710, s8;
	s11 =	sadd.s32 $0x8880, s6;
	[dreg:$0x8] =	wrdreg s26  }
0x10: {  	s8 =	sadd.s32 s13, s2;
	s12 =	sadd.s32 $0x9C00, s6;
	[dreg:$0x9] =	wrdreg s11  }
0x11: {  	s2 =	sshrl.u32 s2, $0x3;
	s14 =	sadd.s32 $0xC300, s6;
	[dreg:$0xa] =	wrdreg s12  }
0x12: {  	s13 =	simm.s32 $0x50;
	s15 =	sadd.s32 $0xD680, s6;
	[dreg:$0xc] =	wrdreg s14  }
0x13: {  	s16 =	sadd.s32 $0xEA00, s6;
	s17 =	sadd.s32 $0xFD80, s6;
	[dreg:$0xd] =	wrdreg s15  }
0x14: {  	s18 =	sadd.s32 $0x11100, s6;
	s8 =	sshrl.u32 s8, $0x3;
	[dreg:$0xe] =	wrdreg s16  }
0x15: {  	s20 =	smax.u32 s9, $0x1;
	s9 =	simm.s32 $0x9;
	[dreg:$0xf] =	wrdreg s17  }
0x16: {  	s11 =	sadd.s32 $0xAF80, s6;
	[dreg:$0x10] =	wrdreg s18;
	s8 =	sadd.s32 s0, s8  }
0x17: {  	s0 =	sadd.s32 s0, s2;
	s19 =	sshrl.u32 s7, $0x3;
	[dreg:$0x14] =	wrdreg s20  }
0x18: {  	s21 =	sadd.s32 $0x12480, s6;
	s12 =	simm.s32 $0x300;
	[dreg:$0xb] =	wrdreg s11  }
0x19: {  	s14 =	simm.s32 $0x580;
	s15 =	simm.s32 $0x2D80;
	[dreg:$0x11] =	wrdreg s8  }
0x1a: {  	s16 =	simm.s32 $0xA0;
	s0 =	sadd.s32 $0x27000, s0;
	[dreg:$0x15] =	wrdreg s21  }
0x1b: {  	s17 =	simm.s32 $0x5580;
	s2 =	sadd.s32 s5, s19;
	[dreg:$0x13] =	wrdreg s0  }
0x1c: {  	s18 =	simm.s32 $0x400;
	s22 =	sadd.s32 $0x9C40, s2;
	[dreg:$0x12] =	wrdreg s2  }
0x1d: {  	s20 =	simm.s32 $0x480;
	s23 =	sadd.s32 $0x4CE, s2;
	[dreg:$0x16] =	wrdreg s22  }
0x1e: {  	s8 =	simm.s32 $0x7D80;
	s24 =	sadd.s32 $0xA10E, s2;
	[dreg:$0x17] =	wrdreg s23  }
0x1f: {  	s11 =	simm.s32 $0x200;
	s25 =	sadd.s32 $0x4D8, s2;
	[dreg:$0x18] =	wrdreg s24  }
0x20: {  	s19 =	simm.s32 $0x2;
	s26 =	sadd.s32 $0xA118, s2;
	[dreg:$0x19] =	wrdreg s25  }
0x21: {  	s21 =	simm.s32 $0x3;
	[dreg:$0x1a] =	wrdreg s26;
	s22 =	simm.s32 $0x500  }
0x22: {  	v0 =	vimm.f32 $0.0e+00;
	s24 =	simm.s32 $0x7;
	s25 =	simm.s32 $0x8;
	s26 =	simm.s32 $0x4  }
.LBB2_1:
0x23: {  	s0 =	simm.s32 $0x0;
	s2 =	simm.s32 $0x200  }
.LBB2_2:
0x24: {  	p1 =	sne.s32 s2, $0x4C00;
	[tilespmem:s0+$0x7DF0] =	vst v0  }
0x25: {  	[tilespmem:s0+$0x7D80] =	vst v0  }
0x26: {  	[tilespmem:s0+$0x7D90] =	vst v0  }
.Ltmp0:
0x27: {  	[tilespmem:s0+$0x7DA0] =	vst v0;
	(pc) =	sbr.rel @p1 .LBB2_2-.Ltmp0, $4  }
0x28: {  	[tilespmem:s0+$0x7DB0] =	vst v0  }
0x29: {  	[tilespmem:s0+$0x7DC0] =	vst v0  }
0x2a: {  	[tilespmem:s0+$0x7DD0] =	vst v0  }
0x2b: {  	[tilespmem:s0+$0x7DE0] =	vst v0;
	s0 =	sshra.s32 s2, $0x2;
	s2 =	sadd.s32 $0x200, s2  }
0x2c: {  	[tilespmem:s0+$0x7DF0] =	vst v0  }
0x2d: {  	[tilespmem:s0+$0x7D80] =	vst v0  }
0x2e: {  	[tilespmem:s0+$0x7D90] =	vst v0  }
0x2f: {  	[tilespmem:s0+$0x7DA0] =	vst v0  }
0x30: {  	[tilespmem:s0+$0x7DB0] =	vst v0  }
0x31: {  	[tilespmem:s0+$0x7DC0] =	vst v0  }
0x32: {  	[tilespmem:s0+$0x7DD0] =	vst v0  }
0x33: {  	[tilespmem:s0+$0x7DE0] =	vst v0  }
0x34: {  	[spmem:s6] =	stream.linear.scatter [tilespmem:s8], [sflag:$0x1], $0x1380, $0x38;
	[tilespmem:$0x1CA00] =	vst v63  }
0x35: {  	s23 =	rddreg [dreg:$0x3]  }
0x36: {  	[spmem:s23] =	stream.linear.scatter [tilespmem:s8], [sflag:$0x1], $0x1380, $0x38;
	[tilespmem:$0x1CA00] =	vst v63  }
0x37: {  	s2 =	rddreg [dreg:$0x4]  }
0x38: {  	[spmem:s2] =	stream.linear.scatter [tilespmem:s8], [sflag:$0x1], $0x1380, $0x38;
	[tilespmem:$0x1CA00] =	vst v63  }
0x39: {  	s23 =	rddreg [dreg:$0x5]  }
0x3a: {  	[spmem:s23] =	stream.linear.scatter [tilespmem:s8], [sflag:$0x1], $0x1380, $0x38;
	[tilespmem:$0x1CA00] =	vst v63  }
0x3b: {  	s2 =	rddreg [dreg:$0x6]  }
0x3c: {  	[spmem:s2] =	stream.linear.scatter [tilespmem:s8], [sflag:$0x1], $0x1380, $0x38;
	[tilespmem:$0x1CA00] =	vst v63  }
0x3d: {  	s23 =	rddreg [dreg:$0x7]  }
0x3e: {  	[spmem:s23] =	stream.linear.scatter [tilespmem:s8], [sflag:$0x1], $0x1380, $0x38;
	[tilespmem:$0x1CA00] =	vst v63  }
0x3f: {  	s2 =	rddreg [dreg:$0x8]  }
0x40: {  	[spmem:s2] =	stream.linear.scatter [tilespmem:s8], [sflag:$0x1], $0x1380, $0x38;
	[tilespmem:$0x1CA00] =	vst v63  }
0x41: {  	s23 =	rddreg [dreg:$0x9]  }
0x42: {  	[spmem:s23] =	stream.linear.scatter [tilespmem:s8], [sflag:$0x1], $0x1380, $0x38;
	[tilespmem:$0x1CA00] =	vst v63  }
0x43: {  	s2 =	rddreg [dreg:$0xa]  }
0x44: {  	[spmem:s2] =	stream.linear.scatter [tilespmem:s8], [sflag:$0x1], $0x1380, $0x38;
	[tilespmem:$0x1CA00] =	vst v63  }
0x45: {  	s23 =	rddreg [dreg:$0xb]  }
0x46: {  	[spmem:s23] =	stream.linear.scatter [tilespmem:s8], [sflag:$0x1], $0x1380, $0x38;
	[tilespmem:$0x1CA00] =	vst v63  }
0x47: {  	s2 =	rddreg [dreg:$0xc]  }
0x48: {  	[spmem:s2] =	stream.linear.scatter [tilespmem:s8], [sflag:$0x1], $0x1380, $0x38;
	[tilespmem:$0x1CA00] =	vst v63  }
0x49: {  	s23 =	rddreg [dreg:$0xd]  }
0x4a: {  	[spmem:s23] =	stream.linear.scatter [tilespmem:s8], [sflag:$0x1], $0x1380, $0x38;
	[tilespmem:$0x1CA00] =	vst v63  }
0x4b: {  	s2 =	rddreg [dreg:$0xe]  }
0x4c: {  	[spmem:s2] =	stream.linear.scatter [tilespmem:s8], [sflag:$0x1], $0x1380, $0x38;
	[tilespmem:$0x1CA00] =	vst v63  }
0x4d: {  	s23 =	rddreg [dreg:$0xf]  }
0x4e: {  	[spmem:s23] =	stream.linear.scatter [tilespmem:s8], [sflag:$0x1], $0x1380, $0x38;
	[tilespmem:$0x1CA00] =	vst v63  }
0x4f: {  	s2 =	rddreg [dreg:$0x10]  }
0x50: {  	[spmem:s2] =	stream.linear.scatter [tilespmem:s8], [sflag:$0x1], $0x1380, $0x38;
	[tilespmem:$0x1CA00] =	vst v63  }
0x51: {  	s23 =	rddreg [dreg:$0x15]  }
0x52: {  	[spmem:s23] =	stream.linear.scatter [tilespmem:s8], [sflag:$0x1], $0x1380, $0x38;
	[tilespmem:$0x1CA00] =	vst v63  }
0x53: {  	s2 =	rddreg [dreg:$0x12]  }
0x54: {  	[tilespmem:s3], [sflag:$0x9] =	stream.linear.gather [hbm4b:s2+s3], $0xF0, $0x38;
	[tilespmem:$0x1CA00] =	vst v63  }
0x55: {  	_ =	swait.ge [sflag:s9], $0xF0  }
0x56: {  	[sflag:s9] =	ssyncset.done $0x0  }
0x57: {  	s2 =	simm.s32 $0x100;
	s23 =	rddreg [dreg:$0x16];
	[sflag:s9] =	ssyncadd.s32 $0xFFFFFF10  }
0x58: {  	[tilespmem:s2], [sflag:$0x9] =	stream.linear.gather [hbm4b:s23+s3], $0xF0, $0x38;
	[tilespmem:$0x1CA00] =	vst v63  }
0x59: {  	_ =	swait.ge [sflag:s9], $0xF0  }
0x5a: {  	[sflag:s9] =	ssyncset.done $0x0  }
0x5b: {  	[sflag:s9] =	ssyncadd.s32 $0xFFFFFF10  }
0x5c: {  	_ =	swait.ge [sflag:s10], $0x1380  }
0x5d: {  	[sflag:s10] =	ssyncset.done $0x0  }
0x5e: {  	[sflag:s10] =	ssyncadd.s32 $0xFFFFEC80  }
0x5f: {  	_ =	swait.ge [sflag:s10], $0x1380  }
0x60: {  	[sflag:s10] =	ssyncset.done $0x0  }
0x61: {  	[sflag:s10] =	ssyncadd.s32 $0xFFFFEC80  }
0x62: {  	_ =	swait.ge [sflag:s10], $0x1380  }
0x63: {  	[sflag:s10] =	ssyncset.done $0x0  }
0x64: {  	[sflag:s10] =	ssyncadd.s32 $0xFFFFEC80  }
0x65: {  	_ =	swait.ge [sflag:s10], $0x1380  }
0x66: {  	[sflag:s10] =	ssyncset.done $0x0  }
0x67: {  	[sflag:s10] =	ssyncadd.s32 $0xFFFFEC80  }
0x68: {  	_ =	swait.ge [sflag:s10], $0x1380  }
0x69: {  	[sflag:s10] =	ssyncset.done $0x0  }
0x6a: {  	[sflag:s10] =	ssyncadd.s32 $0xFFFFEC80  }
0x6b: {  	_ =	swait.ge [sflag:s10], $0x1380  }
0x6c: {  	[sflag:s10] =	ssyncset.done $0x0  }
0x6d: {  	[sflag:s10] =	ssyncadd.s32 $0xFFFFEC80  }
0x6e: {  	_ =	swait.ge [sflag:s10], $0x1380  }
0x6f: {  	[sflag:s10] =	ssyncset.done $0x0  }
0x70: {  	[sflag:s10] =	ssyncadd.s32 $0xFFFFEC80  }
0x71: {  	_ =	swait.ge [sflag:s10], $0x1380  }
0x72: {  	[sflag:s10] =	ssyncset.done $0x0  }
0x73: {  	[sflag:s10] =	ssyncadd.s32 $0xFFFFEC80  }
0x74: {  	_ =	swait.ge [sflag:s10], $0x1380  }
0x75: {  	[sflag:s10] =	ssyncset.done $0x0  }
0x76: {  	[sflag:s10] =	ssyncadd.s32 $0xFFFFEC80  }
0x77: {  	_ =	swait.ge [sflag:s10], $0x1380  }
0x78: {  	[sflag:s10] =	ssyncset.done $0x0  }
0x79: {  	[sflag:s10] =	ssyncadd.s32 $0xFFFFEC80  }
0x7a: {  	_ =	swait.ge [sflag:s10], $0x1380  }
0x7b: {  	[sflag:s10] =	ssyncset.done $0x0  }
0x7c: {  	[sflag:s10] =	ssyncadd.s32 $0xFFFFEC80  }
0x7d: {  	_ =	swait.ge [sflag:s10], $0x1380  }
0x7e: {  	[sflag:s10] =	ssyncset.done $0x0  }
0x7f: {  	[sflag:s10] =	ssyncadd.s32 $0xFFFFEC80  }
0x80: {  	_ =	swait.ge [sflag:s10], $0x1380  }
0x81: {  	[sflag:s10] =	ssyncset.done $0x0  }
0x82: {  	[sflag:s10] =	ssyncadd.s32 $0xFFFFEC80  }
0x83: {  	_ =	swait.ge [sflag:s10], $0x1380  }
0x84: {  	[sflag:s10] =	ssyncset.done $0x0  }
0x85: {  	[sflag:s10] =	ssyncadd.s32 $0xFFFFEC80  }
0x86: {  	_ =	swait.ge [sflag:s10], $0x1380  }
0x87: {  	[sflag:s10] =	ssyncset.done $0x0  }
0x88: {  	[sflag:s10] =	ssyncadd.s32 $0xFFFFEC80  }
0x89: {  	_ =	swait.ge [sflag:s10], $0x1380  }
0x8a: {  	[sflag:s10] =	ssyncset.done $0x0  }
0x8b: {  	s0 =	simm.s32 @!p0 $0x7D80;
	[sflag:s10] =	ssyncadd.s32 $0xFFFFEC80  }
0x8c: {  	[spmem:s29] =	stream.linear.scatter @!p0 [tilespmem:s0], [sflag:$0x9], $0x800, $0x38;
	[tilespmem:$0x1CA00] =	vst v63  }
0x8d: {  	s0 =	simm.s32 @!p0 $0x9  }
0x8e: {  	_ =	swait.ge @!p0 [sflag:s0], $0x800  }
0x8f: {  	[sflag:s0] =	ssyncset.done @!p0 $0x0  }
0x90: {  	[sflag:s0] =	ssyncadd.s32 @!p0 $0xFFFFF800  }
0x91: {  	s0 =	simm.s32 $0x1;
	[bflag:$0x0] =	sbarrier.arrive $0xFFFF  }
.LBB2_4:
0x92: {  	s2 =	smin.u32 s0, $0x28  }
0x93: {  	s2 =	smul.u32 $0xF0, s2;
	_ =	sdelay $0x1  }
0x94: {  	s2 =	sadd.s32 s7, s2  }
0x95: {  	s2 =	sshrl.u32 s2, $0x3  }
0x96: {  	s2 =	sadd.s32 s5, s2  }
0x97: {  	[tilespmem:s11], [sflag:$0x7] =	stream.linear.gather [hbm4b:s2+s3], $0xF0, $0x38;
	[tilespmem:$0x1CA00] =	vst v63  }
0x98: {  	p1 =	seq.s32 s0, $0x1;
	s2 =	sadd.s32 $0x9C40, s2  }
0x99: {  	[tilespmem:s12], [sflag:$0x8] =	stream.linear.gather [hbm4b:s2+s3], $0xF0, $0x38;
	[tilespmem:$0x1CA00] =	vst v63  }
0x9a: {  	s2 =	simm.s32 @!p1 $0x4  }
0x9b: {  	_ =	swait.ge @!p1 [sflag:s2], $0x2800  }
0x9c: {  	[sflag:s2] =	ssyncset.done @!p1 $0x0  }
0x9d: {  	[sflag:s2] =	ssyncadd.s32 @!p1 $0xFFFFD800  }
0x9e: {  	v1 =	vld [tilespmem:$0x100]  }
0x9f: {  	v2 =	vld [tilespmem:$0x110]  }
0xa0: {  	v3 =	vld [tilespmem:$0x120]  }
0xa1: {  	v4 =	vld [tilespmem:$0x130]  }
0xa2: {  	v5 =	vld [tilespmem:$0x140]  }
0xa3: {  	[tilespmem:$0x400] =	vst v1  }
0xa4: {  	[tilespmem:$0x410] =	vst v2  }
0xa5: {  	[tilespmem:$0x420] =	vst v3  }
0xa6: {  	[tilespmem:$0x430] =	vst v4  }
0xa7: {  	s2 =	simm.s32 @!p1 $0x5;
	[tilespmem:$0x440] =	vst v5  }
0xa8: {  	[tilespmem:s14], [sflag:$0x1] =	stream.indirect.gather [hbm4b:s4+s13], $0x80, s3, s13, $0xb8;
	[tilespmem:$0x1CA00] =	vst v63  }
0xa9: {  	_ =	swait.ge @!p1 [sflag:s2], $0x2800  }
0xaa: {  	[sflag:s2] =	ssyncset.done @!p1 $0x0  }
0xab: {  	[sflag:s2] =	ssyncadd.s32 @!p1 $0xFFFFD800  }
0xac: {  	v1 =	vld [tilespmem:$0x150]  }
0xad: {  	v2 =	vld [tilespmem:$0x160]  }
0xae: {  	v3 =	vld [tilespmem:$0x170]  }
0xaf: {  	v48 =	vld [tilespmem:$0x180]  }
0xb0: {  	v49 =	vld [tilespmem:$0x190]  }
0xb1: {  	[tilespmem:$0x480] =	vst v1  }
0xb2: {  	[tilespmem:$0x490] =	vst v2  }
0xb3: {  	[tilespmem:$0x4A0] =	vst v3  }
0xb4: {  	[tilespmem:$0x4B0] =	vst v48  }
0xb5: {  	s2 =	simm.s32 @!p1 $0x6;
	[tilespmem:$0x4C0] =	vst v49  }
0xb6: {  	[tilespmem:s15], [sflag:$0x2] =	stream.indirect.gather [hbm4b:s4+s13], $0x80, s13, s13, $0xb8;
	[tilespmem:$0x1CA00] =	vst v63  }
0xb7: {  	_ =	swait.ge @!p1 [sflag:s2], $0x2800  }
0xb8: {  	[sflag:s2] =	ssyncset.done @!p1 $0x0  }
0xb9: {  	[sflag:s2] =	ssyncadd.s32 @!p1 $0xFFFFD800  }
0xba: {  	v1 =	vld [tilespmem:$0x1A0]  }
0xbb: {  	v2 =	vld [tilespmem:$0x1B0]  }
0xbc: {  	v3 =	vld [tilespmem:$0x1C0]  }
0xbd: {  	v50 =	vld [tilespmem:$0x1D0]  }
0xbe: {  	v51 =	vld [tilespmem:$0x1E0]  }
0xbf: {  	[tilespmem:$0x500] =	vst v1  }
0xc0: {  	[tilespmem:$0x510] =	vst v2  }
0xc1: {  	[tilespmem:$0x520] =	vst v3  }
0xc2: {  	[tilespmem:$0x530] =	vst v50  }
0xc3: {  	[tilespmem:$0x540] =	vst v51  }
0xc4: {  	[tilespmem:s17], [sflag:$0x3] =	stream.indirect.gather [hbm4b:s4+s13], $0x80, s16, s13, $0xb8;
	[tilespmem:$0x1CA00] =	vst v63  }
0xc5: {  	_ =	swait.ge [sflag:s10], $0x2800  }
0xc6: {  	[sflag:s10] =	ssyncset.done $0x0  }
0xc7: {  	[sflag:s10] =	ssyncadd.s32 $0xFFFFD800  }
0xc8: {  	[spmem:s1] =	stream.indirect.scatter.add.f32 [tilespmem:s14], [sflag:$0x4], $0x80, s18, s13, $0xb8;
	[tilespmem:$0x1CA00] =	vst v63  }
0xc9: {  	_ =	swait.ge [sflag:s19], $0x2800  }
0xca: {  	[sflag:s19] =	ssyncset.done $0x0  }
0xcb: {  	[sflag:s19] =	ssyncadd.s32 $0xFFFFD800  }
0xcc: {  	[spmem:s1] =	stream.indirect.scatter.add.f32 [tilespmem:s15], [sflag:$0x5], $0x80, s20, s13, $0xb8;
	[tilespmem:$0x1CA00] =	vst v63  }
0xcd: {  	_ =	swait.ge [sflag:s21], $0x2800  }
0xce: {  	[sflag:s21] =	ssyncset.done $0x0  }
0xcf: {  	[sflag:s21] =	ssyncadd.s32 $0xFFFFD800  }
0xd0: {  	[spmem:s1] =	stream.indirect.scatter.add.f32 [tilespmem:s17], [sflag:$0x6], $0x80, s22, s13, $0xb8;
	[tilespmem:$0x1CA00] =	vst v63  }
0xd1: {  	_ =	swait.ge [sflag:s24], $0xF0  }
0xd2: {  	[sflag:s24] =	ssyncset.done $0x0  }
0xd3: {  	[sflag:s24] =	ssyncadd.s32 $0xFFFFFF10  }
0xd4: {  	_ =	swait.ge [sflag:s25], $0xF0  }
0xd5: {  	[sflag:s25] =	ssyncset.done $0x0  }
0xd6: {  	[sflag:s25] =	ssyncadd.s32 $0xFFFFFF10  }
0xd7: {  	v1 =	vld [tilespmem:$0x200]  }
0xd8: {  	v2 =	vld [tilespmem:$0x300]  }
0xd9: {  	v3 =	vld [tilespmem:$0x210]  }
0xda: {  	v52 =	vld [tilespmem:$0x310]  }
0xdb: {  	v53 =	vld [tilespmem:$0x220]  }
0xdc: {  	v54 =	vld [tilespmem:$0x240];
	[tilespmem:$0x0] =	vst v1  }
0xdd: {  	v55 =	vld [tilespmem:$0x340];
	[tilespmem:$0x100] =	vst v2  }
0xde: {  	v1 =	vld [tilespmem:$0x320];
	[tilespmem:$0x10] =	vst v3  }
0xdf: {  	v2 =	vld [tilespmem:$0x230];
	[tilespmem:$0x110] =	vst v52  }
0xe0: {  	v3 =	vld [tilespmem:$0x330];
	[tilespmem:$0x20] =	vst v53  }
0xe1: {  	v56 =	vld [tilespmem:$0x360];
	[tilespmem:$0x40] =	vst v54  }
0xe2: {  	v57 =	vld [tilespmem:$0x270];
	[tilespmem:$0x140] =	vst v55  }
0xe3: {  	[tilespmem:$0x120] =	vst v1;
	v1 =	vld [tilespmem:$0x250]  }
0xe4: {  	[tilespmem:$0x30] =	vst v2;
	v2 =	vld [tilespmem:$0x350]  }
0xe5: {  	[tilespmem:$0x130] =	vst v3;
	v3 =	vld [tilespmem:$0x260]  }
0xe6: {  	v58 =	vld [tilespmem:$0x290];
	[tilespmem:$0x160] =	vst v56  }
0xe7: {  	v59 =	vld [tilespmem:$0x390];
	[tilespmem:$0x70] =	vst v57  }
0xe8: {  	[tilespmem:$0x50] =	vst v1;
	v1 =	vld [tilespmem:$0x370]  }
0xe9: {  	[tilespmem:$0x150] =	vst v2;
	v2 =	vld [tilespmem:$0x280]  }
0xea: {  	[tilespmem:$0x60] =	vst v3;
	v3 =	vld [tilespmem:$0x380]  }
0xeb: {  	v60 =	vld [tilespmem:$0x3B0];
	[tilespmem:$0x90] =	vst v58  }
0xec: {  	v61 =	vld [tilespmem:$0x2C0];
	[tilespmem:$0x190] =	vst v59  }
0xed: {  	[tilespmem:$0x170] =	vst v1;
	v1 =	vld [tilespmem:$0x2A0]  }
0xee: {  	[tilespmem:$0x80] =	vst v2;
	v2 =	vld [tilespmem:$0x3A0]  }
0xef: {  	[tilespmem:$0x180] =	vst v3;
	v3 =	vld [tilespmem:$0x2B0]  }
0xf0: {  	v62 =	vld [tilespmem:$0x2E0];
	[tilespmem:$0x1B0] =	vst v60  }
0xf1: {  	v63 =	vld [tilespmem:$0x3E0];
	[tilespmem:$0xC0] =	vst v61  }
0xf2: {  	[tilespmem:$0xA0] =	vst v1;
	v1 =	vld [tilespmem:$0x3C0]  }
0xf3: {  	s0 =	sadd.s32 $0x1, s0;
	[tilespmem:$0x1A0] =	vst v2;
	v2 =	vld [tilespmem:$0x2D0]  }
0xf4: {  	p1 =	sne.s32 s0, $0x2A;
	[tilespmem:$0xB0] =	vst v3;
	v3 =	vld [tilespmem:$0x3D0]  }
.Ltmp1:
0xf5: {  	[tilespmem:$0xE0] =	vst v62;
	(pc) =	sbr.rel @p1 .LBB2_4-.Ltmp1, $4  }
0xf6: {  	[tilespmem:$0x1E0] =	vst v63  }
0xf7: {  	[tilespmem:$0x1C0] =	vst v1  }
0xf8: {  	[tilespmem:$0xD0] =	vst v2  }
0xf9: {  	[tilespmem:$0x1D0] =	vst v3  }
0xfa: {  	_ =	swait.ge [sflag:s26], $0x2800  }
0xfb: {  	[sflag:s26] =	ssyncset.done $0x0  }
0xfc: {  	[sflag:s26] =	ssyncadd.s32 $0xFFFFD800  }
0xfd: {  	_ =	swait.ge [sflag:s28], $0x2800  }
0xfe: {  	[sflag:s28] =	ssyncset.done $0x0  }
0xff: {  	[sflag:s28] =	ssyncadd.s32 $0xFFFFD800  }
0x100: {  	_ =	swait.ge [sflag:s30], $0x2800  }
0x101: {  	[sflag:s30] =	ssyncset.done $0x0  }
0x102: {  	s0 =	rddreg [dreg:$0x17];
	[sflag:s30] =	ssyncadd.s32 $0xFFFFD800  }
0x103: {  	[tilespmem:s3], [sflag:$0x9] =	stream.linear.gather [hbm4b:s0+s3], $0x50, $0x38;
	[tilespmem:$0x1CA00] =	vst v63  }
0x104: {  	_ =	swait.ge [sflag:s9], $0x50  }
0x105: {  	[sflag:s9] =	ssyncset.done $0x0  }
0x106: {  	s23 =	rddreg [dreg:$0x18];
	[sflag:s9] =	ssyncadd.s32 $0xFFFFFFB0  }
0x107: {  	[tilespmem:s18], [sflag:$0x9] =	stream.linear.gather [hbm4b:s23+s3], $0x50, $0x38;
	[tilespmem:$0x1CA00] =	vst v63  }
0x108: {  	_ =	swait.ge [sflag:s9], $0x50  }
0x109: {  	[sflag:s9] =	ssyncset.done $0x0  }
0x10a: {  	[sflag:s9] =	ssyncadd.s32 $0xFFFFFFB0  }
0x10b: {  	[tilespmem:s14], [sflag:$0x1] =	stream.indirect.gather [hbm4b:s4+s13], $0x80, s3, s13, $0xb8;
	[tilespmem:$0x1CA00] =	vst v63  }
0x10c: {  	_ =	swait.ge [sflag:s10], $0x2800  }
0x10d: {  	[sflag:s10] =	ssyncset.done $0x0  }
0x10e: {  	[sflag:s10] =	ssyncadd.s32 $0xFFFFD800  }
0x10f: {  	[spmem:s1] =	stream.indirect.scatter.add.f32 [tilespmem:s14], [sflag:$0x9], $0x80, s18, s13, $0xb8;
	[tilespmem:$0x1CA00] =	vst v63  }
0x110: {  	_ =	swait.ge [sflag:s9], $0x2800  }
0x111: {  	[sflag:s9] =	ssyncset.done $0x0  }
0x112: {  	s2 =	rddreg [dreg:$0x19];
	[sflag:s9] =	ssyncadd.s32 $0xFFFFD800  }
0x113: {  	[tilespmem:s3], [sflag:$0x9] =	stream.linear.gather [hbm4b:s2+s3], $0x50, $0x38;
	[tilespmem:$0x1CA00] =	vst v63  }
0x114: {  	_ =	swait.ge [sflag:s9], $0x50  }
0x115: {  	[sflag:s9] =	ssyncset.done $0x0  }
0x116: {  	s23 =	rddreg [dreg:$0x1a];
	[sflag:s9] =	ssyncadd.s32 $0xFFFFFFB0  }
0x117: {  	[tilespmem:s18], [sflag:$0x9] =	stream.linear.gather [hbm4b:s23+s3], $0x50, $0x38;
	[tilespmem:$0x1CA00] =	vst v63  }
0x118: {  	_ =	swait.ge [sflag:s9], $0x50  }
0x119: {  	[sflag:s9] =	ssyncset.done $0x0  }
0x11a: {  	[sflag:s9] =	ssyncadd.s32 $0xFFFFFFB0  }
0x11b: {  	[tilespmem:s14], [sflag:$0x1] =	stream.indirect.gather [hbm4b:s4+s13], $0x80, s3, s13, $0xb8;
	[tilespmem:$0x1CA00] =	vst v63  }
0x11c: {  	_ =	swait.ge [sflag:s10], $0x2800  }
0x11d: {  	[sflag:s10] =	ssyncset.done $0x0  }
0x11e: {  	[sflag:s10] =	ssyncadd.s32 $0xFFFFD800  }
0x11f: {  	[spmem:s1] =	stream.indirect.scatter.add.f32 [tilespmem:s14], [sflag:$0x9], $0x80, s18, s13, $0xb8;
	[tilespmem:$0x1CA00] =	vst v63  }
0x120: {  	_ =	swait.ge [sflag:s9], $0x2800  }
0x121: {  	[sflag:s9] =	ssyncset.done $0x0  }
0x122: {  	s2 =	stileid.u32;
	[sflag:s9] =	ssyncadd.s32 $0xFFFFD800  }
0x123: {  	s0 =	sshll.u32 s2, $0x6;
	[bflag:$0x0] =	sbarrier.arrive $0xFFFF  }
0x124: {  	s2 =	sshrl.u32 s6, $0x3;
	s0 =	sor.u32 $0x1C09, s0;
	s23 =	rddreg [dreg:$0x11]  }
0x125: {  	[hbm:s23], [sflag:s0] =	dma.local [spmem:s2], $0x2700  }
0x126: {  	_ =	swait.ge [sflag:s9], $0x2700  }
0x127: {  	[sflag:s9] =	ssyncset.done $0x0  }
0x128: {  	s2 =	sshrl.u32 @!p0 s29, $0x3;
	s23 =	rddreg [dreg:$0x13];
	[sflag:s9] =	ssyncadd.s32 $0xFFFFD900  }
0x129: {  	[hbm:s23], [sflag:s0] =	dma.local @!p0 [spmem:s2], $0x100  }
0x12a: {  	s0 =	simm.s32 @!p0 $0x9  }
0x12b: {  	_ =	swait.ge @!p0 [sflag:s0], $0x100  }
0x12c: {  	s31 =	sadd.s32 $0x1, s31;
	s23 =	rddreg [dreg:$0x14]  }
0x12d: {  	p1 =	sne.s32 s31, s23  }
.Ltmp2:
0x12e: {  	_ = 	snop;
	(pc) =	sbr.rel @p1 .LBB2_1-.Ltmp2, $3  }
0x12f: {  	_ =	sdelay $0x1  }
0x130: {  	[sflag:s0] =	ssyncset.done @!p0 $0x0  }
0x131: {  	[sflag:s0] =	ssyncadd.s32 @!p0 $0xFFFFFF00  }
0x132: {  	_ =	sfence.sel $0x180000  }
0x133: {  	[bflag:$0x0] =	sbarrier.arrive $0xFFFF  }
0x134: {  	_ =	strace $0x9000004A  }
0x135: {  	s0 =	stileid.u32;
	[bflag:$0x2] =	sbarrier.arrive $0xFFFF  }
0x136: {  	p0 =	sne.s32 s0, $0x0;
	s0 =	rddreg [dreg:$0x2]  }
0x137: {  	s0 =	sadd.s32 @!p0 $0x100000, s0  }
0x138: {  	[sflag:s0] =	ssyncadd.tile.s32 @!p0 $0x1;
	_ =	shalt  }
.Lfunc_end2:
_tile_overlayer_lowered:
.L_overlay_start_2:
0x139: {  	(tag) =	ssettag $0x2  }
0x13a: {  	s0 =	rddreg [dreg:$0x0];
	s2 =	stileid.u32  }
0x13b: {  	s1 =	rddreg [dreg:$0x1];
	p0 =	sne.s32 s2, $0x0  }
0x13c: {  	s3 =	rddreg [dreg:$0x2];
	[bflag:$0x3] =	sbarrier.arrive $0xFFFF;
	s2 =	simm.s32 @!p0 $0x1C09  }
0x13d: {  	[timem:s3], [sflag:s2] =	dma.local @!p0 [hbm:s0], s1  }
0x13e: {  	s0 =	simm.s32 @!p0 $0x9  }
0x13f: {  	_ =	swait.ge @!p0 [sflag:s0], s1  }
0x140: {  	s1 =	ssub.s32 @!p0 $0x0, s1;
	[sflag:s0] =	ssyncset.done @!p0 $0x0  }
0x141: {  	[sflag:s0] =	ssyncadd.s32 @!p0 s1  }
0x142: {  	[bflag:$0x3] =	sbarrier.arrive $0xFFFF  }
0x143: {  	_ =	shalt  }

</sc_bundles>
